<compile_context>
chip_gen: v7x
topology: tpu7x:2x2x1
jax: 0.10.2.dev20260603
libtpu: 0.0.44.dev20260713+nightly
codegen_flags: <defaults>
</compile_context>

<pallas_src>
import functools

import jax
import jax.numpy as jnp
from jax import lax
from jax.experimental import pallas as pl
from jax.experimental.pallas import tpu as pltpu
from jax.experimental.pallas import tpu_sc as plsc

BATCH = 4096
EMBED_DIM = 64


def _make_sc_gather(B, V, D):
    info = plsc.get_sparse_core_info()
    NC, NS = info.num_cores, info.num_subcores
    NW = NC * NS
    rows_per_w = D // NW
    mesh = plsc.VectorSubcoreMesh(core_axis_name="c", subcore_axis_name="s")

    @functools.partial(
        pl.kernel,
        mesh=mesh,
        out_type=[
            jax.ShapeDtypeStruct((D, B), jnp.float32),
            jax.ShapeDtypeStruct((D, B), jnp.float32),
        ],
        scratch_types=[
            pltpu.VMEM((B,), jnp.int32),
            pltpu.VMEM((B,), jnp.int32),
            pltpu.VMEM((50080,), jnp.float32),
            pltpu.VMEM((50080,), jnp.float32),
            pltpu.VMEM((4, B), jnp.float32),
            pltpu.SemaphoreType.DMA,
        ],
        compiler_params=pltpu.CompilerParams(needs_layout_passes=False),
    )
    def gather_k(uid_hbm, mid_hbm, ut_hbm, mt_hbm, uout_hbm, mout_hbm,
                 uidx_v, midx_v, buf_a, buf_b, orows_v, sem):
        H0 = 49920
        wid = lax.axis_index("s") * NC + lax.axis_index("c")
        pltpu.sync_copy(uid_hbm, uidx_v)
        pltpu.sync_copy(mid_hbm, midx_v)

        tabs = ((uidx_v, ut_hbm, uout_hbm), (midx_v, mt_hbm, mout_hbm))
        tasks = []
        for t, (idx_v, t_hbm, _) in enumerate(tabs):
            for k in range(rows_per_w):
                for h in range(2):
                    tasks.append((idx_v, t_hbm, t * rows_per_w + k, k, h))
        bufs = (buf_a, buf_b)
        descs = [None] * len(tasks)

        def start(i):
            _, t_hbm, _, k, h = tasks[i]
            r = wid + NW * k
            off, ln = (0, H0) if h == 0 else (H0, V - H0)
            descs[i] = pltpu.async_copy(
                t_hbm.at[r, pl.ds(off, ln)],
                bufs[i % 2].at[pl.ds(0, ln)], sem)

        def gather_half(i):
            idx_v, _, slot, _, h = tasks[i]
            buf = bufs[i % 2]

            def body(g, _):
                for j in range(8):
                    sl = pl.ds(g * 128 + j * 16, 16)
                    iv = idx_v[sl]
                    if h == 0:
                        got = plsc.load_gather(buf, [jnp.minimum(iv, H0 - 1)])
                        orows_v[slot, sl] = jnp.where(iv < H0, got, 0.0)
                    else:
                        got = plsc.load_gather(
                            buf, [jnp.maximum(iv - H0, 0)])
                        orows_v[slot, sl] = jnp.where(
                            iv >= H0, got, orows_v[slot, sl])
                return 0
            lax.fori_loop(0, B // 128, body, 0)

        start(0)
        for i in range(len(tasks)):
            if i + 1 < len(tasks):
                start(i + 1)
            descs[i].wait()
            gather_half(i)
        for t, (_, _, o_hbm) in enumerate(tabs):
            for k in range(rows_per_w):
                r = wid + NW * k
                pltpu.sync_copy(orows_v.at[t * rows_per_w + k], o_hbm.at[r])

    return gather_k


def _mlp_t_body(u_ref, m_ref, w1a_ref, w1b_ref, b1_ref, w2_ref, b2_ref,
                w3_ref, b3_ref, o_ref):
    cdim = (((0,), (0,)), ((), ()))
    h1 = lax.dot_general(w1a_ref[...], u_ref[...], cdim,
                         preferred_element_type=jnp.float32)
    h1 += lax.dot_general(w1b_ref[...], m_ref[...], cdim,
                          preferred_element_type=jnp.float32)
    h1 = jnp.maximum(h1 + b1_ref[...], 0.0)
    h2 = lax.dot_general(w2_ref[...], h1, cdim,
                         preferred_element_type=jnp.float32)
    h2 = jnp.maximum(h2 + b2_ref[...], 0.0)
    o_ref[...] = (
        lax.dot_general(w3_ref[...], h2, cdim,
                        preferred_element_type=jnp.float32)
        + b3_ref[...]
    )


def _make_mlp(B, D, BB):
    grid = (B // BB,)
    const = lambda i: (0, 0)
    return pl.pallas_call(
        _mlp_t_body,
        grid=grid,
        in_specs=[
            pl.BlockSpec((D, BB), lambda i: (0, i)),
            pl.BlockSpec((D, BB), lambda i: (0, i)),
            pl.BlockSpec((D, 256), const),
            pl.BlockSpec((D, 256), const),
            pl.BlockSpec((256, 1), const),
            pl.BlockSpec((256, 64), const),
            pl.BlockSpec((64, 1), const),
            pl.BlockSpec((64, 1), const),
            pl.BlockSpec((1, 1), const),
        ],
        out_specs=pl.BlockSpec((1, BB), lambda i: (0, i)),
        out_shape=jax.ShapeDtypeStruct((1, B), jnp.float32),
    )


@jax.jit
def kernel(user_id, movie_id, user_table, movie_table, W1, b1, W2, b2, W3, b3):
    B = user_id.shape[0]
    V, D = user_table.shape
    gather_k = _make_sc_gather(B, V, D)
    u_t, m_t = gather_k(
        user_id.astype(jnp.int32), movie_id.astype(jnp.int32),
        user_table.T, movie_table.T)
    mlp = _make_mlp(B, D, 1024)
    out_t = mlp(
        u_t, m_t,
        W1[:D], W1[D:],
        b1.reshape(256, 1),
        W2, b2.reshape(64, 1),
        W3, b3.reshape(1, 1),
    )
    return out_t.reshape(B, 1)

# --- scband reference (transcript-rebuilt; emitter-appended) ---
"""Pipeline reference for scband-embedding-model-13254269076137 (READ-ONLY COPY).

The authoritative reference and input builder live on the scoring server;
editing this copy changes nothing except your own understanding.
"""

import jax, jax.numpy as jnp
import numpy as np

VOCAB = 100000
EMBED_DIM = 64
BATCH = 4096

def setup_inputs(seed: int = 0) -> dict:
    key = jax.random.key(seed)
    k_uid, k_mid, k_ut, k_mt, k_w1, k_b1, k_w2, k_b2, k_w3, k_b3 = jax.random.split(key, 10)
    user_id = jax.random.randint(k_uid, (BATCH,), 0, VOCAB, dtype=jnp.int64 if jax.config.jax_enable_x64 else jnp.int32)
    movie_id = jax.random.randint(k_mid, (BATCH,), 0, VOCAB, dtype=jnp.int64 if jax.config.jax_enable_x64 else jnp.int32)
    user_table = jax.random.normal(k_ut, (VOCAB, EMBED_DIM), dtype=jnp.float32) * 0.05
    movie_table = jax.random.normal(k_mt, (VOCAB, EMBED_DIM), dtype=jnp.float32) * 0.05
    d_in = 2 * EMBED_DIM
    W1 = jax.random.normal(k_w1, (d_in, 256), dtype=jnp.float32) * (1.0 / np.sqrt(d_in))
    b1 = jnp.zeros((256,), dtype=jnp.float32)
    W2 = jax.random.normal(k_w2, (256, 64), dtype=jnp.float32) * (1.0 / np.sqrt(256))
    b2 = jnp.zeros((64,), dtype=jnp.float32)
    W3 = jax.random.normal(k_w3, (64, 1), dtype=jnp.float32) * (1.0 / np.sqrt(64))
    b3 = jnp.zeros((1,), dtype=jnp.float32)
    return {
        "user_id": user_id,
        "movie_id": movie_id,
        "user_table": user_table,
        "movie_table": movie_table,
        "W1": W1, "b1": b1,
        "W2": W2, "b2": b2,
        "W3": W3, "b3": b3,
    }

def reference(user_id, movie_id, user_table, movie_table, W1, b1, W2, b2, W3, b3):
    # DistributedEmbedding lookup: gather rows per feature
    user_emb = jnp.take(user_table, user_id, axis=0)    # [B, 64]
    movie_emb = jnp.take(movie_table, movie_id, axis=0)  # [B, 64]
    # concat embeddings and run ratings MLP: Dense(256, relu) -> Dense(64, relu) -> Dense(1)
    x = jnp.concatenate([user_emb, movie_emb], axis=1)   # [B, 128]
    h1 = jax.nn.relu(jnp.dot(x, W1) + b1)
    h2 = jax.nn.relu(jnp.dot(h1, W2) + b2)
    out = jnp.dot(h2, W3) + b3                            # [B, 1]
    return out

if __name__ == "__main__":
    import jax
    _d = setup_inputs()
    print(jax.jit(kernel)(*tuple(_d.values())))

</pallas_src>

<mosaic_0001>
#map = affine_map<(d0, d1) -> (0)>
#map1 = affine_map<(d0, d1) -> (0, 0)>
module attributes {stable_mosaic.version = 14 : i64} {
  func.func @gather_k(%arg0: i32, %arg1: i32, %arg2: memref<4096xi32, #tpu.memory_space<hbm>>, %arg3: memref<4096xi32, #tpu.memory_space<hbm>>, %arg4: memref<64x100000xf32, #tpu.memory_space<hbm>>, %arg5: memref<64x100000xf32, #tpu.memory_space<hbm>>, %arg6: memref<64x4096xf32, #tpu.memory_space<hbm>>, %arg7: memref<64x4096xf32, #tpu.memory_space<hbm>>, %arg8: memref<4096xi32, #tpu.memory_space<vmem>>, %arg9: memref<4096xi32, #tpu.memory_space<vmem>>, %arg10: memref<50080xf32, #tpu.memory_space<vmem>>, %arg11: memref<50080xf32, #tpu.memory_space<vmem>>, %arg12: memref<4x4096xf32, #tpu.memory_space<vmem>>, %arg13: memref<!tpu.dma_semaphore, #tpu.memory_space<semaphore_mem>>) attributes {dimension_semantics = [#tpu.dimension_semantics<core_parallel>, #tpu.dimension_semantics<subcore_parallel>], iteration_bounds = array<i64: 2, 16>, scalar_prefetch = 0 : i64, scratch_operands = 6 : i64, tpu.core_type = #tpu.core_type<sc_vector_subcore>, window_params = [{transform_indices = #map}, {transform_indices = #map}, {transform_indices = #map1}, {transform_indices = #map1}, {transform_indices = #map1}, {transform_indices = #map1}]} {
    %mul3A = arith.constant 2 : i32
    %mul3A_0 = arith.muli %arg1, %mul3A : i32
    %add3A = arith.addi %mul3A_0, %arg0 : i32
    "tpu.region"() ({
      %run_scoped3A_241 = tpu.sem_alloc : memref<!tpu.dma_semaphore, #tpu.memory_space<semaphore_mem>>
      tpu.enqueue_dma source(%arg2 : memref<4096xi32, #tpu.memory_space<hbm>>) target(%arg8 : memref<4096xi32, #tpu.memory_space<vmem>>) target_semaphore(%run_scoped3A_241 : memref<!tpu.dma_semaphore, #tpu.memory_space<semaphore_mem>>)
      tpu.wait_dma2 semaphore(%run_scoped3A_241 : memref<!tpu.dma_semaphore, #tpu.memory_space<semaphore_mem>>) src(%arg2 : memref<4096xi32, #tpu.memory_space<hbm>>) dst(%arg8 : memref<4096xi32, #tpu.memory_space<vmem>>)
      tpu.yield
    }) : () -> ()
    "tpu.region"() ({
      %run_scoped3A_241 = tpu.sem_alloc : memref<!tpu.dma_semaphore, #tpu.memory_space<semaphore_mem>>
      tpu.enqueue_dma source(%arg3 : memref<4096xi32, #tpu.memory_space<hbm>>) target(%arg9 : memref<4096xi32, #tpu.memory_space<vmem>>) target_semaphore(%run_scoped3A_241 : memref<!tpu.dma_semaphore, #tpu.memory_space<semaphore_mem>>)
      tpu.wait_dma2 semaphore(%run_scoped3A_241 : memref<!tpu.dma_semaphore, #tpu.memory_space<semaphore_mem>>) src(%arg3 : memref<4096xi32, #tpu.memory_space<hbm>>) dst(%arg9 : memref<4096xi32, #tpu.memory_space<vmem>>)
      tpu.yield
    }) : () -> ()
    %add3A_1 = arith.constant 0 : i32
    %add3A_2 = arith.addi %add3A, %add3A_1 : i32
    %dma_start3A = arith.constant 0 : i32
    %dma_start3A_3 = tpu.memref_slice %arg10[%dma_start3A] : memref<50080xf32, #tpu.memory_space<vmem>> -> memref<49920xf32, #tpu.memory_space<vmem>>
    %dma_start3A_4 = arith.constant 0 : i32
    %dma_start3A_5 = tpu.memref_slice %arg4[%add3A_2, %dma_start3A_4] : memref<64x100000xf32, #tpu.memory_space<hbm>> -> memref<1x49920xf32, #tpu.memory_space<hbm>>
    %dma_start3A_6 = tpu.memref_squeeze %dma_start3A_5 : memref<1x49920xf32, #tpu.memory_space<hbm>> -> memref<49920xf32, #tpu.memory_space<hbm>>
    %dma_start3A_7 = arith.constant 0 : i32
    %dma_start3A_8 = tpu.memref_slice %arg10[%dma_start3A_7] : memref<50080xf32, #tpu.memory_space<vmem>> -> memref<49920xf32, #tpu.memory_space<vmem>>
    %dma_start3A_9 = arith.constant 0 : i32
    %dma_start3A_10 = tpu.memref_slice %arg4[%add3A_2, %dma_start3A_9] : memref<64x100000xf32, #tpu.memory_space<hbm>> -> memref<1x49920xf32, #tpu.memory_space<hbm>>
    %dma_start3A_11 = tpu.memref_squeeze %dma_start3A_10 : memref<1x49920xf32, #tpu.memory_space<hbm>> -> memref<49920xf32, #tpu.memory_space<hbm>>
    tpu.enqueue_dma source(%dma_start3A_11 : memref<49920xf32, #tpu.memory_space<hbm>>) target(%dma_start3A_8 : memref<49920xf32, #tpu.memory_space<vmem>>) target_semaphore(%arg13 : memref<!tpu.dma_semaphore, #tpu.memory_space<semaphore_mem>>)
    %add3A_12 = arith.constant 0 : i32
    %add3A_13 = arith.addi %add3A, %add3A_12 : i32
    %dma_start3A_14 = arith.constant 0 : i32
    %dma_start3A_15 = tpu.memref_slice %arg11[%dma_start3A_14] : memref<50080xf32, #tpu.memory_space<vmem>> -> memref<50080xf32, #tpu.memory_space<vmem>>
    %dma_start3A_16 = arith.constant 49920 : i32
    %dma_start3A_17 = tpu.memref_slice %arg4[%add3A_13, %dma_start3A_16] : memref<64x100000xf32, #tpu.memory_space<hbm>> -> memref<1x50080xf32, #tpu.memory_space<hbm>>
    %dma_start3A_18 = tpu.memref_squeeze %dma_start3A_17 : memref<1x50080xf32, #tpu.memory_space<hbm>> -> memref<50080xf32, #tpu.memory_space<hbm>>
    %dma_start3A_19 = arith.constant 0 : i32
    %dma_start3A_20 = tpu.memref_slice %arg11[%dma_start3A_19] : memref<50080xf32, #tpu.memory_space<vmem>> -> memref<50080xf32, #tpu.memory_space<vmem>>
    %dma_start3A_21 = arith.constant 49920 : i32
    %dma_start3A_22 = tpu.memref_slice %arg4[%add3A_13, %dma_start3A_21] : memref<64x100000xf32, #tpu.memory_space<hbm>> -> memref<1x50080xf32, #tpu.memory_space<hbm>>
    %dma_start3A_23 = tpu.memref_squeeze %dma_start3A_22 : memref<1x50080xf32, #tpu.memory_space<hbm>> -> memref<50080xf32, #tpu.memory_space<hbm>>
    tpu.enqueue_dma source(%dma_start3A_23 : memref<50080xf32, #tpu.memory_space<hbm>>) target(%dma_start3A_20 : memref<50080xf32, #tpu.memory_space<vmem>>) target_semaphore(%arg13 : memref<!tpu.dma_semaphore, #tpu.memory_space<semaphore_mem>>)
    %dma_wait3A = arith.constant 0 : i32
    %dma_wait3A_24 = tpu.memref_slice %arg10[%dma_wait3A] : memref<50080xf32, #tpu.memory_space<vmem>> -> memref<49920xf32, #tpu.memory_space<vmem>>
    %dma_wait3A_25 = arith.constant 0 : i32
    %dma_wait3A_26 = tpu.memref_slice %arg4[%add3A_2, %dma_wait3A_25] : memref<64x100000xf32, #tpu.memory_space<hbm>> -> memref<1x49920xf32, #tpu.memory_space<hbm>>
    %dma_wait3A_27 = tpu.memref_squeeze %dma_wait3A_26 : memref<1x49920xf32, #tpu.memory_space<hbm>> -> memref<49920xf32, #tpu.memory_space<hbm>>
    %dma_wait3A_28 = arith.constant 0 : i32
    %dma_wait3A_29 = tpu.memref_slice %arg10[%dma_wait3A_28] : memref<50080xf32, #tpu.memory_space<vmem>> -> memref<49920xf32, #tpu.memory_space<vmem>>
    %dma_wait3A_30 = arith.constant 0 : i32
    %dma_wait3A_31 = tpu.memref_slice %arg4[%add3A_2, %dma_wait3A_30] : memref<64x100000xf32, #tpu.memory_space<hbm>> -> memref<1x49920xf32, #tpu.memory_space<hbm>>
    %dma_wait3A_32 = tpu.memref_squeeze %dma_wait3A_31 : memref<1x49920xf32, #tpu.memory_space<hbm>> -> memref<49920xf32, #tpu.memory_space<hbm>>
    tpu.wait_dma2 semaphore(%arg13 : memref<!tpu.dma_semaphore, #tpu.memory_space<semaphore_mem>>) src(%dma_wait3A_32 : memref<49920xf32, #tpu.memory_space<hbm>>) dst(%dma_wait3A_29 : memref<49920xf32, #tpu.memory_space<vmem>>)
    %scan3A = arith.constant 0 : i32
    %scan3A_33 = arith.constant 0 : i32
    %scan3A_34 = arith.constant 32 : i32
    %scan3A_35 = arith.addi %scan3A_33, %scan3A_34 : i32
    %scan3A_36 = arith.constant 1 : i32
    %scan3A_37 = scf.for %scan3A_241 = %scan3A_33 to %scan3A_35 step %scan3A_36 iter_args(%scan3A_242 = %scan3A) -> (i32)  : i32 {
      %mul3A_243 = arith.constant 128 : i32
      %mul3A_244 = arith.muli %scan3A_241, %mul3A_243 : i32
      %add3A_245 = arith.constant 0 : i32
      %add3A_246 = arith.addi %mul3A_244, %add3A_245 : i32
      %get3A = arith.index_cast %add3A_246 : i32 to index
      %get3A_247 = tpu.vector_load %arg8[%get3A] {strides = array<i32>} : memref<4096xi32, #tpu.memory_space<vmem>>, vector<16xi32>,
      %min3A = arith.constant 49919 : i32
      %min3A_248 = vector.broadcast %min3A : i32 to vector<16xi32>
      %min3A_249 = arith.minsi %get3A_247, %min3A_248 : vector<16xi32>
      %gather3A = tpu.vector_load_idx %arg10[%min3A_249] : memref<50080xf32, #tpu.memory_space<vmem>>[vector<16xi32>], vector<16xf32>,
      %lt3A = arith.constant 49920 : i32
      %lt3A_250 = vector.broadcast %lt3A : i32 to vector<16xi32>
      %lt3A_251 = arith.cmpi slt, %get3A_247, %lt3A_250 : vector<16xi32>
      %jit3A = arith.constant 0.000000e+00 : f32
      %broadcast_in_dim3A = vector.broadcast %jit3A : f32 to vector<16xf32>
      %select_n3A = arith.select %lt3A_251, %gather3A, %broadcast_in_dim3A : vector<16xi1>, vector<16xf32>
      %swap3A = arith.constant 0 : i32
      %swap3A_252 = arith.index_cast %swap3A : i32 to index
      %swap3A_253 = arith.index_cast %add3A_246 : i32 to index
      %swap3A_254 = tpu.vector_load %arg12[%swap3A_252, %swap3A_253] {strides = array<i32>} : memref<4x4096xf32, #tpu.memory_space<vmem>>, vector<16xf32>,
      tpu.vector_store %arg12[%swap3A_252, %swap3A_253], %select_n3A {strides = array<i32>} : memref<4x4096xf32, #tpu.memory_space<vmem>>, vector<16xf32>,
      %mul3A_255 = arith.constant 128 : i32
      %mul3A_256 = arith.muli %scan3A_241, %mul3A_255 : i32
      %add3A_257 = arith.constant 16 : i32
      %add3A_258 = arith.addi %mul3A_256, %add3A_257 : i32
      %get3A_259 = arith.index_cast %add3A_258 : i32 to index
      %get3A_260 = tpu.vector_load %arg8[%get3A_259] {strides = array<i32>} : memref<4096xi32, #tpu.memory_space<vmem>>, vector<16xi32>,
      %min3A_261 = arith.constant 49919 : i32
      %min3A_262 = vector.broadcast %min3A_261 : i32 to vector<16xi32>
      %min3A_263 = arith.minsi %get3A_260, %min3A_262 : vector<16xi32>
      %gather3A_264 = tpu.vector_load_idx %arg10[%min3A_263] : memref<50080xf32, #tpu.memory_space<vmem>>[vector<16xi32>], vector<16xf32>,
      %lt3A_265 = arith.constant 49920 : i32
      %lt3A_266 = vector.broadcast %lt3A_265 : i32 to vector<16xi32>
      %lt3A_267 = arith.cmpi slt, %get3A_260, %lt3A_266 : vector<16xi32>
      %jit3A_268 = arith.constant 0.000000e+00 : f32
      %broadcast_in_dim3A_269 = vector.broadcast %jit3A_268 : f32 to vector<16xf32>
      %select_n3A_270 = arith.select %lt3A_267, %gather3A_264, %broadcast_in_dim3A_269 : vector<16xi1>, vector<16xf32>
      %swap3A_271 = arith.constant 0 : i32
      %swap3A_272 = arith.index_cast %swap3A_271 : i32 to index
      %swap3A_273 = arith.index_cast %add3A_258 : i32 to index
      %swap3A_274 = tpu.vector_load %arg12[%swap3A_272, %swap3A_273] {strides = array<i32>} : memref<4x4096xf32, #tpu.memory_space<vmem>>, vector<16xf32>,
      tpu.vector_store %arg12[%swap3A_272, %swap3A_273], %select_n3A_270 {strides = array<i32>} : memref<4x4096xf32, #tpu.memory_space<vmem>>, vector<16xf32>,
      %mul3A_275 = arith.constant 128 : i32
      %mul3A_276 = arith.muli %scan3A_241, %mul3A_275 : i32
      %add3A_277 = arith.constant 32 : i32
      %add3A_278 = arith.addi %mul3A_276, %add3A_277 : i32
      %get3A_279 = arith.index_cast %add3A_278 : i32 to index
      %get3A_280 = tpu.vector_load %arg8[%get3A_279] {strides = array<i32>} : memref<4096xi32, #tpu.memory_space<vmem>>, vector<16xi32>,
      %min3A_281 = arith.constant 49919 : i32
      %min3A_282 = vector.broadcast %min3A_281 : i32 to vector<16xi32>
      %min3A_283 = arith.minsi %get3A_280, %min3A_282 : vector<16xi32>
      %gather3A_284 = tpu.vector_load_idx %arg10[%min3A_283] : memref<50080xf32, #tpu.memory_space<vmem>>[vector<16xi32>], vector<16xf32>,
      %lt3A_285 = arith.constant 49920 : i32
      %lt3A_286 = vector.broadcast %lt3A_285 : i32 to vector<16xi32>
      %lt3A_287 = arith.cmpi slt, %get3A_280, %lt3A_286 : vector<16xi32>
      %jit3A_288 = arith.constant 0.000000e+00 : f32
      %broadcast_in_dim3A_289 = vector.broadcast %jit3A_288 : f32 to vector<16xf32>
      %select_n3A_290 = arith.select %lt3A_287, %gather3A_284, %broadcast_in_dim3A_289 : vector<16xi1>, vector<16xf32>
      %swap3A_291 = arith.constant 0 : i32
      %swap3A_292 = arith.index_cast %swap3A_291 : i32 to index
      %swap3A_293 = arith.index_cast %add3A_278 : i32 to index
      %swap3A_294 = tpu.vector_load %arg12[%swap3A_292, %swap3A_293] {strides = array<i32>} : memref<4x4096xf32, #tpu.memory_space<vmem>>, vector<16xf32>,
      tpu.vector_store %arg12[%swap3A_292, %swap3A_293], %select_n3A_290 {strides = array<i32>} : memref<4x4096xf32, #tpu.memory_space<vmem>>, vector<16xf32>,
      %mul3A_295 = arith.constant 128 : i32
      %mul3A_296 = arith.muli %scan3A_241, %mul3A_295 : i32
      %add3A_297 = arith.constant 48 : i32
      %add3A_298 = arith.addi %mul3A_296, %add3A_297 : i32
      %get3A_299 = arith.index_cast %add3A_298 : i32 to index
      %get3A_300 = tpu.vector_load %arg8[%get3A_299] {strides = array<i32>} : memref<4096xi32, #tpu.memory_space<vmem>>, vector<16xi32>,
      %min3A_301 = arith.constant 49919 : i32
      %min3A_302 = vector.broadcast %min3A_301 : i32 to vector<16xi32>
      %min3A_303 = arith.minsi %get3A_300, %min3A_302 : vector<16xi32>
      %gather3A_304 = tpu.vector_load_idx %arg10[%min3A_303] : memref<50080xf32, #tpu.memory_space<vmem>>[vector<16xi32>], vector<16xf32>,
      %lt3A_305 = arith.constant 49920 : i32
      %lt3A_306 = vector.broadcast %lt3A_305 : i32 to vector<16xi32>
      %lt3A_307 = arith.cmpi slt, %get3A_300, %lt3A_306 : vector<16xi32>
      %jit3A_308 = arith.constant 0.000000e+00 : f32
      %broadcast_in_dim3A_309 = vector.broadcast %jit3A_308 : f32 to vector<16xf32>
      %select_n3A_310 = arith.select %lt3A_307, %gather3A_304, %broadcast_in_dim3A_309 : vector<16xi1>, vector<16xf32>
      %swap3A_311 = arith.constant 0 : i32
      %swap3A_312 = arith.index_cast %swap3A_311 : i32 to index
      %swap3A_313 = arith.index_cast %add3A_298 : i32 to index
      %swap3A_314 = tpu.vector_load %arg12[%swap3A_312, %swap3A_313] {strides = array<i32>} : memref<4x4096xf32, #tpu.memory_space<vmem>>, vector<16xf32>,
      tpu.vector_store %arg12[%swap3A_312, %swap3A_313], %select_n3A_310 {strides = array<i32>} : memref<4x4096xf32, #tpu.memory_space<vmem>>, vector<16xf32>,
      %mul3A_315 = arith.constant 128 : i32
      %mul3A_316 = arith.muli %scan3A_241, %mul3A_315 : i32
      %add3A_317 = arith.constant 64 : i32
      %add3A_318 = arith.addi %mul3A_316, %add3A_317 : i32
      %get3A_319 = arith.index_cast %add3A_318 : i32 to index
      %get3A_320 = tpu.vector_load %arg8[%get3A_319] {strides = array<i32>} : memref<4096xi32, #tpu.memory_space<vmem>>, vector<16xi32>,
      %min3A_321 = arith.constant 49919 : i32
      %min3A_322 = vector.broadcast %min3A_321 : i32 to vector<16xi32>
      %min3A_323 = arith.minsi %get3A_320, %min3A_322 : vector<16xi32>
      %gather3A_324 = tpu.vector_load_idx %arg10[%min3A_323] : memref<50080xf32, #tpu.memory_space<vmem>>[vector<16xi32>], vector<16xf32>,
      %lt3A_325 = arith.constant 49920 : i32
      %lt3A_326 = vector.broadcast %lt3A_325 : i32 to vector<16xi32>
      %lt3A_327 = arith.cmpi slt, %get3A_320, %lt3A_326 : vector<16xi32>
      %jit3A_328 = arith.constant 0.000000e+00 : f32
      %broadcast_in_dim3A_329 = vector.broadcast %jit3A_328 : f32 to vector<16xf32>
      %select_n3A_330 = arith.select %lt3A_327, %gather3A_324, %broadcast_in_dim3A_329 : vector<16xi1>, vector<16xf32>
      %swap3A_331 = arith.constant 0 : i32
      %swap3A_332 = arith.index_cast %swap3A_331 : i32 to index
      %swap3A_333 = arith.index_cast %add3A_318 : i32 to index
      %swap3A_334 = tpu.vector_load %arg12[%swap3A_332, %swap3A_333] {strides = array<i32>} : memref<4x4096xf32, #tpu.memory_space<vmem>>, vector<16xf32>,
      tpu.vector_store %arg12[%swap3A_332, %swap3A_333], %select_n3A_330 {strides = array<i32>} : memref<4x4096xf32, #tpu.memory_space<vmem>>, vector<16xf32>,
      %mul3A_335 = arith.constant 128 : i32
      %mul3A_336 = arith.muli %scan3A_241, %mul3A_335 : i32
      %add3A_337 = arith.constant 80 : i32
      %add3A_338 = arith.addi %mul3A_336, %add3A_337 : i32
      %get3A_339 = arith.index_cast %add3A_338 : i32 to index
      %get3A_340 = tpu.vector_load %arg8[%get3A_339] {strides = array<i32>} : memref<4096xi32, #tpu.memory_space<vmem>>, vector<16xi32>,
      %min3A_341 = arith.constant 49919 : i32
      %min3A_342 = vector.broadcast %min3A_341 : i32 to vector<16xi32>
      %min3A_343 = arith.minsi %get3A_340, %min3A_342 : vector<16xi32>
      %gather3A_344 = tpu.vector_load_idx %arg10[%min3A_343] : memref<50080xf32, #tpu.memory_space<vmem>>[vector<16xi32>], vector<16xf32>,
      %lt3A_345 = arith.constant 49920 : i32
      %lt3A_346 = vector.broadcast %lt3A_345 : i32 to vector<16xi32>
      %lt3A_347 = arith.cmpi slt, %get3A_340, %lt3A_346 : vector<16xi32>
      %jit3A_348 = arith.constant 0.000000e+00 : f32
      %broadcast_in_dim3A_349 = vector.broadcast %jit3A_348 : f32 to vector<16xf32>
      %select_n3A_350 = arith.select %lt3A_347, %gather3A_344, %broadcast_in_dim3A_349 : vector<16xi1>, vector<16xf32>
      %swap3A_351 = arith.constant 0 : i32
      %swap3A_352 = arith.index_cast %swap3A_351 : i32 to index
      %swap3A_353 = arith.index_cast %add3A_338 : i32 to index
      %swap3A_354 = tpu.vector_load %arg12[%swap3A_352, %swap3A_353] {strides = array<i32>} : memref<4x4096xf32, #tpu.memory_space<vmem>>, vector<16xf32>,
      tpu.vector_store %arg12[%swap3A_352, %swap3A_353], %select_n3A_350 {strides = array<i32>} : memref<4x4096xf32, #tpu.memory_space<vmem>>, vector<16xf32>,
      %mul3A_355 = arith.constant 128 : i32
      %mul3A_356 = arith.muli %scan3A_241, %mul3A_355 : i32
      %add3A_357 = arith.constant 96 : i32
      %add3A_358 = arith.addi %mul3A_356, %add3A_357 : i32
      %get3A_359 = arith.index_cast %add3A_358 : i32 to index
      %get3A_360 = tpu.vector_load %arg8[%get3A_359] {strides = array<i32>} : memref<4096xi32, #tpu.memory_space<vmem>>, vector<16xi32>,
      %min3A_361 = arith.constant 49919 : i32
      %min3A_362 = vector.broadcast %min3A_361 : i32 to vector<16xi32>
      %min3A_363 = arith.minsi %get3A_360, %min3A_362 : vector<16xi32>
      %gather3A_364 = tpu.vector_load_idx %arg10[%min3A_363] : memref<50080xf32, #tpu.memory_space<vmem>>[vector<16xi32>], vector<16xf32>,
      %lt3A_365 = arith.constant 49920 : i32
      %lt3A_366 = vector.broadcast %lt3A_365 : i32 to vector<16xi32>
      %lt3A_367 = arith.cmpi slt, %get3A_360, %lt3A_366 : vector<16xi32>
      %jit3A_368 = arith.constant 0.000000e+00 : f32
      %broadcast_in_dim3A_369 = vector.broadcast %jit3A_368 : f32 to vector<16xf32>
      %select_n3A_370 = arith.select %lt3A_367, %gather3A_364, %broadcast_in_dim3A_369 : vector<16xi1>, vector<16xf32>
      %swap3A_371 = arith.constant 0 : i32
      %swap3A_372 = arith.index_cast %swap3A_371 : i32 to index
      %swap3A_373 = arith.index_cast %add3A_358 : i32 to index
      %swap3A_374 = tpu.vector_load %arg12[%swap3A_372, %swap3A_373] {strides = array<i32>} : memref<4x4096xf32, #tpu.memory_space<vmem>>, vector<16xf32>,
      tpu.vector_store %arg12[%swap3A_372, %swap3A_373], %select_n3A_370 {strides = array<i32>} : memref<4x4096xf32, #tpu.memory_space<vmem>>, vector<16xf32>,
      %mul3A_375 = arith.constant 128 : i32
      %mul3A_376 = arith.muli %scan3A_241, %mul3A_375 : i32
      %add3A_377 = arith.constant 112 : i32
      %add3A_378 = arith.addi %mul3A_376, %add3A_377 : i32
      %get3A_379 = arith.index_cast %add3A_378 : i32 to index
      %get3A_380 = tpu.vector_load %arg8[%get3A_379] {strides = array<i32>} : memref<4096xi32, #tpu.memory_space<vmem>>, vector<16xi32>,
      %min3A_381 = arith.constant 49919 : i32
      %min3A_382 = vector.broadcast %min3A_381 : i32 to vector<16xi32>
      %min3A_383 = arith.minsi %get3A_380, %min3A_382 : vector<16xi32>
      %gather3A_384 = tpu.vector_load_idx %arg10[%min3A_383] : memref<50080xf32, #tpu.memory_space<vmem>>[vector<16xi32>], vector<16xf32>,
      %lt3A_385 = arith.constant 49920 : i32
      %lt3A_386 = vector.broadcast %lt3A_385 : i32 to vector<16xi32>
      %lt3A_387 = arith.cmpi slt, %get3A_380, %lt3A_386 : vector<16xi32>
      %jit3A_388 = arith.constant 0.000000e+00 : f32
      %broadcast_in_dim3A_389 = vector.broadcast %jit3A_388 : f32 to vector<16xf32>
      %select_n3A_390 = arith.select %lt3A_387, %gather3A_384, %broadcast_in_dim3A_389 : vector<16xi1>, vector<16xf32>
      %swap3A_391 = arith.constant 0 : i32
      %swap3A_392 = arith.index_cast %swap3A_391 : i32 to index
      %swap3A_393 = arith.index_cast %add3A_378 : i32 to index
      %swap3A_394 = tpu.vector_load %arg12[%swap3A_392, %swap3A_393] {strides = array<i32>} : memref<4x4096xf32, #tpu.memory_space<vmem>>, vector<16xf32>,
      tpu.vector_store %arg12[%swap3A_392, %swap3A_393], %select_n3A_390 {strides = array<i32>} : memref<4x4096xf32, #tpu.memory_space<vmem>>, vector<16xf32>,
      %scan3A_395 = arith.constant 0 : i32
      scf.yield %scan3A_395 : i32
    }
    %scan3A_38 = arith.constant 32 : i32
    %add3A_39 = arith.constant 32 : i32
    %add3A_40 = arith.addi %add3A, %add3A_39 : i32
    %dma_start3A_41 = arith.constant 0 : i32
    %dma_start3A_42 = tpu.memref_slice %arg10[%dma_start3A_41] : memref<50080xf32, #tpu.memory_space<vmem>> -> memref<49920xf32, #tpu.memory_space<vmem>>
    %dma_start3A_43 = arith.constant 0 : i32
    %dma_start3A_44 = tpu.memref_slice %arg4[%add3A_40, %dma_start3A_43] : memref<64x100000xf32, #tpu.memory_space<hbm>> -> memref<1x49920xf32, #tpu.memory_space<hbm>>
    %dma_start3A_45 = tpu.memref_squeeze %dma_start3A_44 : memref<1x49920xf32, #tpu.memory_space<hbm>> -> memref<49920xf32, #tpu.memory_space<hbm>>
    %dma_start3A_46 = arith.constant 0 : i32
    %dma_start3A_47 = tpu.memref_slice %arg10[%dma_start3A_46] : memref<50080xf32, #tpu.memory_space<vmem>> -> memref<49920xf32, #tpu.memory_space<vmem>>
    %dma_start3A_48 = arith.constant 0 : i32
    %dma_start3A_49 = tpu.memref_slice %arg4[%add3A_40, %dma_start3A_48] : memref<64x100000xf32, #tpu.memory_space<hbm>> -> memref<1x49920xf32, #tpu.memory_space<hbm>>
    %dma_start3A_50 = tpu.memref_squeeze %dma_start3A_49 : memref<1x49920xf32, #tpu.memory_space<hbm>> -> memref<49920xf32, #tpu.memory_space<hbm>>
    tpu.enqueue_dma source(%dma_start3A_50 : memref<49920xf32, #tpu.memory_space<hbm>>) target(%dma_start3A_47 : memref<49920xf32, #tpu.memory_space<vmem>>) target_semaphore(%arg13 : memref<!tpu.dma_semaphore, #tpu.memory_space<semaphore_mem>>)
    %dma_wait3A_51 = arith.constant 0 : i32
    %dma_wait3A_52 = tpu.memref_slice %arg11[%dma_wait3A_51] : memref<50080xf32, #tpu.memory_space<vmem>> -> memref<50080xf32, #tpu.memory_space<vmem>>
    %dma_wait3A_53 = arith.constant 49920 : i32
    %dma_wait3A_54 = tpu.memref_slice %arg4[%add3A_13, %dma_wait3A_53] : memref<64x100000xf32, #tpu.memory_space<hbm>> -> memref<1x50080xf32, #tpu.memory_space<hbm>>
    %dma_wait3A_55 = tpu.memref_squeeze %dma_wait3A_54 : memref<1x50080xf32, #tpu.memory_space<hbm>> -> memref<50080xf32, #tpu.memory_space<hbm>>
    %dma_wait3A_56 = arith.constant 0 : i32
    %dma_wait3A_57 = tpu.memref_slice %arg11[%dma_wait3A_56] : memref<50080xf32, #tpu.memory_space<vmem>> -> memref<50080xf32, #tpu.memory_space<vmem>>
    %dma_wait3A_58 = arith.constant 49920 : i32
    %dma_wait3A_59 = tpu.memref_slice %arg4[%add3A_13, %dma_wait3A_58] : memref<64x100000xf32, #tpu.memory_space<hbm>> -> memref<1x50080xf32, #tpu.memory_space<hbm>>
    %dma_wait3A_60 = tpu.memref_squeeze %dma_wait3A_59 : memref<1x50080xf32, #tpu.memory_space<hbm>> -> memref<50080xf32, #tpu.memory_space<hbm>>
    tpu.wait_dma2 semaphore(%arg13 : memref<!tpu.dma_semaphore, #tpu.memory_space<semaphore_mem>>) src(%dma_wait3A_60 : memref<50080xf32, #tpu.memory_space<hbm>>) dst(%dma_wait3A_57 : memref<50080xf32, #tpu.memory_space<vmem>>)
    %scan3A_61 = arith.constant 0 : i32
    %scan3A_62 = arith.constant 0 : i32
    %scan3A_63 = arith.constant 32 : i32
    %scan3A_64 = arith.addi %scan3A_62, %scan3A_63 : i32
    %scan3A_65 = arith.constant 1 : i32
    %scan3A_66 = scf.for %scan3A_241 = %scan3A_62 to %scan3A_64 step %scan3A_65 iter_args(%scan3A_242 = %scan3A_61) -> (i32)  : i32 {
      %mul3A_243 = arith.constant 128 : i32
      %mul3A_244 = arith.muli %scan3A_241, %mul3A_243 : i32
      %add3A_245 = arith.constant 0 : i32
      %add3A_246 = arith.addi %mul3A_244, %add3A_245 : i32
      %get3A = arith.index_cast %add3A_246 : i32 to index
      %get3A_247 = tpu.vector_load %arg8[%get3A] {strides = array<i32>} : memref<4096xi32, #tpu.memory_space<vmem>>, vector<16xi32>,
      %sub3A = arith.constant 49920 : i32
      %sub3A_248 = vector.broadcast %sub3A : i32 to vector<16xi32>
      %sub3A_249 = arith.subi %get3A_247, %sub3A_248 : vector<16xi32>
      %max3A = arith.constant 0 : i32
      %max3A_250 = vector.broadcast %max3A : i32 to vector<16xi32>
      %max3A_251 = arith.maxsi %sub3A_249, %max3A_250 : vector<16xi32>
      %gather3A = tpu.vector_load_idx %arg11[%max3A_251] : memref<50080xf32, #tpu.memory_space<vmem>>[vector<16xi32>], vector<16xf32>,
      %ge3A = arith.constant 49920 : i32
      %ge3A_252 = vector.broadcast %ge3A : i32 to vector<16xi32>
      %ge3A_253 = arith.cmpi sge, %get3A_247, %ge3A_252 : vector<16xi32>
      %get3A_254 = arith.constant 0 : i32
      %get3A_255 = arith.index_cast %get3A_254 : i32 to index
      %get3A_256 = arith.index_cast %add3A_246 : i32 to index
      %get3A_257 = tpu.vector_load %arg12[%get3A_255, %get3A_256] {strides = array<i32>} : memref<4x4096xf32, #tpu.memory_space<vmem>>, vector<16xf32>,
      %select_n3A = arith.select %ge3A_253, %gather3A, %get3A_257 : vector<16xi1>, vector<16xf32>
      %swap3A = arith.constant 0 : i32
      %swap3A_258 = arith.index_cast %swap3A : i32 to index
      %swap3A_259 = arith.index_cast %add3A_246 : i32 to index
      %swap3A_260 = tpu.vector_load %arg12[%swap3A_258, %swap3A_259] {strides = array<i32>} : memref<4x4096xf32, #tpu.memory_space<vmem>>, vector<16xf32>,
      tpu.vector_store %arg12[%swap3A_258, %swap3A_259], %select_n3A {strides = array<i32>} : memref<4x4096xf32, #tpu.memory_space<vmem>>, vector<16xf32>,
      %mul3A_261 = arith.constant 128 : i32
      %mul3A_262 = arith.muli %scan3A_241, %mul3A_261 : i32
      %add3A_263 = arith.constant 16 : i32
      %add3A_264 = arith.addi %mul3A_262, %add3A_263 : i32
      %get3A_265 = arith.index_cast %add3A_264 : i32 to index
      %get3A_266 = tpu.vector_load %arg8[%get3A_265] {strides = array<i32>} : memref<4096xi32, #tpu.memory_space<vmem>>, vector<16xi32>,
      %sub3A_267 = arith.constant 49920 : i32
      %sub3A_268 = vector.broadcast %sub3A_267 : i32 to vector<16xi32>
      %sub3A_269 = arith.subi %get3A_266, %sub3A_268 : vector<16xi32>
      %max3A_270 = arith.constant 0 : i32
      %max3A_271 = vector.broadcast %max3A_270 : i32 to vector<16xi32>
      %max3A_272 = arith.maxsi %sub3A_269, %max3A_271 : vector<16xi32>
      %gather3A_273 = tpu.vector_load_idx %arg11[%max3A_272] : memref<50080xf32, #tpu.memory_space<vmem>>[vector<16xi32>], vector<16xf32>,
      %ge3A_274 = arith.constant 49920 : i32
      %ge3A_275 = vector.broadcast %ge3A_274 : i32 to vector<16xi32>
      %ge3A_276 = arith.cmpi sge, %get3A_266, %ge3A_275 : vector<16xi32>
      %get3A_277 = arith.constant 0 : i32
      %get3A_278 = arith.index_cast %get3A_277 : i32 to index
      %get3A_279 = arith.index_cast %add3A_264 : i32 to index
      %get3A_280 = tpu.vector_load %arg12[%get3A_278, %get3A_279] {strides = array<i32>} : memref<4x4096xf32, #tpu.memory_space<vmem>>, vector<16xf32>,
      %select_n3A_281 = arith.select %ge3A_276, %gather3A_273, %get3A_280 : vector<16xi1>, vector<16xf32>
      %swap3A_282 = arith.constant 0 : i32
      %swap3A_283 = arith.index_cast %swap3A_282 : i32 to index
      %swap3A_284 = arith.index_cast %add3A_264 : i32 to index
      %swap3A_285 = tpu.vector_load %arg12[%swap3A_283, %swap3A_284] {strides = array<i32>} : memref<4x4096xf32, #tpu.memory_space<vmem>>, vector<16xf32>,
      tpu.vector_store %arg12[%swap3A_283, %swap3A_284], %select_n3A_281 {strides = array<i32>} : memref<4x4096xf32, #tpu.memory_space<vmem>>, vector<16xf32>,
      %mul3A_286 = arith.constant 128 : i32
      %mul3A_287 = arith.muli %scan3A_241, %mul3A_286 : i32
      %add3A_288 = arith.constant 32 : i32
      %add3A_289 = arith.addi %mul3A_287, %add3A_288 : i32
      %get3A_290 = arith.index_cast %add3A_289 : i32 to index
      %get3A_291 = tpu.vector_load %arg8[%get3A_290] {strides = array<i32>} : memref<4096xi32, #tpu.memory_space<vmem>>, vector<16xi32>,
      %sub3A_292 = arith.constant 49920 : i32
      %sub3A_293 = vector.broadcast %sub3A_292 : i32 to vector<16xi32>
      %sub3A_294 = arith.subi %get3A_291, %sub3A_293 : vector<16xi32>
      %max3A_295 = arith.constant 0 : i32
      %max3A_296 = vector.broadcast %max3A_295 : i32 to vector<16xi32>
      %max3A_297 = arith.maxsi %sub3A_294, %max3A_296 : vector<16xi32>
      %gather3A_298 = tpu.vector_load_idx %arg11[%max3A_297] : memref<50080xf32, #tpu.memory_space<vmem>>[vector<16xi32>], vector<16xf32>,
      %ge3A_299 = arith.constant 49920 : i32
      %ge3A_300 = vector.broadcast %ge3A_299 : i32 to vector<16xi32>
      %ge3A_301 = arith.cmpi sge, %get3A_291, %ge3A_300 : vector<16xi32>
      %get3A_302 = arith.constant 0 : i32
      %get3A_303 = arith.index_cast %get3A_302 : i32 to index
      %get3A_304 = arith.index_cast %add3A_289 : i32 to index
      %get3A_305 = tpu.vector_load %arg12[%get3A_303, %get3A_304] {strides = array<i32>} : memref<4x4096xf32, #tpu.memory_space<vmem>>, vector<16xf32>,
      %select_n3A_306 = arith.select %ge3A_301, %gather3A_298, %get3A_305 : vector<16xi1>, vector<16xf32>
      %swap3A_307 = arith.constant 0 : i32
      %swap3A_308 = arith.index_cast %swap3A_307 : i32 to index
      %swap3A_309 = arith.index_cast %add3A_289 : i32 to index
      %swap3A_310 = tpu.vector_load %arg12[%swap3A_308, %swap3A_309] {strides = array<i32>} : memref<4x4096xf32, #tpu.memory_space<vmem>>, vector<16xf32>,
      tpu.vector_store %arg12[%swap3A_308, %swap3A_309], %select_n3A_306 {strides = array<i32>} : memref<4x4096xf32, #tpu.memory_space<vmem>>, vector<16xf32>,
      %mul3A_311 = arith.constant 128 : i32
      %mul3A_312 = arith.muli %scan3A_241, %mul3A_311 : i32
      %add3A_313 = arith.constant 48 : i32
      %add3A_314 = arith.addi %mul3A_312, %add3A_313 : i32
      %get3A_315 = arith.index_cast %add3A_314 : i32 to index
      %get3A_316 = tpu.vector_load %arg8[%get3A_315] {strides = array<i32>} : memref<4096xi32, #tpu.memory_space<vmem>>, vector<16xi32>,
      %sub3A_317 = arith.constant 49920 : i32
      %sub3A_318 = vector.broadcast %sub3A_317 : i32 to vector<16xi32>
      %sub3A_319 = arith.subi %get3A_316, %sub3A_318 : vector<16xi32>
      %max3A_320 = arith.constant 0 : i32
      %max3A_321 = vector.broadcast %max3A_320 : i32 to vector<16xi32>
      %max3A_322 = arith.maxsi %sub3A_319, %max3A_321 : vector<16xi32>
      %gather3A_323 = tpu.vector_load_idx %arg11[%max3A_322] : memref<50080xf32, #tpu.memory_space<vmem>>[vector<16xi32>], vector<16xf32>,
      %ge3A_324 = arith.constant 49920 : i32
      %ge3A_325 = vector.broadcast %ge3A_324 : i32 to vector<16xi32>
      %ge3A_326 = arith.cmpi sge, %get3A_316, %ge3A_325 : vector<16xi32>
      %get3A_327 = arith.constant 0 : i32
      %get3A_328 = arith.index_cast %get3A_327 : i32 to index
      %get3A_329 = arith.index_cast %add3A_314 : i32 to index
      %get3A_330 = tpu.vector_load %arg12[%get3A_328, %get3A_329] {strides = array<i32>} : memref<4x4096xf32, #tpu.memory_space<vmem>>, vector<16xf32>,
      %select_n3A_331 = arith.select %ge3A_326, %gather3A_323, %get3A_330 : vector<16xi1>, vector<16xf32>
      %swap3A_332 = arith.constant 0 : i32
      %swap3A_333 = arith.index_cast %swap3A_332 : i32 to index
      %swap3A_334 = arith.index_cast %add3A_314 : i32 to index
      %swap3A_335 = tpu.vector_load %arg12[%swap3A_333, %swap3A_334] {strides = array<i32>} : memref<4x4096xf32, #tpu.memory_space<vmem>>, vector<16xf32>,
      tpu.vector_store %arg12[%swap3A_333, %swap3A_334], %select_n3A_331 {strides = array<i32>} : memref<4x4096xf32, #tpu.memory_space<vmem>>, vector<16xf32>,
      %mul3A_336 = arith.constant 128 : i32
      %mul3A_337 = arith.muli %scan3A_241, %mul3A_336 : i32
      %add3A_338 = arith.constant 64 : i32
      %add3A_339 = arith.addi %mul3A_337, %add3A_338 : i32
      %get3A_340 = arith.index_cast %add3A_339 : i32 to index
      %get3A_341 = tpu.vector_load %arg8[%get3A_340] {strides = array<i32>} : memref<4096xi32, #tpu.memory_space<vmem>>, vector<16xi32>,
      %sub3A_342 = arith.constant 49920 : i32
      %sub3A_343 = vector.broadcast %sub3A_342 : i32 to vector<16xi32>
      %sub3A_344 = arith.subi %get3A_341, %sub3A_343 : vector<16xi32>
      %max3A_345 = arith.constant 0 : i32
      %max3A_346 = vector.broadcast %max3A_345 : i32 to vector<16xi32>
      %max3A_347 = arith.maxsi %sub3A_344, %max3A_346 : vector<16xi32>
      %gather3A_348 = tpu.vector_load_idx %arg11[%max3A_347] : memref<50080xf32, #tpu.memory_space<vmem>>[vector<16xi32>], vector<16xf32>,
      %ge3A_349 = arith.constant 49920 : i32
      %ge3A_350 = vector.broadcast %ge3A_349 : i32 to vector<16xi32>
      %ge3A_351 = arith.cmpi sge, %get3A_341, %ge3A_350 : vector<16xi32>
      %get3A_352 = arith.constant 0 : i32
      %get3A_353 = arith.index_cast %get3A_352 : i32 to index
      %get3A_354 = arith.index_cast %add3A_339 : i32 to index
      %get3A_355 = tpu.vector_load %arg12[%get3A_353, %get3A_354] {strides = array<i32>} : memref<4x4096xf32, #tpu.memory_space<vmem>>, vector<16xf32>,
      %select_n3A_356 = arith.select %ge3A_351, %gather3A_348, %get3A_355 : vector<16xi1>, vector<16xf32>
      %swap3A_357 = arith.constant 0 : i32
      %swap3A_358 = arith.index_cast %swap3A_357 : i32 to index
      %swap3A_359 = arith.index_cast %add3A_339 : i32 to index
      %swap3A_360 = tpu.vector_load %arg12[%swap3A_358, %swap3A_359] {strides = array<i32>} : memref<4x4096xf32, #tpu.memory_space<vmem>>, vector<16xf32>,
      tpu.vector_store %arg12[%swap3A_358, %swap3A_359], %select_n3A_356 {strides = array<i32>} : memref<4x4096xf32, #tpu.memory_space<vmem>>, vector<16xf32>,
      %mul3A_361 = arith.constant 128 : i32
      %mul3A_362 = arith.muli %scan3A_241, %mul3A_361 : i32
      %add3A_363 = arith.constant 80 : i32
      %add3A_364 = arith.addi %mul3A_362, %add3A_363 : i32
      %get3A_365 = arith.index_cast %add3A_364 : i32 to index
      %get3A_366 = tpu.vector_load %arg8[%get3A_365] {strides = array<i32>} : memref<4096xi32, #tpu.memory_space<vmem>>, vector<16xi32>,
      %sub3A_367 = arith.constant 49920 : i32
      %sub3A_368 = vector.broadcast %sub3A_367 : i32 to vector<16xi32>
      %sub3A_369 = arith.subi %get3A_366, %sub3A_368 : vector<16xi32>
      %max3A_370 = arith.constant 0 : i32
      %max3A_371 = vector.broadcast %max3A_370 : i32 to vector<16xi32>
      %max3A_372 = arith.maxsi %sub3A_369, %max3A_371 : vector<16xi32>
      %gather3A_373 = tpu.vector_load_idx %arg11[%max3A_372] : memref<50080xf32, #tpu.memory_space<vmem>>[vector<16xi32>], vector<16xf32>,
      %ge3A_374 = arith.constant 49920 : i32
      %ge3A_375 = vector.broadcast %ge3A_374 : i32 to vector<16xi32>
      %ge3A_376 = arith.cmpi sge, %get3A_366, %ge3A_375 : vector<16xi32>
      %get3A_377 = arith.constant 0 : i32
      %get3A_378 = arith.index_cast %get3A_377 : i32 to index
      %get3A_379 = arith.index_cast %add3A_364 : i32 to index
      %get3A_380 = tpu.vector_load %arg12[%get3A_378, %get3A_379] {strides = array<i32>} : memref<4x4096xf32, #tpu.memory_space<vmem>>, vector<16xf32>,
      %select_n3A_381 = arith.select %ge3A_376, %gather3A_373, %get3A_380 : vector<16xi1>, vector<16xf32>
      %swap3A_382 = arith.constant 0 : i32
      %swap3A_383 = arith.index_cast %swap3A_382 : i32 to index
      %swap3A_384 = arith.index_cast %add3A_364 : i32 to index
      %swap3A_385 = tpu.vector_load %arg12[%swap3A_383, %swap3A_384] {strides = array<i32>} : memref<4x4096xf32, #tpu.memory_space<vmem>>, vector<16xf32>,
      tpu.vector_store %arg12[%swap3A_383, %swap3A_384], %select_n3A_381 {strides = array<i32>} : memref<4x4096xf32, #tpu.memory_space<vmem>>, vector<16xf32>,
      %mul3A_386 = arith.constant 128 : i32
      %mul3A_387 = arith.muli %scan3A_241, %mul3A_386 : i32
      %add3A_388 = arith.constant 96 : i32
      %add3A_389 = arith.addi %mul3A_387, %add3A_388 : i32
      %get3A_390 = arith.index_cast %add3A_389 : i32 to index
      %get3A_391 = tpu.vector_load %arg8[%get3A_390] {strides = array<i32>} : memref<4096xi32, #tpu.memory_space<vmem>>, vector<16xi32>,
      %sub3A_392 = arith.constant 49920 : i32
      %sub3A_393 = vector.broadcast %sub3A_392 : i32 to vector<16xi32>
      %sub3A_394 = arith.subi %get3A_391, %sub3A_393 : vector<16xi32>
      %max3A_395 = arith.constant 0 : i32
      %max3A_396 = vector.broadcast %max3A_395 : i32 to vector<16xi32>
      %max3A_397 = arith.maxsi %sub3A_394, %max3A_396 : vector<16xi32>
      %gather3A_398 = tpu.vector_load_idx %arg11[%max3A_397] : memref<50080xf32, #tpu.memory_space<vmem>>[vector<16xi32>], vector<16xf32>,
      %ge3A_399 = arith.constant 49920 : i32
      %ge3A_400 = vector.broadcast %ge3A_399 : i32 to vector<16xi32>
      %ge3A_401 = arith.cmpi sge, %get3A_391, %ge3A_400 : vector<16xi32>
      %get3A_402 = arith.constant 0 : i32
      %get3A_403 = arith.index_cast %get3A_402 : i32 to index
      %get3A_404 = arith.index_cast %add3A_389 : i32 to index
      %get3A_405 = tpu.vector_load %arg12[%get3A_403, %get3A_404] {strides = array<i32>} : memref<4x4096xf32, #tpu.memory_space<vmem>>, vector<16xf32>,
      %select_n3A_406 = arith.select %ge3A_401, %gather3A_398, %get3A_405 : vector<16xi1>, vector<16xf32>
      %swap3A_407 = arith.constant 0 : i32
      %swap3A_408 = arith.index_cast %swap3A_407 : i32 to index
      %swap3A_409 = arith.index_cast %add3A_389 : i32 to index
      %swap3A_410 = tpu.vector_load %arg12[%swap3A_408, %swap3A_409] {strides = array<i32>} : memref<4x4096xf32, #tpu.memory_space<vmem>>, vector<16xf32>,
      tpu.vector_store %arg12[%swap3A_408, %swap3A_409], %select_n3A_406 {strides = array<i32>} : memref<4x4096xf32, #tpu.memory_space<vmem>>, vector<16xf32>,
      %mul3A_411 = arith.constant 128 : i32
      %mul3A_412 = arith.muli %scan3A_241, %mul3A_411 : i32
      %add3A_413 = arith.constant 112 : i32
      %add3A_414 = arith.addi %mul3A_412, %add3A_413 : i32
      %get3A_415 = arith.index_cast %add3A_414 : i32 to index
      %get3A_416 = tpu.vector_load %arg8[%get3A_415] {strides = array<i32>} : memref<4096xi32, #tpu.memory_space<vmem>>, vector<16xi32>,
      %sub3A_417 = arith.constant 49920 : i32
      %sub3A_418 = vector.broadcast %sub3A_417 : i32 to vector<16xi32>
      %sub3A_419 = arith.subi %get3A_416, %sub3A_418 : vector<16xi32>
      %max3A_420 = arith.constant 0 : i32
      %max3A_421 = vector.broadcast %max3A_420 : i32 to vector<16xi32>
      %max3A_422 = arith.maxsi %sub3A_419, %max3A_421 : vector<16xi32>
      %gather3A_423 = tpu.vector_load_idx %arg11[%max3A_422] : memref<50080xf32, #tpu.memory_space<vmem>>[vector<16xi32>], vector<16xf32>,
      %ge3A_424 = arith.constant 49920 : i32
      %ge3A_425 = vector.broadcast %ge3A_424 : i32 to vector<16xi32>
      %ge3A_426 = arith.cmpi sge, %get3A_416, %ge3A_425 : vector<16xi32>
      %get3A_427 = arith.constant 0 : i32
      %get3A_428 = arith.index_cast %get3A_427 : i32 to index
      %get3A_429 = arith.index_cast %add3A_414 : i32 to index
      %get3A_430 = tpu.vector_load %arg12[%get3A_428, %get3A_429] {strides = array<i32>} : memref<4x4096xf32, #tpu.memory_space<vmem>>, vector<16xf32>,
      %select_n3A_431 = arith.select %ge3A_426, %gather3A_423, %get3A_430 : vector<16xi1>, vector<16xf32>
      %swap3A_432 = arith.constant 0 : i32
      %swap3A_433 = arith.index_cast %swap3A_432 : i32 to index
      %swap3A_434 = arith.index_cast %add3A_414 : i32 to index
      %swap3A_435 = tpu.vector_load %arg12[%swap3A_433, %swap3A_434] {strides = array<i32>} : memref<4x4096xf32, #tpu.memory_space<vmem>>, vector<16xf32>,
      tpu.vector_store %arg12[%swap3A_433, %swap3A_434], %select_n3A_431 {strides = array<i32>} : memref<4x4096xf32, #tpu.memory_space<vmem>>, vector<16xf32>,
      %scan3A_436 = arith.constant 0 : i32
      scf.yield %scan3A_436 : i32
    }
    %scan3A_67 = arith.constant 32 : i32
    %add3A_68 = arith.constant 32 : i32
    %add3A_69 = arith.addi %add3A, %add3A_68 : i32
    %dma_start3A_70 = arith.constant 0 : i32
    %dma_start3A_71 = tpu.memref_slice %arg11[%dma_start3A_70] : memref<50080xf32, #tpu.memory_space<vmem>> -> memref<50080xf32, #tpu.memory_space<vmem>>
    %dma_start3A_72 = arith.constant 49920 : i32
    %dma_start3A_73 = tpu.memref_slice %arg4[%add3A_69, %dma_start3A_72] : memref<64x100000xf32, #tpu.memory_space<hbm>> -> memref<1x50080xf32, #tpu.memory_space<hbm>>
    %dma_start3A_74 = tpu.memref_squeeze %dma_start3A_73 : memref<1x50080xf32, #tpu.memory_space<hbm>> -> memref<50080xf32, #tpu.memory_space<hbm>>
    %dma_start3A_75 = arith.constant 0 : i32
    %dma_start3A_76 = tpu.memref_slice %arg11[%dma_start3A_75] : memref<50080xf32, #tpu.memory_space<vmem>> -> memref<50080xf32, #tpu.memory_space<vmem>>
    %dma_start3A_77 = arith.constant 49920 : i32
    %dma_start3A_78 = tpu.memref_slice %arg4[%add3A_69, %dma_start3A_77] : memref<64x100000xf32, #tpu.memory_space<hbm>> -> memref<1x50080xf32, #tpu.memory_space<hbm>>
    %dma_start3A_79 = tpu.memref_squeeze %dma_start3A_78 : memref<1x50080xf32, #tpu.memory_space<hbm>> -> memref<50080xf32, #tpu.memory_space<hbm>>
    tpu.enqueue_dma source(%dma_start3A_79 : memref<50080xf32, #tpu.memory_space<hbm>>) target(%dma_start3A_76 : memref<50080xf32, #tpu.memory_space<vmem>>) target_semaphore(%arg13 : memref<!tpu.dma_semaphore, #tpu.memory_space<semaphore_mem>>)
    %dma_wait3A_80 = arith.constant 0 : i32
    %dma_wait3A_81 = tpu.memref_slice %arg10[%dma_wait3A_80] : memref<50080xf32, #tpu.memory_space<vmem>> -> memref<49920xf32, #tpu.memory_space<vmem>>
    %dma_wait3A_82 = arith.constant 0 : i32
    %dma_wait3A_83 = tpu.memref_slice %arg4[%add3A_40, %dma_wait3A_82] : memref<64x100000xf32, #tpu.memory_space<hbm>> -> memref<1x49920xf32, #tpu.memory_space<hbm>>
    %dma_wait3A_84 = tpu.memref_squeeze %dma_wait3A_83 : memref<1x49920xf32, #tpu.memory_space<hbm>> -> memref<49920xf32, #tpu.memory_space<hbm>>
    %dma_wait3A_85 = arith.constant 0 : i32
    %dma_wait3A_86 = tpu.memref_slice %arg10[%dma_wait3A_85] : memref<50080xf32, #tpu.memory_space<vmem>> -> memref<49920xf32, #tpu.memory_space<vmem>>
    %dma_wait3A_87 = arith.constant 0 : i32
    %dma_wait3A_88 = tpu.memref_slice %arg4[%add3A_40, %dma_wait3A_87] : memref<64x100000xf32, #tpu.memory_space<hbm>> -> memref<1x49920xf32, #tpu.memory_space<hbm>>
    %dma_wait3A_89 = tpu.memref_squeeze %dma_wait3A_88 : memref<1x49920xf32, #tpu.memory_space<hbm>> -> memref<49920xf32, #tpu.memory_space<hbm>>
    tpu.wait_dma2 semaphore(%arg13 : memref<!tpu.dma_semaphore, #tpu.memory_space<semaphore_mem>>) src(%dma_wait3A_89 : memref<49920xf32, #tpu.memory_space<hbm>>) dst(%dma_wait3A_86 : memref<49920xf32, #tpu.memory_space<vmem>>)
    %scan3A_90 = arith.constant 0 : i32
    %scan3A_91 = arith.constant 0 : i32
    %scan3A_92 = arith.constant 32 : i32
    %scan3A_93 = arith.addi %scan3A_91, %scan3A_92 : i32
    %scan3A_94 = arith.constant 1 : i32
    %scan3A_95 = scf.for %scan3A_241 = %scan3A_91 to %scan3A_93 step %scan3A_94 iter_args(%scan3A_242 = %scan3A_90) -> (i32)  : i32 {
      %mul3A_243 = arith.constant 128 : i32
      %mul3A_244 = arith.muli %scan3A_241, %mul3A_243 : i32
      %add3A_245 = arith.constant 0 : i32
      %add3A_246 = arith.addi %mul3A_244, %add3A_245 : i32
      %get3A = arith.index_cast %add3A_246 : i32 to index
      %get3A_247 = tpu.vector_load %arg8[%get3A] {strides = array<i32>} : memref<4096xi32, #tpu.memory_space<vmem>>, vector<16xi32>,
      %min3A = arith.constant 49919 : i32
      %min3A_248 = vector.broadcast %min3A : i32 to vector<16xi32>
      %min3A_249 = arith.minsi %get3A_247, %min3A_248 : vector<16xi32>
      %gather3A = tpu.vector_load_idx %arg10[%min3A_249] : memref<50080xf32, #tpu.memory_space<vmem>>[vector<16xi32>], vector<16xf32>,
      %lt3A = arith.constant 49920 : i32
      %lt3A_250 = vector.broadcast %lt3A : i32 to vector<16xi32>
      %lt3A_251 = arith.cmpi slt, %get3A_247, %lt3A_250 : vector<16xi32>
      %jit3A = arith.constant 0.000000e+00 : f32
      %broadcast_in_dim3A = vector.broadcast %jit3A : f32 to vector<16xf32>
      %select_n3A = arith.select %lt3A_251, %gather3A, %broadcast_in_dim3A : vector<16xi1>, vector<16xf32>
      %swap3A = arith.constant 1 : i32
      %swap3A_252 = arith.index_cast %swap3A : i32 to index
      %swap3A_253 = arith.index_cast %add3A_246 : i32 to index
      %swap3A_254 = tpu.vector_load %arg12[%swap3A_252, %swap3A_253] {strides = array<i32>} : memref<4x4096xf32, #tpu.memory_space<vmem>>, vector<16xf32>,
      tpu.vector_store %arg12[%swap3A_252, %swap3A_253], %select_n3A {strides = array<i32>} : memref<4x4096xf32, #tpu.memory_space<vmem>>, vector<16xf32>,
      %mul3A_255 = arith.constant 128 : i32
      %mul3A_256 = arith.muli %scan3A_241, %mul3A_255 : i32
      %add3A_257 = arith.constant 16 : i32
      %add3A_258 = arith.addi %mul3A_256, %add3A_257 : i32
      %get3A_259 = arith.index_cast %add3A_258 : i32 to index
      %get3A_260 = tpu.vector_load %arg8[%get3A_259] {strides = array<i32>} : memref<4096xi32, #tpu.memory_space<vmem>>, vector<16xi32>,
      %min3A_261 = arith.constant 49919 : i32
      %min3A_262 = vector.broadcast %min3A_261 : i32 to vector<16xi32>
      %min3A_263 = arith.minsi %get3A_260, %min3A_262 : vector<16xi32>
      %gather3A_264 = tpu.vector_load_idx %arg10[%min3A_263] : memref<50080xf32, #tpu.memory_space<vmem>>[vector<16xi32>], vector<16xf32>,
      %lt3A_265 = arith.constant 49920 : i32
      %lt3A_266 = vector.broadcast %lt3A_265 : i32 to vector<16xi32>
      %lt3A_267 = arith.cmpi slt, %get3A_260, %lt3A_266 : vector<16xi32>
      %jit3A_268 = arith.constant 0.000000e+00 : f32
      %broadcast_in_dim3A_269 = vector.broadcast %jit3A_268 : f32 to vector<16xf32>
      %select_n3A_270 = arith.select %lt3A_267, %gather3A_264, %broadcast_in_dim3A_269 : vector<16xi1>, vector<16xf32>
      %swap3A_271 = arith.constant 1 : i32
      %swap3A_272 = arith.index_cast %swap3A_271 : i32 to index
      %swap3A_273 = arith.index_cast %add3A_258 : i32 to index
      %swap3A_274 = tpu.vector_load %arg12[%swap3A_272, %swap3A_273] {strides = array<i32>} : memref<4x4096xf32, #tpu.memory_space<vmem>>, vector<16xf32>,
      tpu.vector_store %arg12[%swap3A_272, %swap3A_273], %select_n3A_270 {strides = array<i32>} : memref<4x4096xf32, #tpu.memory_space<vmem>>, vector<16xf32>,
      %mul3A_275 = arith.constant 128 : i32
      %mul3A_276 = arith.muli %scan3A_241, %mul3A_275 : i32
      %add3A_277 = arith.constant 32 : i32
      %add3A_278 = arith.addi %mul3A_276, %add3A_277 : i32
      %get3A_279 = arith.index_cast %add3A_278 : i32 to index
      %get3A_280 = tpu.vector_load %arg8[%get3A_279] {strides = array<i32>} : memref<4096xi32, #tpu.memory_space<vmem>>, vector<16xi32>,
      %min3A_281 = arith.constant 49919 : i32
      %min3A_282 = vector.broadcast %min3A_281 : i32 to vector<16xi32>
      %min3A_283 = arith.minsi %get3A_280, %min3A_282 : vector<16xi32>
      %gather3A_284 = tpu.vector_load_idx %arg10[%min3A_283] : memref<50080xf32, #tpu.memory_space<vmem>>[vector<16xi32>], vector<16xf32>,
      %lt3A_285 = arith.constant 49920 : i32
      %lt3A_286 = vector.broadcast %lt3A_285 : i32 to vector<16xi32>
      %lt3A_287 = arith.cmpi slt, %get3A_280, %lt3A_286 : vector<16xi32>
      %jit3A_288 = arith.constant 0.000000e+00 : f32
      %broadcast_in_dim3A_289 = vector.broadcast %jit3A_288 : f32 to vector<16xf32>
      %select_n3A_290 = arith.select %lt3A_287, %gather3A_284, %broadcast_in_dim3A_289 : vector<16xi1>, vector<16xf32>
      %swap3A_291 = arith.constant 1 : i32
      %swap3A_292 = arith.index_cast %swap3A_291 : i32 to index
      %swap3A_293 = arith.index_cast %add3A_278 : i32 to index
      %swap3A_294 = tpu.vector_load %arg12[%swap3A_292, %swap3A_293] {strides = array<i32>} : memref<4x4096xf32, #tpu.memory_space<vmem>>, vector<16xf32>,
      tpu.vector_store %arg12[%swap3A_292, %swap3A_293], %select_n3A_290 {strides = array<i32>} : memref<4x4096xf32, #tpu.memory_space<vmem>>, vector<16xf32>,
      %mul3A_295 = arith.constant 128 : i32
      %mul3A_296 = arith.muli %scan3A_241, %mul3A_295 : i32
      %add3A_297 = arith.constant 48 : i32
      %add3A_298 = arith.addi %mul3A_296, %add3A_297 : i32
      %get3A_299 = arith.index_cast %add3A_298 : i32 to index
      %get3A_300 = tpu.vector_load %arg8[%get3A_299] {strides = array<i32>} : memref<4096xi32, #tpu.memory_space<vmem>>, vector<16xi32>,
      %min3A_301 = arith.constant 49919 : i32
      %min3A_302 = vector.broadcast %min3A_301 : i32 to vector<16xi32>
      %min3A_303 = arith.minsi %get3A_300, %min3A_302 : vector<16xi32>
      %gather3A_304 = tpu.vector_load_idx %arg10[%min3A_303] : memref<50080xf32, #tpu.memory_space<vmem>>[vector<16xi32>], vector<16xf32>,
      %lt3A_305 = arith.constant 49920 : i32
      %lt3A_306 = vector.broadcast %lt3A_305 : i32 to vector<16xi32>
      %lt3A_307 = arith.cmpi slt, %get3A_300, %lt3A_306 : vector<16xi32>
      %jit3A_308 = arith.constant 0.000000e+00 : f32
      %broadcast_in_dim3A_309 = vector.broadcast %jit3A_308 : f32 to vector<16xf32>
      %select_n3A_310 = arith.select %lt3A_307, %gather3A_304, %broadcast_in_dim3A_309 : vector<16xi1>, vector<16xf32>
      %swap3A_311 = arith.constant 1 : i32
      %swap3A_312 = arith.index_cast %swap3A_311 : i32 to index
      %swap3A_313 = arith.index_cast %add3A_298 : i32 to index
      %swap3A_314 = tpu.vector_load %arg12[%swap3A_312, %swap3A_313] {strides = array<i32>} : memref<4x4096xf32, #tpu.memory_space<vmem>>, vector<16xf32>,
      tpu.vector_store %arg12[%swap3A_312, %swap3A_313], %select_n3A_310 {strides = array<i32>} : memref<4x4096xf32, #tpu.memory_space<vmem>>, vector<16xf32>,
      %mul3A_315 = arith.constant 128 : i32
      %mul3A_316 = arith.muli %scan3A_241, %mul3A_315 : i32
      %add3A_317 = arith.constant 64 : i32
      %add3A_318 = arith.addi %mul3A_316, %add3A_317 : i32
      %get3A_319 = arith.index_cast %add3A_318 : i32 to index
      %get3A_320 = tpu.vector_load %arg8[%get3A_319] {strides = array<i32>} : memref<4096xi32, #tpu.memory_space<vmem>>, vector<16xi32>,
      %min3A_321 = arith.constant 49919 : i32
      %min3A_322 = vector.broadcast %min3A_321 : i32 to vector<16xi32>
      %min3A_323 = arith.minsi %get3A_320, %min3A_322 : vector<16xi32>
      %gather3A_324 = tpu.vector_load_idx %arg10[%min3A_323] : memref<50080xf32, #tpu.memory_space<vmem>>[vector<16xi32>], vector<16xf32>,
      %lt3A_325 = arith.constant 49920 : i32
      %lt3A_326 = vector.broadcast %lt3A_325 : i32 to vector<16xi32>
      %lt3A_327 = arith.cmpi slt, %get3A_320, %lt3A_326 : vector<16xi32>
      %jit3A_328 = arith.constant 0.000000e+00 : f32
      %broadcast_in_dim3A_329 = vector.broadcast %jit3A_328 : f32 to vector<16xf32>
      %select_n3A_330 = arith.select %lt3A_327, %gather3A_324, %broadcast_in_dim3A_329 : vector<16xi1>, vector<16xf32>
      %swap3A_331 = arith.constant 1 : i32
      %swap3A_332 = arith.index_cast %swap3A_331 : i32 to index
      %swap3A_333 = arith.index_cast %add3A_318 : i32 to index
      %swap3A_334 = tpu.vector_load %arg12[%swap3A_332, %swap3A_333] {strides = array<i32>} : memref<4x4096xf32, #tpu.memory_space<vmem>>, vector<16xf32>,
      tpu.vector_store %arg12[%swap3A_332, %swap3A_333], %select_n3A_330 {strides = array<i32>} : memref<4x4096xf32, #tpu.memory_space<vmem>>, vector<16xf32>,
      %mul3A_335 = arith.constant 128 : i32
      %mul3A_336 = arith.muli %scan3A_241, %mul3A_335 : i32
      %add3A_337 = arith.constant 80 : i32
      %add3A_338 = arith.addi %mul3A_336, %add3A_337 : i32
      %get3A_339 = arith.index_cast %add3A_338 : i32 to index
      %get3A_340 = tpu.vector_load %arg8[%get3A_339] {strides = array<i32>} : memref<4096xi32, #tpu.memory_space<vmem>>, vector<16xi32>,
      %min3A_341 = arith.constant 49919 : i32
      %min3A_342 = vector.broadcast %min3A_341 : i32 to vector<16xi32>
      %min3A_343 = arith.minsi %get3A_340, %min3A_342 : vector<16xi32>
      %gather3A_344 = tpu.vector_load_idx %arg10[%min3A_343] : memref<50080xf32, #tpu.memory_space<vmem>>[vector<16xi32>], vector<16xf32>,
      %lt3A_345 = arith.constant 49920 : i32
      %lt3A_346 = vector.broadcast %lt3A_345 : i32 to vector<16xi32>
      %lt3A_347 = arith.cmpi slt, %get3A_340, %lt3A_346 : vector<16xi32>
      %jit3A_348 = arith.constant 0.000000e+00 : f32
      %broadcast_in_dim3A_349 = vector.broadcast %jit3A_348 : f32 to vector<16xf32>
      %select_n3A_350 = arith.select %lt3A_347, %gather3A_344, %broadcast_in_dim3A_349 : vector<16xi1>, vector<16xf32>
      %swap3A_351 = arith.constant 1 : i32
      %swap3A_352 = arith.index_cast %swap3A_351 : i32 to index
      %swap3A_353 = arith.index_cast %add3A_338 : i32 to index
      %swap3A_354 = tpu.vector_load %arg12[%swap3A_352, %swap3A_353] {strides = array<i32>} : memref<4x4096xf32, #tpu.memory_space<vmem>>, vector<16xf32>,
      tpu.vector_store %arg12[%swap3A_352, %swap3A_353], %select_n3A_350 {strides = array<i32>} : memref<4x4096xf32, #tpu.memory_space<vmem>>, vector<16xf32>,
      %mul3A_355 = arith.constant 128 : i32
      %mul3A_356 = arith.muli %scan3A_241, %mul3A_355 : i32
      %add3A_357 = arith.constant 96 : i32
      %add3A_358 = arith.addi %mul3A_356, %add3A_357 : i32
      %get3A_359 = arith.index_cast %add3A_358 : i32 to index
      %get3A_360 = tpu.vector_load %arg8[%get3A_359] {strides = array<i32>} : memref<4096xi32, #tpu.memory_space<vmem>>, vector<16xi32>,
      %min3A_361 = arith.constant 49919 : i32
      %min3A_362 = vector.broadcast %min3A_361 : i32 to vector<16xi32>
      %min3A_363 = arith.minsi %get3A_360, %min3A_362 : vector<16xi32>
      %gather3A_364 = tpu.vector_load_idx %arg10[%min3A_363] : memref<50080xf32, #tpu.memory_space<vmem>>[vector<16xi32>], vector<16xf32>,
      %lt3A_365 = arith.constant 49920 : i32
      %lt3A_366 = vector.broadcast %lt3A_365 : i32 to vector<16xi32>
      %lt3A_367 = arith.cmpi slt, %get3A_360, %lt3A_366 : vector<16xi32>
      %jit3A_368 = arith.constant 0.000000e+00 : f32
      %broadcast_in_dim3A_369 = vector.broadcast %jit3A_368 : f32 to vector<16xf32>
      %select_n3A_370 = arith.select %lt3A_367, %gather3A_364, %broadcast_in_dim3A_369 : vector<16xi1>, vector<16xf32>
      %swap3A_371 = arith.constant 1 : i32
      %swap3A_372 = arith.index_cast %swap3A_371 : i32 to index
      %swap3A_373 = arith.index_cast %add3A_358 : i32 to index
      %swap3A_374 = tpu.vector_load %arg12[%swap3A_372, %swap3A_373] {strides = array<i32>} : memref<4x4096xf32, #tpu.memory_space<vmem>>, vector<16xf32>,
      tpu.vector_store %arg12[%swap3A_372, %swap3A_373], %select_n3A_370 {strides = array<i32>} : memref<4x4096xf32, #tpu.memory_space<vmem>>, vector<16xf32>,
      %mul3A_375 = arith.constant 128 : i32
      %mul3A_376 = arith.muli %scan3A_241, %mul3A_375 : i32
      %add3A_377 = arith.constant 112 : i32
      %add3A_378 = arith.addi %mul3A_376, %add3A_377 : i32
      %get3A_379 = arith.index_cast %add3A_378 : i32 to index
      %get3A_380 = tpu.vector_load %arg8[%get3A_379] {strides = array<i32>} : memref<4096xi32, #tpu.memory_space<vmem>>, vector<16xi32>,
      %min3A_381 = arith.constant 49919 : i32
      %min3A_382 = vector.broadcast %min3A_381 : i32 to vector<16xi32>
      %min3A_383 = arith.minsi %get3A_380, %min3A_382 : vector<16xi32>
      %gather3A_384 = tpu.vector_load_idx %arg10[%min3A_383] : memref<50080xf32, #tpu.memory_space<vmem>>[vector<16xi32>], vector<16xf32>,
      %lt3A_385 = arith.constant 49920 : i32
      %lt3A_386 = vector.broadcast %lt3A_385 : i32 to vector<16xi32>
      %lt3A_387 = arith.cmpi slt, %get3A_380, %lt3A_386 : vector<16xi32>
      %jit3A_388 = arith.constant 0.000000e+00 : f32
      %broadcast_in_dim3A_389 = vector.broadcast %jit3A_388 : f32 to vector<16xf32>
      %select_n3A_390 = arith.select %lt3A_387, %gather3A_384, %broadcast_in_dim3A_389 : vector<16xi1>, vector<16xf32>
      %swap3A_391 = arith.constant 1 : i32
      %swap3A_392 = arith.index_cast %swap3A_391 : i32 to index
      %swap3A_393 = arith.index_cast %add3A_378 : i32 to index
      %swap3A_394 = tpu.vector_load %arg12[%swap3A_392, %swap3A_393] {strides = array<i32>} : memref<4x4096xf32, #tpu.memory_space<vmem>>, vector<16xf32>,
      tpu.vector_store %arg12[%swap3A_392, %swap3A_393], %select_n3A_390 {strides = array<i32>} : memref<4x4096xf32, #tpu.memory_space<vmem>>, vector<16xf32>,
      %scan3A_395 = arith.constant 0 : i32
      scf.yield %scan3A_395 : i32
    }
    %scan3A_96 = arith.constant 32 : i32
    %add3A_97 = arith.constant 0 : i32
    %add3A_98 = arith.addi %add3A, %add3A_97 : i32
    %dma_start3A_99 = arith.constant 0 : i32
    %dma_start3A_100 = tpu.memref_slice %arg10[%dma_start3A_99] : memref<50080xf32, #tpu.memory_space<vmem>> -> memref<49920xf32, #tpu.memory_space<vmem>>
    %dma_start3A_101 = arith.constant 0 : i32
    %dma_start3A_102 = tpu.memref_slice %arg5[%add3A_98, %dma_start3A_101] : memref<64x100000xf32, #tpu.memory_space<hbm>> -> memref<1x49920xf32, #tpu.memory_space<hbm>>
    %dma_start3A_103 = tpu.memref_squeeze %dma_start3A_102 : memref<1x49920xf32, #tpu.memory_space<hbm>> -> memref<49920xf32, #tpu.memory_space<hbm>>
    %dma_start3A_104 = arith.constant 0 : i32
    %dma_start3A_105 = tpu.memref_slice %arg10[%dma_start3A_104] : memref<50080xf32, #tpu.memory_space<vmem>> -> memref<49920xf32, #tpu.memory_space<vmem>>
    %dma_start3A_106 = arith.constant 0 : i32
    %dma_start3A_107 = tpu.memref_slice %arg5[%add3A_98, %dma_start3A_106] : memref<64x100000xf32, #tpu.memory_space<hbm>> -> memref<1x49920xf32, #tpu.memory_space<hbm>>
    %dma_start3A_108 = tpu.memref_squeeze %dma_start3A_107 : memref<1x49920xf32, #tpu.memory_space<hbm>> -> memref<49920xf32, #tpu.memory_space<hbm>>
    tpu.enqueue_dma source(%dma_start3A_108 : memref<49920xf32, #tpu.memory_space<hbm>>) target(%dma_start3A_105 : memref<49920xf32, #tpu.memory_space<vmem>>) target_semaphore(%arg13 : memref<!tpu.dma_semaphore, #tpu.memory_space<semaphore_mem>>)
    %dma_wait3A_109 = arith.constant 0 : i32
    %dma_wait3A_110 = tpu.memref_slice %arg11[%dma_wait3A_109] : memref<50080xf32, #tpu.memory_space<vmem>> -> memref<50080xf32, #tpu.memory_space<vmem>>
    %dma_wait3A_111 = arith.constant 49920 : i32
    %dma_wait3A_112 = tpu.memref_slice %arg4[%add3A_69, %dma_wait3A_111] : memref<64x100000xf32, #tpu.memory_space<hbm>> -> memref<1x50080xf32, #tpu.memory_space<hbm>>
    %dma_wait3A_113 = tpu.memref_squeeze %dma_wait3A_112 : memref<1x50080xf32, #tpu.memory_space<hbm>> -> memref<50080xf32, #tpu.memory_space<hbm>>
    %dma_wait3A_114 = arith.constant 0 : i32
    %dma_wait3A_115 = tpu.memref_slice %arg11[%dma_wait3A_114] : memref<50080xf32, #tpu.memory_space<vmem>> -> memref<50080xf32, #tpu.memory_space<vmem>>
    %dma_wait3A_116 = arith.constant 49920 : i32
    %dma_wait3A_117 = tpu.memref_slice %arg4[%add3A_69, %dma_wait3A_116] : memref<64x100000xf32, #tpu.memory_space<hbm>> -> memref<1x50080xf32, #tpu.memory_space<hbm>>
    %dma_wait3A_118 = tpu.memref_squeeze %dma_wait3A_117 : memref<1x50080xf32, #tpu.memory_space<hbm>> -> memref<50080xf32, #tpu.memory_space<hbm>>
    tpu.wait_dma2 semaphore(%arg13 : memref<!tpu.dma_semaphore, #tpu.memory_space<semaphore_mem>>) src(%dma_wait3A_118 : memref<50080xf32, #tpu.memory_space<hbm>>) dst(%dma_wait3A_115 : memref<50080xf32, #tpu.memory_space<vmem>>)
    %scan3A_119 = arith.constant 0 : i32
    %scan3A_120 = arith.constant 0 : i32
    %scan3A_121 = arith.constant 32 : i32
    %scan3A_122 = arith.addi %scan3A_120, %scan3A_121 : i32
    %scan3A_123 = arith.constant 1 : i32
    %scan3A_124 = scf.for %scan3A_241 = %scan3A_120 to %scan3A_122 step %scan3A_123 iter_args(%scan3A_242 = %scan3A_119) -> (i32)  : i32 {
      %mul3A_243 = arith.constant 128 : i32
      %mul3A_244 = arith.muli %scan3A_241, %mul3A_243 : i32
      %add3A_245 = arith.constant 0 : i32
      %add3A_246 = arith.addi %mul3A_244, %add3A_245 : i32
      %get3A = arith.index_cast %add3A_246 : i32 to index
      %get3A_247 = tpu.vector_load %arg8[%get3A] {strides = array<i32>} : memref<4096xi32, #tpu.memory_space<vmem>>, vector<16xi32>,
      %sub3A = arith.constant 49920 : i32
      %sub3A_248 = vector.broadcast %sub3A : i32 to vector<16xi32>
      %sub3A_249 = arith.subi %get3A_247, %sub3A_248 : vector<16xi32>
      %max3A = arith.constant 0 : i32
      %max3A_250 = vector.broadcast %max3A : i32 to vector<16xi32>
      %max3A_251 = arith.maxsi %sub3A_249, %max3A_250 : vector<16xi32>
      %gather3A = tpu.vector_load_idx %arg11[%max3A_251] : memref<50080xf32, #tpu.memory_space<vmem>>[vector<16xi32>], vector<16xf32>,
      %ge3A = arith.constant 49920 : i32
      %ge3A_252 = vector.broadcast %ge3A : i32 to vector<16xi32>
      %ge3A_253 = arith.cmpi sge, %get3A_247, %ge3A_252 : vector<16xi32>
      %get3A_254 = arith.constant 1 : i32
      %get3A_255 = arith.index_cast %get3A_254 : i32 to index
      %get3A_256 = arith.index_cast %add3A_246 : i32 to index
      %get3A_257 = tpu.vector_load %arg12[%get3A_255, %get3A_256] {strides = array<i32>} : memref<4x4096xf32, #tpu.memory_space<vmem>>, vector<16xf32>,
      %select_n3A = arith.select %ge3A_253, %gather3A, %get3A_257 : vector<16xi1>, vector<16xf32>
      %swap3A = arith.constant 1 : i32
      %swap3A_258 = arith.index_cast %swap3A : i32 to index
      %swap3A_259 = arith.index_cast %add3A_246 : i32 to index
      %swap3A_260 = tpu.vector_load %arg12[%swap3A_258, %swap3A_259] {strides = array<i32>} : memref<4x4096xf32, #tpu.memory_space<vmem>>, vector<16xf32>,
      tpu.vector_store %arg12[%swap3A_258, %swap3A_259], %select_n3A {strides = array<i32>} : memref<4x4096xf32, #tpu.memory_space<vmem>>, vector<16xf32>,
      %mul3A_261 = arith.constant 128 : i32
      %mul3A_262 = arith.muli %scan3A_241, %mul3A_261 : i32
      %add3A_263 = arith.constant 16 : i32
      %add3A_264 = arith.addi %mul3A_262, %add3A_263 : i32
      %get3A_265 = arith.index_cast %add3A_264 : i32 to index
      %get3A_266 = tpu.vector_load %arg8[%get3A_265] {strides = array<i32>} : memref<4096xi32, #tpu.memory_space<vmem>>, vector<16xi32>,
      %sub3A_267 = arith.constant 49920 : i32
      %sub3A_268 = vector.broadcast %sub3A_267 : i32 to vector<16xi32>
      %sub3A_269 = arith.subi %get3A_266, %sub3A_268 : vector<16xi32>
      %max3A_270 = arith.constant 0 : i32
      %max3A_271 = vector.broadcast %max3A_270 : i32 to vector<16xi32>
      %max3A_272 = arith.maxsi %sub3A_269, %max3A_271 : vector<16xi32>
      %gather3A_273 = tpu.vector_load_idx %arg11[%max3A_272] : memref<50080xf32, #tpu.memory_space<vmem>>[vector<16xi32>], vector<16xf32>,
      %ge3A_274 = arith.constant 49920 : i32
      %ge3A_275 = vector.broadcast %ge3A_274 : i32 to vector<16xi32>
      %ge3A_276 = arith.cmpi sge, %get3A_266, %ge3A_275 : vector<16xi32>
      %get3A_277 = arith.constant 1 : i32
      %get3A_278 = arith.index_cast %get3A_277 : i32 to index
      %get3A_279 = arith.index_cast %add3A_264 : i32 to index
      %get3A_280 = tpu.vector_load %arg12[%get3A_278, %get3A_279] {strides = array<i32>} : memref<4x4096xf32, #tpu.memory_space<vmem>>, vector<16xf32>,
      %select_n3A_281 = arith.select %ge3A_276, %gather3A_273, %get3A_280 : vector<16xi1>, vector<16xf32>
      %swap3A_282 = arith.constant 1 : i32
      %swap3A_283 = arith.index_cast %swap3A_282 : i32 to index
      %swap3A_284 = arith.index_cast %add3A_264 : i32 to index
      %swap3A_285 = tpu.vector_load %arg12[%swap3A_283, %swap3A_284] {strides = array<i32>} : memref<4x4096xf32, #tpu.memory_space<vmem>>, vector<16xf32>,
      tpu.vector_store %arg12[%swap3A_283, %swap3A_284], %select_n3A_281 {strides = array<i32>} : memref<4x4096xf32, #tpu.memory_space<vmem>>, vector<16xf32>,
      %mul3A_286 = arith.constant 128 : i32
      %mul3A_287 = arith.muli %scan3A_241, %mul3A_286 : i32
      %add3A_288 = arith.constant 32 : i32
      %add3A_289 = arith.addi %mul3A_287, %add3A_288 : i32
      %get3A_290 = arith.index_cast %add3A_289 : i32 to index
      %get3A_291 = tpu.vector_load %arg8[%get3A_290] {strides = array<i32>} : memref<4096xi32, #tpu.memory_space<vmem>>, vector<16xi32>,
      %sub3A_292 = arith.constant 49920 : i32
      %sub3A_293 = vector.broadcast %sub3A_292 : i32 to vector<16xi32>
      %sub3A_294 = arith.subi %get3A_291, %sub3A_293 : vector<16xi32>
      %max3A_295 = arith.constant 0 : i32
      %max3A_296 = vector.broadcast %max3A_295 : i32 to vector<16xi32>
      %max3A_297 = arith.maxsi %sub3A_294, %max3A_296 : vector<16xi32>
      %gather3A_298 = tpu.vector_load_idx %arg11[%max3A_297] : memref<50080xf32, #tpu.memory_space<vmem>>[vector<16xi32>], vector<16xf32>,
      %ge3A_299 = arith.constant 49920 : i32
      %ge3A_300 = vector.broadcast %ge3A_299 : i32 to vector<16xi32>
      %ge3A_301 = arith.cmpi sge, %get3A_291, %ge3A_300 : vector<16xi32>
      %get3A_302 = arith.constant 1 : i32
      %get3A_303 = arith.index_cast %get3A_302 : i32 to index
      %get3A_304 = arith.index_cast %add3A_289 : i32 to index
      %get3A_305 = tpu.vector_load %arg12[%get3A_303, %get3A_304] {strides = array<i32>} : memref<4x4096xf32, #tpu.memory_space<vmem>>, vector<16xf32>,
      %select_n3A_306 = arith.select %ge3A_301, %gather3A_298, %get3A_305 : vector<16xi1>, vector<16xf32>
      %swap3A_307 = arith.constant 1 : i32
      %swap3A_308 = arith.index_cast %swap3A_307 : i32 to index
      %swap3A_309 = arith.index_cast %add3A_289 : i32 to index
      %swap3A_310 = tpu.vector_load %arg12[%swap3A_308, %swap3A_309] {strides = array<i32>} : memref<4x4096xf32, #tpu.memory_space<vmem>>, vector<16xf32>,
      tpu.vector_store %arg12[%swap3A_308, %swap3A_309], %select_n3A_306 {strides = array<i32>} : memref<4x4096xf32, #tpu.memory_space<vmem>>, vector<16xf32>,
      %mul3A_311 = arith.constant 128 : i32
      %mul3A_312 = arith.muli %scan3A_241, %mul3A_311 : i32
      %add3A_313 = arith.constant 48 : i32
      %add3A_314 = arith.addi %mul3A_312, %add3A_313 : i32
      %get3A_315 = arith.index_cast %add3A_314 : i32 to index
      %get3A_316 = tpu.vector_load %arg8[%get3A_315] {strides = array<i32>} : memref<4096xi32, #tpu.memory_space<vmem>>, vector<16xi32>,
      %sub3A_317 = arith.constant 49920 : i32
      %sub3A_318 = vector.broadcast %sub3A_317 : i32 to vector<16xi32>
      %sub3A_319 = arith.subi %get3A_316, %sub3A_318 : vector<16xi32>
      %max3A_320 = arith.constant 0 : i32
      %max3A_321 = vector.broadcast %max3A_320 : i32 to vector<16xi32>
      %max3A_322 = arith.maxsi %sub3A_319, %max3A_321 : vector<16xi32>
      %gather3A_323 = tpu.vector_load_idx %arg11[%max3A_322] : memref<50080xf32, #tpu.memory_space<vmem>>[vector<16xi32>], vector<16xf32>,
      %ge3A_324 = arith.constant 49920 : i32
      %ge3A_325 = vector.broadcast %ge3A_324 : i32 to vector<16xi32>
      %ge3A_326 = arith.cmpi sge, %get3A_316, %ge3A_325 : vector<16xi32>
      %get3A_327 = arith.constant 1 : i32
      %get3A_328 = arith.index_cast %get3A_327 : i32 to index
      %get3A_329 = arith.index_cast %add3A_314 : i32 to index
      %get3A_330 = tpu.vector_load %arg12[%get3A_328, %get3A_329] {strides = array<i32>} : memref<4x4096xf32, #tpu.memory_space<vmem>>, vector<16xf32>,
      %select_n3A_331 = arith.select %ge3A_326, %gather3A_323, %get3A_330 : vector<16xi1>, vector<16xf32>
      %swap3A_332 = arith.constant 1 : i32
      %swap3A_333 = arith.index_cast %swap3A_332 : i32 to index
      %swap3A_334 = arith.index_cast %add3A_314 : i32 to index
      %swap3A_335 = tpu.vector_load %arg12[%swap3A_333, %swap3A_334] {strides = array<i32>} : memref<4x4096xf32, #tpu.memory_space<vmem>>, vector<16xf32>,
      tpu.vector_store %arg12[%swap3A_333, %swap3A_334], %select_n3A_331 {strides = array<i32>} : memref<4x4096xf32, #tpu.memory_space<vmem>>, vector<16xf32>,
      %mul3A_336 = arith.constant 128 : i32
      %mul3A_337 = arith.muli %scan3A_241, %mul3A_336 : i32
      %add3A_338 = arith.constant 64 : i32
      %add3A_339 = arith.addi %mul3A_337, %add3A_338 : i32
      %get3A_340 = arith.index_cast %add3A_339 : i32 to index
      %get3A_341 = tpu.vector_load %arg8[%get3A_340] {strides = array<i32>} : memref<4096xi32, #tpu.memory_space<vmem>>, vector<16xi32>,
      %sub3A_342 = arith.constant 49920 : i32
      %sub3A_343 = vector.broadcast %sub3A_342 : i32 to vector<16xi32>
      %sub3A_344 = arith.subi %get3A_341, %sub3A_343 : vector<16xi32>
      %max3A_345 = arith.constant 0 : i32
      %max3A_346 = vector.broadcast %max3A_345 : i32 to vector<16xi32>
      %max3A_347 = arith.maxsi %sub3A_344, %max3A_346 : vector<16xi32>
      %gather3A_348 = tpu.vector_load_idx %arg11[%max3A_347] : memref<50080xf32, #tpu.memory_space<vmem>>[vector<16xi32>], vector<16xf32>,
      %ge3A_349 = arith.constant 49920 : i32
      %ge3A_350 = vector.broadcast %ge3A_349 : i32 to vector<16xi32>
      %ge3A_351 = arith.cmpi sge, %get3A_341, %ge3A_350 : vector<16xi32>
      %get3A_352 = arith.constant 1 : i32
      %get3A_353 = arith.index_cast %get3A_352 : i32 to index
      %get3A_354 = arith.index_cast %add3A_339 : i32 to index
      %get3A_355 = tpu.vector_load %arg12[%get3A_353, %get3A_354] {strides = array<i32>} : memref<4x4096xf32, #tpu.memory_space<vmem>>, vector<16xf32>,
      %select_n3A_356 = arith.select %ge3A_351, %gather3A_348, %get3A_355 : vector<16xi1>, vector<16xf32>
      %swap3A_357 = arith.constant 1 : i32
      %swap3A_358 = arith.index_cast %swap3A_357 : i32 to index
      %swap3A_359 = arith.index_cast %add3A_339 : i32 to index
      %swap3A_360 = tpu.vector_load %arg12[%swap3A_358, %swap3A_359] {strides = array<i32>} : memref<4x4096xf32, #tpu.memory_space<vmem>>, vector<16xf32>,
      tpu.vector_store %arg12[%swap3A_358, %swap3A_359], %select_n3A_356 {strides = array<i32>} : memref<4x4096xf32, #tpu.memory_space<vmem>>, vector<16xf32>,
      %mul3A_361 = arith.constant 128 : i32
      %mul3A_362 = arith.muli %scan3A_241, %mul3A_361 : i32
      %add3A_363 = arith.constant 80 : i32
      %add3A_364 = arith.addi %mul3A_362, %add3A_363 : i32
      %get3A_365 = arith.index_cast %add3A_364 : i32 to index
      %get3A_366 = tpu.vector_load %arg8[%get3A_365] {strides = array<i32>} : memref<4096xi32, #tpu.memory_space<vmem>>, vector<16xi32>,
      %sub3A_367 = arith.constant 49920 : i32
      %sub3A_368 = vector.broadcast %sub3A_367 : i32 to vector<16xi32>
      %sub3A_369 = arith.subi %get3A_366, %sub3A_368 : vector<16xi32>
      %max3A_370 = arith.constant 0 : i32
      %max3A_371 = vector.broadcast %max3A_370 : i32 to vector<16xi32>
      %max3A_372 = arith.maxsi %sub3A_369, %max3A_371 : vector<16xi32>
      %gather3A_373 = tpu.vector_load_idx %arg11[%max3A_372] : memref<50080xf32, #tpu.memory_space<vmem>>[vector<16xi32>], vector<16xf32>,
      %ge3A_374 = arith.constant 49920 : i32
      %ge3A_375 = vector.broadcast %ge3A_374 : i32 to vector<16xi32>
      %ge3A_376 = arith.cmpi sge, %get3A_366, %ge3A_375 : vector<16xi32>
      %get3A_377 = arith.constant 1 : i32
      %get3A_378 = arith.index_cast %get3A_377 : i32 to index
      %get3A_379 = arith.index_cast %add3A_364 : i32 to index
      %get3A_380 = tpu.vector_load %arg12[%get3A_378, %get3A_379] {strides = array<i32>} : memref<4x4096xf32, #tpu.memory_space<vmem>>, vector<16xf32>,
      %select_n3A_381 = arith.select %ge3A_376, %gather3A_373, %get3A_380 : vector<16xi1>, vector<16xf32>
      %swap3A_382 = arith.constant 1 : i32
      %swap3A_383 = arith.index_cast %swap3A_382 : i32 to index
      %swap3A_384 = arith.index_cast %add3A_364 : i32 to index
      %swap3A_385 = tpu.vector_load %arg12[%swap3A_383, %swap3A_384] {strides = array<i32>} : memref<4x4096xf32, #tpu.memory_space<vmem>>, vector<16xf32>,
      tpu.vector_store %arg12[%swap3A_383, %swap3A_384], %select_n3A_381 {strides = array<i32>} : memref<4x4096xf32, #tpu.memory_space<vmem>>, vector<16xf32>,
      %mul3A_386 = arith.constant 128 : i32
      %mul3A_387 = arith.muli %scan3A_241, %mul3A_386 : i32
      %add3A_388 = arith.constant 96 : i32
      %add3A_389 = arith.addi %mul3A_387, %add3A_388 : i32
      %get3A_390 = arith.index_cast %add3A_389 : i32 to index
      %get3A_391 = tpu.vector_load %arg8[%get3A_390] {strides = array<i32>} : memref<4096xi32, #tpu.memory_space<vmem>>, vector<16xi32>,
      %sub3A_392 = arith.constant 49920 : i32
      %sub3A_393 = vector.broadcast %sub3A_392 : i32 to vector<16xi32>
      %sub3A_394 = arith.subi %get3A_391, %sub3A_393 : vector<16xi32>
      %max3A_395 = arith.constant 0 : i32
      %max3A_396 = vector.broadcast %max3A_395 : i32 to vector<16xi32>
      %max3A_397 = arith.maxsi %sub3A_394, %max3A_396 : vector<16xi32>
      %gather3A_398 = tpu.vector_load_idx %arg11[%max3A_397] : memref<50080xf32, #tpu.memory_space<vmem>>[vector<16xi32>], vector<16xf32>,
      %ge3A_399 = arith.constant 49920 : i32
      %ge3A_400 = vector.broadcast %ge3A_399 : i32 to vector<16xi32>
      %ge3A_401 = arith.cmpi sge, %get3A_391, %ge3A_400 : vector<16xi32>
      %get3A_402 = arith.constant 1 : i32
      %get3A_403 = arith.index_cast %get3A_402 : i32 to index
      %get3A_404 = arith.index_cast %add3A_389 : i32 to index
      %get3A_405 = tpu.vector_load %arg12[%get3A_403, %get3A_404] {strides = array<i32>} : memref<4x4096xf32, #tpu.memory_space<vmem>>, vector<16xf32>,
      %select_n3A_406 = arith.select %ge3A_401, %gather3A_398, %get3A_405 : vector<16xi1>, vector<16xf32>
      %swap3A_407 = arith.constant 1 : i32
      %swap3A_408 = arith.index_cast %swap3A_407 : i32 to index
      %swap3A_409 = arith.index_cast %add3A_389 : i32 to index
      %swap3A_410 = tpu.vector_load %arg12[%swap3A_408, %swap3A_409] {strides = array<i32>} : memref<4x4096xf32, #tpu.memory_space<vmem>>, vector<16xf32>,
      tpu.vector_store %arg12[%swap3A_408, %swap3A_409], %select_n3A_406 {strides = array<i32>} : memref<4x4096xf32, #tpu.memory_space<vmem>>, vector<16xf32>,
      %mul3A_411 = arith.constant 128 : i32
      %mul3A_412 = arith.muli %scan3A_241, %mul3A_411 : i32
      %add3A_413 = arith.constant 112 : i32
      %add3A_414 = arith.addi %mul3A_412, %add3A_413 : i32
      %get3A_415 = arith.index_cast %add3A_414 : i32 to index
      %get3A_416 = tpu.vector_load %arg8[%get3A_415] {strides = array<i32>} : memref<4096xi32, #tpu.memory_space<vmem>>, vector<16xi32>,
      %sub3A_417 = arith.constant 49920 : i32
      %sub3A_418 = vector.broadcast %sub3A_417 : i32 to vector<16xi32>
      %sub3A_419 = arith.subi %get3A_416, %sub3A_418 : vector<16xi32>
      %max3A_420 = arith.constant 0 : i32
      %max3A_421 = vector.broadcast %max3A_420 : i32 to vector<16xi32>
      %max3A_422 = arith.maxsi %sub3A_419, %max3A_421 : vector<16xi32>
      %gather3A_423 = tpu.vector_load_idx %arg11[%max3A_422] : memref<50080xf32, #tpu.memory_space<vmem>>[vector<16xi32>], vector<16xf32>,
      %ge3A_424 = arith.constant 49920 : i32
      %ge3A_425 = vector.broadcast %ge3A_424 : i32 to vector<16xi32>
      %ge3A_426 = arith.cmpi sge, %get3A_416, %ge3A_425 : vector<16xi32>
      %get3A_427 = arith.constant 1 : i32
      %get3A_428 = arith.index_cast %get3A_427 : i32 to index
      %get3A_429 = arith.index_cast %add3A_414 : i32 to index
      %get3A_430 = tpu.vector_load %arg12[%get3A_428, %get3A_429] {strides = array<i32>} : memref<4x4096xf32, #tpu.memory_space<vmem>>, vector<16xf32>,
      %select_n3A_431 = arith.select %ge3A_426, %gather3A_423, %get3A_430 : vector<16xi1>, vector<16xf32>
      %swap3A_432 = arith.constant 1 : i32
      %swap3A_433 = arith.index_cast %swap3A_432 : i32 to index
      %swap3A_434 = arith.index_cast %add3A_414 : i32 to index
      %swap3A_435 = tpu.vector_load %arg12[%swap3A_433, %swap3A_434] {strides = array<i32>} : memref<4x4096xf32, #tpu.memory_space<vmem>>, vector<16xf32>,
      tpu.vector_store %arg12[%swap3A_433, %swap3A_434], %select_n3A_431 {strides = array<i32>} : memref<4x4096xf32, #tpu.memory_space<vmem>>, vector<16xf32>,
      %scan3A_436 = arith.constant 0 : i32
      scf.yield %scan3A_436 : i32
    }
    %scan3A_125 = arith.constant 32 : i32
    %add3A_126 = arith.constant 0 : i32
    %add3A_127 = arith.addi %add3A, %add3A_126 : i32
    %dma_start3A_128 = arith.constant 0 : i32
    %dma_start3A_129 = tpu.memref_slice %arg11[%dma_start3A_128] : memref<50080xf32, #tpu.memory_space<vmem>> -> memref<50080xf32, #tpu.memory_space<vmem>>
    %dma_start3A_130 = arith.constant 49920 : i32
    %dma_start3A_131 = tpu.memref_slice %arg5[%add3A_127, %dma_start3A_130] : memref<64x100000xf32, #tpu.memory_space<hbm>> -> memref<1x50080xf32, #tpu.memory_space<hbm>>
    %dma_start3A_132 = tpu.memref_squeeze %dma_start3A_131 : memref<1x50080xf32, #tpu.memory_space<hbm>> -> memref<50080xf32, #tpu.memory_space<hbm>>
    %dma_start3A_133 = arith.constant 0 : i32
    %dma_start3A_134 = tpu.memref_slice %arg11[%dma_start3A_133] : memref<50080xf32, #tpu.memory_space<vmem>> -> memref<50080xf32, #tpu.memory_space<vmem>>
    %dma_start3A_135 = arith.constant 49920 : i32
    %dma_start3A_136 = tpu.memref_slice %arg5[%add3A_127, %dma_start3A_135] : memref<64x100000xf32, #tpu.memory_space<hbm>> -> memref<1x50080xf32, #tpu.memory_space<hbm>>
    %dma_start3A_137 = tpu.memref_squeeze %dma_start3A_136 : memref<1x50080xf32, #tpu.memory_space<hbm>> -> memref<50080xf32, #tpu.memory_space<hbm>>
    tpu.enqueue_dma source(%dma_start3A_137 : memref<50080xf32, #tpu.memory_space<hbm>>) target(%dma_start3A_134 : memref<50080xf32, #tpu.memory_space<vmem>>) target_semaphore(%arg13 : memref<!tpu.dma_semaphore, #tpu.memory_space<semaphore_mem>>)
    %dma_wait3A_138 = arith.constant 0 : i32
    %dma_wait3A_139 = tpu.memref_slice %arg10[%dma_wait3A_138] : memref<50080xf32, #tpu.memory_space<vmem>> -> memref<49920xf32, #tpu.memory_space<vmem>>
    %dma_wait3A_140 = arith.constant 0 : i32
    %dma_wait3A_141 = tpu.memref_slice %arg5[%add3A_98, %dma_wait3A_140] : memref<64x100000xf32, #tpu.memory_space<hbm>> -> memref<1x49920xf32, #tpu.memory_space<hbm>>
    %dma_wait3A_142 = tpu.memref_squeeze %dma_wait3A_141 : memref<1x49920xf32, #tpu.memory_space<hbm>> -> memref<49920xf32, #tpu.memory_space<hbm>>
    %dma_wait3A_143 = arith.constant 0 : i32
    %dma_wait3A_144 = tpu.memref_slice %arg10[%dma_wait3A_143] : memref<50080xf32, #tpu.memory_space<vmem>> -> memref<49920xf32, #tpu.memory_space<vmem>>
    %dma_wait3A_145 = arith.constant 0 : i32
    %dma_wait3A_146 = tpu.memref_slice %arg5[%add3A_98, %dma_wait3A_145] : memref<64x100000xf32, #tpu.memory_space<hbm>> -> memref<1x49920xf32, #tpu.memory_space<hbm>>
    %dma_wait3A_147 = tpu.memref_squeeze %dma_wait3A_146 : memref<1x49920xf32, #tpu.memory_space<hbm>> -> memref<49920xf32, #tpu.memory_space<hbm>>
    tpu.wait_dma2 semaphore(%arg13 : memref<!tpu.dma_semaphore, #tpu.memory_space<semaphore_mem>>) src(%dma_wait3A_147 : memref<49920xf32, #tpu.memory_space<hbm>>) dst(%dma_wait3A_144 : memref<49920xf32, #tpu.memory_space<vmem>>)
    %scan3A_148 = arith.constant 0 : i32
    %scan3A_149 = arith.constant 0 : i32
    %scan3A_150 = arith.constant 32 : i32
    %scan3A_151 = arith.addi %scan3A_149, %scan3A_150 : i32
    %scan3A_152 = arith.constant 1 : i32
    %scan3A_153 = scf.for %scan3A_241 = %scan3A_149 to %scan3A_151 step %scan3A_152 iter_args(%scan3A_242 = %scan3A_148) -> (i32)  : i32 {
      %mul3A_243 = arith.constant 128 : i32
      %mul3A_244 = arith.muli %scan3A_241, %mul3A_243 : i32
      %add3A_245 = arith.constant 0 : i32
      %add3A_246 = arith.addi %mul3A_244, %add3A_245 : i32
      %get3A = arith.index_cast %add3A_246 : i32 to index
      %get3A_247 = tpu.vector_load %arg9[%get3A] {strides = array<i32>} : memref<4096xi32, #tpu.memory_space<vmem>>, vector<16xi32>,
      %min3A = arith.constant 49919 : i32
      %min3A_248 = vector.broadcast %min3A : i32 to vector<16xi32>
      %min3A_249 = arith.minsi %get3A_247, %min3A_248 : vector<16xi32>
      %gather3A = tpu.vector_load_idx %arg10[%min3A_249] : memref<50080xf32, #tpu.memory_space<vmem>>[vector<16xi32>], vector<16xf32>,
      %lt3A = arith.constant 49920 : i32
      %lt3A_250 = vector.broadcast %lt3A : i32 to vector<16xi32>
      %lt3A_251 = arith.cmpi slt, %get3A_247, %lt3A_250 : vector<16xi32>
      %jit3A = arith.constant 0.000000e+00 : f32
      %broadcast_in_dim3A = vector.broadcast %jit3A : f32 to vector<16xf32>
      %select_n3A = arith.select %lt3A_251, %gather3A, %broadcast_in_dim3A : vector<16xi1>, vector<16xf32>
      %swap3A = arith.constant 2 : i32
      %swap3A_252 = arith.index_cast %swap3A : i32 to index
      %swap3A_253 = arith.index_cast %add3A_246 : i32 to index
      %swap3A_254 = tpu.vector_load %arg12[%swap3A_252, %swap3A_253] {strides = array<i32>} : memref<4x4096xf32, #tpu.memory_space<vmem>>, vector<16xf32>,
      tpu.vector_store %arg12[%swap3A_252, %swap3A_253], %select_n3A {strides = array<i32>} : memref<4x4096xf32, #tpu.memory_space<vmem>>, vector<16xf32>,
      %mul3A_255 = arith.constant 128 : i32
      %mul3A_256 = arith.muli %scan3A_241, %mul3A_255 : i32
      %add3A_257 = arith.constant 16 : i32
      %add3A_258 = arith.addi %mul3A_256, %add3A_257 : i32
      %get3A_259 = arith.index_cast %add3A_258 : i32 to index
      %get3A_260 = tpu.vector_load %arg9[%get3A_259] {strides = array<i32>} : memref<4096xi32, #tpu.memory_space<vmem>>, vector<16xi32>,
      %min3A_261 = arith.constant 49919 : i32
      %min3A_262 = vector.broadcast %min3A_261 : i32 to vector<16xi32>
      %min3A_263 = arith.minsi %get3A_260, %min3A_262 : vector<16xi32>
      %gather3A_264 = tpu.vector_load_idx %arg10[%min3A_263] : memref<50080xf32, #tpu.memory_space<vmem>>[vector<16xi32>], vector<16xf32>,
      %lt3A_265 = arith.constant 49920 : i32
      %lt3A_266 = vector.broadcast %lt3A_265 : i32 to vector<16xi32>
      %lt3A_267 = arith.cmpi slt, %get3A_260, %lt3A_266 : vector<16xi32>
      %jit3A_268 = arith.constant 0.000000e+00 : f32
      %broadcast_in_dim3A_269 = vector.broadcast %jit3A_268 : f32 to vector<16xf32>
      %select_n3A_270 = arith.select %lt3A_267, %gather3A_264, %broadcast_in_dim3A_269 : vector<16xi1>, vector<16xf32>
      %swap3A_271 = arith.constant 2 : i32
      %swap3A_272 = arith.index_cast %swap3A_271 : i32 to index
      %swap3A_273 = arith.index_cast %add3A_258 : i32 to index
      %swap3A_274 = tpu.vector_load %arg12[%swap3A_272, %swap3A_273] {strides = array<i32>} : memref<4x4096xf32, #tpu.memory_space<vmem>>, vector<16xf32>,
      tpu.vector_store %arg12[%swap3A_272, %swap3A_273], %select_n3A_270 {strides = array<i32>} : memref<4x4096xf32, #tpu.memory_space<vmem>>, vector<16xf32>,
      %mul3A_275 = arith.constant 128 : i32
      %mul3A_276 = arith.muli %scan3A_241, %mul3A_275 : i32
      %add3A_277 = arith.constant 32 : i32
      %add3A_278 = arith.addi %mul3A_276, %add3A_277 : i32
      %get3A_279 = arith.index_cast %add3A_278 : i32 to index
      %get3A_280 = tpu.vector_load %arg9[%get3A_279] {strides = array<i32>} : memref<4096xi32, #tpu.memory_space<vmem>>, vector<16xi32>,
      %min3A_281 = arith.constant 49919 : i32
      %min3A_282 = vector.broadcast %min3A_281 : i32 to vector<16xi32>
      %min3A_283 = arith.minsi %get3A_280, %min3A_282 : vector<16xi32>
      %gather3A_284 = tpu.vector_load_idx %arg10[%min3A_283] : memref<50080xf32, #tpu.memory_space<vmem>>[vector<16xi32>], vector<16xf32>,
      %lt3A_285 = arith.constant 49920 : i32
      %lt3A_286 = vector.broadcast %lt3A_285 : i32 to vector<16xi32>
      %lt3A_287 = arith.cmpi slt, %get3A_280, %lt3A_286 : vector<16xi32>
      %jit3A_288 = arith.constant 0.000000e+00 : f32
      %broadcast_in_dim3A_289 = vector.broadcast %jit3A_288 : f32 to vector<16xf32>
      %select_n3A_290 = arith.select %lt3A_287, %gather3A_284, %broadcast_in_dim3A_289 : vector<16xi1>, vector<16xf32>
      %swap3A_291 = arith.constant 2 : i32
      %swap3A_292 = arith.index_cast %swap3A_291 : i32 to index
      %swap3A_293 = arith.index_cast %add3A_278 : i32 to index
      %swap3A_294 = tpu.vector_load %arg12[%swap3A_292, %swap3A_293] {strides = array<i32>} : memref<4x4096xf32, #tpu.memory_space<vmem>>, vector<16xf32>,
      tpu.vector_store %arg12[%swap3A_292, %swap3A_293], %select_n3A_290 {strides = array<i32>} : memref<4x4096xf32, #tpu.memory_space<vmem>>, vector<16xf32>,
      %mul3A_295 = arith.constant 128 : i32
      %mul3A_296 = arith.muli %scan3A_241, %mul3A_295 : i32
      %add3A_297 = arith.constant 48 : i32
      %add3A_298 = arith.addi %mul3A_296, %add3A_297 : i32
      %get3A_299 = arith.index_cast %add3A_298 : i32 to index
      %get3A_300 = tpu.vector_load %arg9[%get3A_299] {strides = array<i32>} : memref<4096xi32, #tpu.memory_space<vmem>>, vector<16xi32>,
      %min3A_301 = arith.constant 49919 : i32
      %min3A_302 = vector.broadcast %min3A_301 : i32 to vector<16xi32>
      %min3A_303 = arith.minsi %get3A_300, %min3A_302 : vector<16xi32>
      %gather3A_304 = tpu.vector_load_idx %arg10[%min3A_303] : memref<50080xf32, #tpu.memory_space<vmem>>[vector<16xi32>], vector<16xf32>,
      %lt3A_305 = arith.constant 49920 : i32
      %lt3A_306 = vector.broadcast %lt3A_305 : i32 to vector<16xi32>
      %lt3A_307 = arith.cmpi slt, %get3A_300, %lt3A_306 : vector<16xi32>
      %jit3A_308 = arith.constant 0.000000e+00 : f32
      %broadcast_in_dim3A_309 = vector.broadcast %jit3A_308 : f32 to vector<16xf32>
      %select_n3A_310 = arith.select %lt3A_307, %gather3A_304, %broadcast_in_dim3A_309 : vector<16xi1>, vector<16xf32>
      %swap3A_311 = arith.constant 2 : i32
      %swap3A_312 = arith.index_cast %swap3A_311 : i32 to index
      %swap3A_313 = arith.index_cast %add3A_298 : i32 to index
      %swap3A_314 = tpu.vector_load %arg12[%swap3A_312, %swap3A_313] {strides = array<i32>} : memref<4x4096xf32, #tpu.memory_space<vmem>>, vector<16xf32>,
      tpu.vector_store %arg12[%swap3A_312, %swap3A_313], %select_n3A_310 {strides = array<i32>} : memref<4x4096xf32, #tpu.memory_space<vmem>>, vector<16xf32>,
      %mul3A_315 = arith.constant 128 : i32
      %mul3A_316 = arith.muli %scan3A_241, %mul3A_315 : i32
      %add3A_317 = arith.constant 64 : i32
      %add3A_318 = arith.addi %mul3A_316, %add3A_317 : i32
      %get3A_319 = arith.index_cast %add3A_318 : i32 to index
      %get3A_320 = tpu.vector_load %arg9[%get3A_319] {strides = array<i32>} : memref<4096xi32, #tpu.memory_space<vmem>>, vector<16xi32>,
      %min3A_321 = arith.constant 49919 : i32
      %min3A_322 = vector.broadcast %min3A_321 : i32 to vector<16xi32>
      %min3A_323 = arith.minsi %get3A_320, %min3A_322 : vector<16xi32>
      %gather3A_324 = tpu.vector_load_idx %arg10[%min3A_323] : memref<50080xf32, #tpu.memory_space<vmem>>[vector<16xi32>], vector<16xf32>,
      %lt3A_325 = arith.constant 49920 : i32
      %lt3A_326 = vector.broadcast %lt3A_325 : i32 to vector<16xi32>
      %lt3A_327 = arith.cmpi slt, %get3A_320, %lt3A_326 : vector<16xi32>
      %jit3A_328 = arith.constant 0.000000e+00 : f32
      %broadcast_in_dim3A_329 = vector.broadcast %jit3A_328 : f32 to vector<16xf32>
      %select_n3A_330 = arith.select %lt3A_327, %gather3A_324, %broadcast_in_dim3A_329 : vector<16xi1>, vector<16xf32>
      %swap3A_331 = arith.constant 2 : i32
      %swap3A_332 = arith.index_cast %swap3A_331 : i32 to index
      %swap3A_333 = arith.index_cast %add3A_318 : i32 to index
      %swap3A_334 = tpu.vector_load %arg12[%swap3A_332, %swap3A_333] {strides = array<i32>} : memref<4x4096xf32, #tpu.memory_space<vmem>>, vector<16xf32>,
      tpu.vector_store %arg12[%swap3A_332, %swap3A_333], %select_n3A_330 {strides = array<i32>} : memref<4x4096xf32, #tpu.memory_space<vmem>>, vector<16xf32>,
      %mul3A_335 = arith.constant 128 : i32
      %mul3A_336 = arith.muli %scan3A_241, %mul3A_335 : i32
      %add3A_337 = arith.constant 80 : i32
      %add3A_338 = arith.addi %mul3A_336, %add3A_337 : i32
      %get3A_339 = arith.index_cast %add3A_338 : i32 to index
      %get3A_340 = tpu.vector_load %arg9[%get3A_339] {strides = array<i32>} : memref<4096xi32, #tpu.memory_space<vmem>>, vector<16xi32>,
      %min3A_341 = arith.constant 49919 : i32
      %min3A_342 = vector.broadcast %min3A_341 : i32 to vector<16xi32>
      %min3A_343 = arith.minsi %get3A_340, %min3A_342 : vector<16xi32>
      %gather3A_344 = tpu.vector_load_idx %arg10[%min3A_343] : memref<50080xf32, #tpu.memory_space<vmem>>[vector<16xi32>], vector<16xf32>,
      %lt3A_345 = arith.constant 49920 : i32
      %lt3A_346 = vector.broadcast %lt3A_345 : i32 to vector<16xi32>
      %lt3A_347 = arith.cmpi slt, %get3A_340, %lt3A_346 : vector<16xi32>
      %jit3A_348 = arith.constant 0.000000e+00 : f32
      %broadcast_in_dim3A_349 = vector.broadcast %jit3A_348 : f32 to vector<16xf32>
      %select_n3A_350 = arith.select %lt3A_347, %gather3A_344, %broadcast_in_dim3A_349 : vector<16xi1>, vector<16xf32>
      %swap3A_351 = arith.constant 2 : i32
      %swap3A_352 = arith.index_cast %swap3A_351 : i32 to index
      %swap3A_353 = arith.index_cast %add3A_338 : i32 to index
      %swap3A_354 = tpu.vector_load %arg12[%swap3A_352, %swap3A_353] {strides = array<i32>} : memref<4x4096xf32, #tpu.memory_space<vmem>>, vector<16xf32>,
      tpu.vector_store %arg12[%swap3A_352, %swap3A_353], %select_n3A_350 {strides = array<i32>} : memref<4x4096xf32, #tpu.memory_space<vmem>>, vector<16xf32>,
      %mul3A_355 = arith.constant 128 : i32
      %mul3A_356 = arith.muli %scan3A_241, %mul3A_355 : i32
      %add3A_357 = arith.constant 96 : i32
      %add3A_358 = arith.addi %mul3A_356, %add3A_357 : i32
      %get3A_359 = arith.index_cast %add3A_358 : i32 to index
      %get3A_360 = tpu.vector_load %arg9[%get3A_359] {strides = array<i32>} : memref<4096xi32, #tpu.memory_space<vmem>>, vector<16xi32>,
      %min3A_361 = arith.constant 49919 : i32
      %min3A_362 = vector.broadcast %min3A_361 : i32 to vector<16xi32>
      %min3A_363 = arith.minsi %get3A_360, %min3A_362 : vector<16xi32>
      %gather3A_364 = tpu.vector_load_idx %arg10[%min3A_363] : memref<50080xf32, #tpu.memory_space<vmem>>[vector<16xi32>], vector<16xf32>,
      %lt3A_365 = arith.constant 49920 : i32
      %lt3A_366 = vector.broadcast %lt3A_365 : i32 to vector<16xi32>
      %lt3A_367 = arith.cmpi slt, %get3A_360, %lt3A_366 : vector<16xi32>
      %jit3A_368 = arith.constant 0.000000e+00 : f32
      %broadcast_in_dim3A_369 = vector.broadcast %jit3A_368 : f32 to vector<16xf32>
      %select_n3A_370 = arith.select %lt3A_367, %gather3A_364, %broadcast_in_dim3A_369 : vector<16xi1>, vector<16xf32>
      %swap3A_371 = arith.constant 2 : i32
      %swap3A_372 = arith.index_cast %swap3A_371 : i32 to index
      %swap3A_373 = arith.index_cast %add3A_358 : i32 to index
      %swap3A_374 = tpu.vector_load %arg12[%swap3A_372, %swap3A_373] {strides = array<i32>} : memref<4x4096xf32, #tpu.memory_space<vmem>>, vector<16xf32>,
      tpu.vector_store %arg12[%swap3A_372, %swap3A_373], %select_n3A_370 {strides = array<i32>} : memref<4x4096xf32, #tpu.memory_space<vmem>>, vector<16xf32>,
      %mul3A_375 = arith.constant 128 : i32
      %mul3A_376 = arith.muli %scan3A_241, %mul3A_375 : i32
      %add3A_377 = arith.constant 112 : i32
      %add3A_378 = arith.addi %mul3A_376, %add3A_377 : i32
      %get3A_379 = arith.index_cast %add3A_378 : i32 to index
      %get3A_380 = tpu.vector_load %arg9[%get3A_379] {strides = array<i32>} : memref<4096xi32, #tpu.memory_space<vmem>>, vector<16xi32>,
      %min3A_381 = arith.constant 49919 : i32
      %min3A_382 = vector.broadcast %min3A_381 : i32 to vector<16xi32>
      %min3A_383 = arith.minsi %get3A_380, %min3A_382 : vector<16xi32>
      %gather3A_384 = tpu.vector_load_idx %arg10[%min3A_383] : memref<50080xf32, #tpu.memory_space<vmem>>[vector<16xi32>], vector<16xf32>,
      %lt3A_385 = arith.constant 49920 : i32
      %lt3A_386 = vector.broadcast %lt3A_385 : i32 to vector<16xi32>
      %lt3A_387 = arith.cmpi slt, %get3A_380, %lt3A_386 : vector<16xi32>
      %jit3A_388 = arith.constant 0.000000e+00 : f32
      %broadcast_in_dim3A_389 = vector.broadcast %jit3A_388 : f32 to vector<16xf32>
      %select_n3A_390 = arith.select %lt3A_387, %gather3A_384, %broadcast_in_dim3A_389 : vector<16xi1>, vector<16xf32>
      %swap3A_391 = arith.constant 2 : i32
      %swap3A_392 = arith.index_cast %swap3A_391 : i32 to index
      %swap3A_393 = arith.index_cast %add3A_378 : i32 to index
      %swap3A_394 = tpu.vector_load %arg12[%swap3A_392, %swap3A_393] {strides = array<i32>} : memref<4x4096xf32, #tpu.memory_space<vmem>>, vector<16xf32>,
      tpu.vector_store %arg12[%swap3A_392, %swap3A_393], %select_n3A_390 {strides = array<i32>} : memref<4x4096xf32, #tpu.memory_space<vmem>>, vector<16xf32>,
      %scan3A_395 = arith.constant 0 : i32
      scf.yield %scan3A_395 : i32
    }
    %scan3A_154 = arith.constant 32 : i32
    %add3A_155 = arith.constant 32 : i32
    %add3A_156 = arith.addi %add3A, %add3A_155 : i32
    %dma_start3A_157 = arith.constant 0 : i32
    %dma_start3A_158 = tpu.memref_slice %arg10[%dma_start3A_157] : memref<50080xf32, #tpu.memory_space<vmem>> -> memref<49920xf32, #tpu.memory_space<vmem>>
    %dma_start3A_159 = arith.constant 0 : i32
    %dma_start3A_160 = tpu.memref_slice %arg5[%add3A_156, %dma_start3A_159] : memref<64x100000xf32, #tpu.memory_space<hbm>> -> memref<1x49920xf32, #tpu.memory_space<hbm>>
    %dma_start3A_161 = tpu.memref_squeeze %dma_start3A_160 : memref<1x49920xf32, #tpu.memory_space<hbm>> -> memref<49920xf32, #tpu.memory_space<hbm>>
    %dma_start3A_162 = arith.constant 0 : i32
    %dma_start3A_163 = tpu.memref_slice %arg10[%dma_start3A_162] : memref<50080xf32, #tpu.memory_space<vmem>> -> memref<49920xf32, #tpu.memory_space<vmem>>
    %dma_start3A_164 = arith.constant 0 : i32
    %dma_start3A_165 = tpu.memref_slice %arg5[%add3A_156, %dma_start3A_164] : memref<64x100000xf32, #tpu.memory_space<hbm>> -> memref<1x49920xf32, #tpu.memory_space<hbm>>
    %dma_start3A_166 = tpu.memref_squeeze %dma_start3A_165 : memref<1x49920xf32, #tpu.memory_space<hbm>> -> memref<49920xf32, #tpu.memory_space<hbm>>
    tpu.enqueue_dma source(%dma_start3A_166 : memref<49920xf32, #tpu.memory_space<hbm>>) target(%dma_start3A_163 : memref<49920xf32, #tpu.memory_space<vmem>>) target_semaphore(%arg13 : memref<!tpu.dma_semaphore, #tpu.memory_space<semaphore_mem>>)
    %dma_wait3A_167 = arith.constant 0 : i32
    %dma_wait3A_168 = tpu.memref_slice %arg11[%dma_wait3A_167] : memref<50080xf32, #tpu.memory_space<vmem>> -> memref<50080xf32, #tpu.memory_space<vmem>>
    %dma_wait3A_169 = arith.constant 49920 : i32
    %dma_wait3A_170 = tpu.memref_slice %arg5[%add3A_127, %dma_wait3A_169] : memref<64x100000xf32, #tpu.memory_space<hbm>> -> memref<1x50080xf32, #tpu.memory_space<hbm>>
    %dma_wait3A_171 = tpu.memref_squeeze %dma_wait3A_170 : memref<1x50080xf32, #tpu.memory_space<hbm>> -> memref<50080xf32, #tpu.memory_space<hbm>>
    %dma_wait3A_172 = arith.constant 0 : i32
    %dma_wait3A_173 = tpu.memref_slice %arg11[%dma_wait3A_172] : memref<50080xf32, #tpu.memory_space<vmem>> -> memref<50080xf32, #tpu.memory_space<vmem>>
    %dma_wait3A_174 = arith.constant 49920 : i32
    %dma_wait3A_175 = tpu.memref_slice %arg5[%add3A_127, %dma_wait3A_174] : memref<64x100000xf32, #tpu.memory_space<hbm>> -> memref<1x50080xf32, #tpu.memory_space<hbm>>
    %dma_wait3A_176 = tpu.memref_squeeze %dma_wait3A_175 : memref<1x50080xf32, #tpu.memory_space<hbm>> -> memref<50080xf32, #tpu.memory_space<hbm>>
    tpu.wait_dma2 semaphore(%arg13 : memref<!tpu.dma_semaphore, #tpu.memory_space<semaphore_mem>>) src(%dma_wait3A_176 : memref<50080xf32, #tpu.memory_space<hbm>>) dst(%dma_wait3A_173 : memref<50080xf32, #tpu.memory_space<vmem>>)
    %scan3A_177 = arith.constant 0 : i32
    %scan3A_178 = arith.constant 0 : i32
    %scan3A_179 = arith.constant 32 : i32
    %scan3A_180 = arith.addi %scan3A_178, %scan3A_179 : i32
    %scan3A_181 = arith.constant 1 : i32
    %scan3A_182 = scf.for %scan3A_241 = %scan3A_178 to %scan3A_180 step %scan3A_181 iter_args(%scan3A_242 = %scan3A_177) -> (i32)  : i32 {
      %mul3A_243 = arith.constant 128 : i32
      %mul3A_244 = arith.muli %scan3A_241, %mul3A_243 : i32
      %add3A_245 = arith.constant 0 : i32
      %add3A_246 = arith.addi %mul3A_244, %add3A_245 : i32
      %get3A = arith.index_cast %add3A_246 : i32 to index
      %get3A_247 = tpu.vector_load %arg9[%get3A] {strides = array<i32>} : memref<4096xi32, #tpu.memory_space<vmem>>, vector<16xi32>,
      %sub3A = arith.constant 49920 : i32
      %sub3A_248 = vector.broadcast %sub3A : i32 to vector<16xi32>
      %sub3A_249 = arith.subi %get3A_247, %sub3A_248 : vector<16xi32>
      %max3A = arith.constant 0 : i32
      %max3A_250 = vector.broadcast %max3A : i32 to vector<16xi32>
      %max3A_251 = arith.maxsi %sub3A_249, %max3A_250 : vector<16xi32>
      %gather3A = tpu.vector_load_idx %arg11[%max3A_251] : memref<50080xf32, #tpu.memory_space<vmem>>[vector<16xi32>], vector<16xf32>,
      %ge3A = arith.constant 49920 : i32
      %ge3A_252 = vector.broadcast %ge3A : i32 to vector<16xi32>
      %ge3A_253 = arith.cmpi sge, %get3A_247, %ge3A_252 : vector<16xi32>
      %get3A_254 = arith.constant 2 : i32
      %get3A_255 = arith.index_cast %get3A_254 : i32 to index
      %get3A_256 = arith.index_cast %add3A_246 : i32 to index
      %get3A_257 = tpu.vector_load %arg12[%get3A_255, %get3A_256] {strides = array<i32>} : memref<4x4096xf32, #tpu.memory_space<vmem>>, vector<16xf32>,
      %select_n3A = arith.select %ge3A_253, %gather3A, %get3A_257 : vector<16xi1>, vector<16xf32>
      %swap3A = arith.constant 2 : i32
      %swap3A_258 = arith.index_cast %swap3A : i32 to index
      %swap3A_259 = arith.index_cast %add3A_246 : i32 to index
      %swap3A_260 = tpu.vector_load %arg12[%swap3A_258, %swap3A_259] {strides = array<i32>} : memref<4x4096xf32, #tpu.memory_space<vmem>>, vector<16xf32>,
      tpu.vector_store %arg12[%swap3A_258, %swap3A_259], %select_n3A {strides = array<i32>} : memref<4x4096xf32, #tpu.memory_space<vmem>>, vector<16xf32>,
      %mul3A_261 = arith.constant 128 : i32
      %mul3A_262 = arith.muli %scan3A_241, %mul3A_261 : i32
      %add3A_263 = arith.constant 16 : i32
      %add3A_264 = arith.addi %mul3A_262, %add3A_263 : i32
      %get3A_265 = arith.index_cast %add3A_264 : i32 to index
      %get3A_266 = tpu.vector_load %arg9[%get3A_265] {strides = array<i32>} : memref<4096xi32, #tpu.memory_space<vmem>>, vector<16xi32>,
      %sub3A_267 = arith.constant 49920 : i32
      %sub3A_268 = vector.broadcast %sub3A_267 : i32 to vector<16xi32>
      %sub3A_269 = arith.subi %get3A_266, %sub3A_268 : vector<16xi32>
      %max3A_270 = arith.constant 0 : i32
      %max3A_271 = vector.broadcast %max3A_270 : i32 to vector<16xi32>
      %max3A_272 = arith.maxsi %sub3A_269, %max3A_271 : vector<16xi32>
      %gather3A_273 = tpu.vector_load_idx %arg11[%max3A_272] : memref<50080xf32, #tpu.memory_space<vmem>>[vector<16xi32>], vector<16xf32>,
      %ge3A_274 = arith.constant 49920 : i32
      %ge3A_275 = vector.broadcast %ge3A_274 : i32 to vector<16xi32>
      %ge3A_276 = arith.cmpi sge, %get3A_266, %ge3A_275 : vector<16xi32>
      %get3A_277 = arith.constant 2 : i32
      %get3A_278 = arith.index_cast %get3A_277 : i32 to index
      %get3A_279 = arith.index_cast %add3A_264 : i32 to index
      %get3A_280 = tpu.vector_load %arg12[%get3A_278, %get3A_279] {strides = array<i32>} : memref<4x4096xf32, #tpu.memory_space<vmem>>, vector<16xf32>,
      %select_n3A_281 = arith.select %ge3A_276, %gather3A_273, %get3A_280 : vector<16xi1>, vector<16xf32>
      %swap3A_282 = arith.constant 2 : i32
      %swap3A_283 = arith.index_cast %swap3A_282 : i32 to index
      %swap3A_284 = arith.index_cast %add3A_264 : i32 to index
      %swap3A_285 = tpu.vector_load %arg12[%swap3A_283, %swap3A_284] {strides = array<i32>} : memref<4x4096xf32, #tpu.memory_space<vmem>>, vector<16xf32>,
      tpu.vector_store %arg12[%swap3A_283, %swap3A_284], %select_n3A_281 {strides = array<i32>} : memref<4x4096xf32, #tpu.memory_space<vmem>>, vector<16xf32>,
      %mul3A_286 = arith.constant 128 : i32
      %mul3A_287 = arith.muli %scan3A_241, %mul3A_286 : i32
      %add3A_288 = arith.constant 32 : i32
      %add3A_289 = arith.addi %mul3A_287, %add3A_288 : i32
      %get3A_290 = arith.index_cast %add3A_289 : i32 to index
      %get3A_291 = tpu.vector_load %arg9[%get3A_290] {strides = array<i32>} : memref<4096xi32, #tpu.memory_space<vmem>>, vector<16xi32>,
      %sub3A_292 = arith.constant 49920 : i32
      %sub3A_293 = vector.broadcast %sub3A_292 : i32 to vector<16xi32>
      %sub3A_294 = arith.subi %get3A_291, %sub3A_293 : vector<16xi32>
      %max3A_295 = arith.constant 0 : i32
      %max3A_296 = vector.broadcast %max3A_295 : i32 to vector<16xi32>
      %max3A_297 = arith.maxsi %sub3A_294, %max3A_296 : vector<16xi32>
      %gather3A_298 = tpu.vector_load_idx %arg11[%max3A_297] : memref<50080xf32, #tpu.memory_space<vmem>>[vector<16xi32>], vector<16xf32>,
      %ge3A_299 = arith.constant 49920 : i32
      %ge3A_300 = vector.broadcast %ge3A_299 : i32 to vector<16xi32>
      %ge3A_301 = arith.cmpi sge, %get3A_291, %ge3A_300 : vector<16xi32>
      %get3A_302 = arith.constant 2 : i32
      %get3A_303 = arith.index_cast %get3A_302 : i32 to index
      %get3A_304 = arith.index_cast %add3A_289 : i32 to index
      %get3A_305 = tpu.vector_load %arg12[%get3A_303, %get3A_304] {strides = array<i32>} : memref<4x4096xf32, #tpu.memory_space<vmem>>, vector<16xf32>,
      %select_n3A_306 = arith.select %ge3A_301, %gather3A_298, %get3A_305 : vector<16xi1>, vector<16xf32>
      %swap3A_307 = arith.constant 2 : i32
      %swap3A_308 = arith.index_cast %swap3A_307 : i32 to index
      %swap3A_309 = arith.index_cast %add3A_289 : i32 to index
      %swap3A_310 = tpu.vector_load %arg12[%swap3A_308, %swap3A_309] {strides = array<i32>} : memref<4x4096xf32, #tpu.memory_space<vmem>>, vector<16xf32>,
      tpu.vector_store %arg12[%swap3A_308, %swap3A_309], %select_n3A_306 {strides = array<i32>} : memref<4x4096xf32, #tpu.memory_space<vmem>>, vector<16xf32>,
      %mul3A_311 = arith.constant 128 : i32
      %mul3A_312 = arith.muli %scan3A_241, %mul3A_311 : i32
      %add3A_313 = arith.constant 48 : i32
      %add3A_314 = arith.addi %mul3A_312, %add3A_313 : i32
      %get3A_315 = arith.index_cast %add3A_314 : i32 to index
      %get3A_316 = tpu.vector_load %arg9[%get3A_315] {strides = array<i32>} : memref<4096xi32, #tpu.memory_space<vmem>>, vector<16xi32>,
      %sub3A_317 = arith.constant 49920 : i32
      %sub3A_318 = vector.broadcast %sub3A_317 : i32 to vector<16xi32>
      %sub3A_319 = arith.subi %get3A_316, %sub3A_318 : vector<16xi32>
      %max3A_320 = arith.constant 0 : i32
      %max3A_321 = vector.broadcast %max3A_320 : i32 to vector<16xi32>
      %max3A_322 = arith.maxsi %sub3A_319, %max3A_321 : vector<16xi32>
      %gather3A_323 = tpu.vector_load_idx %arg11[%max3A_322] : memref<50080xf32, #tpu.memory_space<vmem>>[vector<16xi32>], vector<16xf32>,
      %ge3A_324 = arith.constant 49920 : i32
      %ge3A_325 = vector.broadcast %ge3A_324 : i32 to vector<16xi32>
      %ge3A_326 = arith.cmpi sge, %get3A_316, %ge3A_325 : vector<16xi32>
      %get3A_327 = arith.constant 2 : i32
      %get3A_328 = arith.index_cast %get3A_327 : i32 to index
      %get3A_329 = arith.index_cast %add3A_314 : i32 to index
      %get3A_330 = tpu.vector_load %arg12[%get3A_328, %get3A_329] {strides = array<i32>} : memref<4x4096xf32, #tpu.memory_space<vmem>>, vector<16xf32>,
      %select_n3A_331 = arith.select %ge3A_326, %gather3A_323, %get3A_330 : vector<16xi1>, vector<16xf32>
      %swap3A_332 = arith.constant 2 : i32
      %swap3A_333 = arith.index_cast %swap3A_332 : i32 to index
      %swap3A_334 = arith.index_cast %add3A_314 : i32 to index
      %swap3A_335 = tpu.vector_load %arg12[%swap3A_333, %swap3A_334] {strides = array<i32>} : memref<4x4096xf32, #tpu.memory_space<vmem>>, vector<16xf32>,
      tpu.vector_store %arg12[%swap3A_333, %swap3A_334], %select_n3A_331 {strides = array<i32>} : memref<4x4096xf32, #tpu.memory_space<vmem>>, vector<16xf32>,
      %mul3A_336 = arith.constant 128 : i32
      %mul3A_337 = arith.muli %scan3A_241, %mul3A_336 : i32
      %add3A_338 = arith.constant 64 : i32
      %add3A_339 = arith.addi %mul3A_337, %add3A_338 : i32
      %get3A_340 = arith.index_cast %add3A_339 : i32 to index
      %get3A_341 = tpu.vector_load %arg9[%get3A_340] {strides = array<i32>} : memref<4096xi32, #tpu.memory_space<vmem>>, vector<16xi32>,
      %sub3A_342 = arith.constant 49920 : i32
      %sub3A_343 = vector.broadcast %sub3A_342 : i32 to vector<16xi32>
      %sub3A_344 = arith.subi %get3A_341, %sub3A_343 : vector<16xi32>
      %max3A_345 = arith.constant 0 : i32
      %max3A_346 = vector.broadcast %max3A_345 : i32 to vector<16xi32>
      %max3A_347 = arith.maxsi %sub3A_344, %max3A_346 : vector<16xi32>
      %gather3A_348 = tpu.vector_load_idx %arg11[%max3A_347] : memref<50080xf32, #tpu.memory_space<vmem>>[vector<16xi32>], vector<16xf32>,
      %ge3A_349 = arith.constant 49920 : i32
      %ge3A_350 = vector.broadcast %ge3A_349 : i32 to vector<16xi32>
      %ge3A_351 = arith.cmpi sge, %get3A_341, %ge3A_350 : vector<16xi32>
      %get3A_352 = arith.constant 2 : i32
      %get3A_353 = arith.index_cast %get3A_352 : i32 to index
      %get3A_354 = arith.index_cast %add3A_339 : i32 to index
      %get3A_355 = tpu.vector_load %arg12[%get3A_353, %get3A_354] {strides = array<i32>} : memref<4x4096xf32, #tpu.memory_space<vmem>>, vector<16xf32>,
      %select_n3A_356 = arith.select %ge3A_351, %gather3A_348, %get3A_355 : vector<16xi1>, vector<16xf32>
      %swap3A_357 = arith.constant 2 : i32
      %swap3A_358 = arith.index_cast %swap3A_357 : i32 to index
      %swap3A_359 = arith.index_cast %add3A_339 : i32 to index
      %swap3A_360 = tpu.vector_load %arg12[%swap3A_358, %swap3A_359] {strides = array<i32>} : memref<4x4096xf32, #tpu.memory_space<vmem>>, vector<16xf32>,
      tpu.vector_store %arg12[%swap3A_358, %swap3A_359], %select_n3A_356 {strides = array<i32>} : memref<4x4096xf32, #tpu.memory_space<vmem>>, vector<16xf32>,
      %mul3A_361 = arith.constant 128 : i32
      %mul3A_362 = arith.muli %scan3A_241, %mul3A_361 : i32
      %add3A_363 = arith.constant 80 : i32
      %add3A_364 = arith.addi %mul3A_362, %add3A_363 : i32
      %get3A_365 = arith.index_cast %add3A_364 : i32 to index
      %get3A_366 = tpu.vector_load %arg9[%get3A_365] {strides = array<i32>} : memref<4096xi32, #tpu.memory_space<vmem>>, vector<16xi32>,
      %sub3A_367 = arith.constant 49920 : i32
      %sub3A_368 = vector.broadcast %sub3A_367 : i32 to vector<16xi32>
      %sub3A_369 = arith.subi %get3A_366, %sub3A_368 : vector<16xi32>
      %max3A_370 = arith.constant 0 : i32
      %max3A_371 = vector.broadcast %max3A_370 : i32 to vector<16xi32>
      %max3A_372 = arith.maxsi %sub3A_369, %max3A_371 : vector<16xi32>
      %gather3A_373 = tpu.vector_load_idx %arg11[%max3A_372] : memref<50080xf32, #tpu.memory_space<vmem>>[vector<16xi32>], vector<16xf32>,
      %ge3A_374 = arith.constant 49920 : i32
      %ge3A_375 = vector.broadcast %ge3A_374 : i32 to vector<16xi32>
      %ge3A_376 = arith.cmpi sge, %get3A_366, %ge3A_375 : vector<16xi32>
      %get3A_377 = arith.constant 2 : i32
      %get3A_378 = arith.index_cast %get3A_377 : i32 to index
      %get3A_379 = arith.index_cast %add3A_364 : i32 to index
      %get3A_380 = tpu.vector_load %arg12[%get3A_378, %get3A_379] {strides = array<i32>} : memref<4x4096xf32, #tpu.memory_space<vmem>>, vector<16xf32>,
      %select_n3A_381 = arith.select %ge3A_376, %gather3A_373, %get3A_380 : vector<16xi1>, vector<16xf32>
      %swap3A_382 = arith.constant 2 : i32
      %swap3A_383 = arith.index_cast %swap3A_382 : i32 to index
      %swap3A_384 = arith.index_cast %add3A_364 : i32 to index
      %swap3A_385 = tpu.vector_load %arg12[%swap3A_383, %swap3A_384] {strides = array<i32>} : memref<4x4096xf32, #tpu.memory_space<vmem>>, vector<16xf32>,
      tpu.vector_store %arg12[%swap3A_383, %swap3A_384], %select_n3A_381 {strides = array<i32>} : memref<4x4096xf32, #tpu.memory_space<vmem>>, vector<16xf32>,
      %mul3A_386 = arith.constant 128 : i32
      %mul3A_387 = arith.muli %scan3A_241, %mul3A_386 : i32
      %add3A_388 = arith.constant 96 : i32
      %add3A_389 = arith.addi %mul3A_387, %add3A_388 : i32
      %get3A_390 = arith.index_cast %add3A_389 : i32 to index
      %get3A_391 = tpu.vector_load %arg9[%get3A_390] {strides = array<i32>} : memref<4096xi32, #tpu.memory_space<vmem>>, vector<16xi32>,
      %sub3A_392 = arith.constant 49920 : i32
      %sub3A_393 = vector.broadcast %sub3A_392 : i32 to vector<16xi32>
      %sub3A_394 = arith.subi %get3A_391, %sub3A_393 : vector<16xi32>
      %max3A_395 = arith.constant 0 : i32
      %max3A_396 = vector.broadcast %max3A_395 : i32 to vector<16xi32>
      %max3A_397 = arith.maxsi %sub3A_394, %max3A_396 : vector<16xi32>
      %gather3A_398 = tpu.vector_load_idx %arg11[%max3A_397] : memref<50080xf32, #tpu.memory_space<vmem>>[vector<16xi32>], vector<16xf32>,
      %ge3A_399 = arith.constant 49920 : i32
      %ge3A_400 = vector.broadcast %ge3A_399 : i32 to vector<16xi32>
      %ge3A_401 = arith.cmpi sge, %get3A_391, %ge3A_400 : vector<16xi32>
      %get3A_402 = arith.constant 2 : i32
      %get3A_403 = arith.index_cast %get3A_402 : i32 to index
      %get3A_404 = arith.index_cast %add3A_389 : i32 to index
      %get3A_405 = tpu.vector_load %arg12[%get3A_403, %get3A_404] {strides = array<i32>} : memref<4x4096xf32, #tpu.memory_space<vmem>>, vector<16xf32>,
      %select_n3A_406 = arith.select %ge3A_401, %gather3A_398, %get3A_405 : vector<16xi1>, vector<16xf32>
      %swap3A_407 = arith.constant 2 : i32
      %swap3A_408 = arith.index_cast %swap3A_407 : i32 to index
      %swap3A_409 = arith.index_cast %add3A_389 : i32 to index
      %swap3A_410 = tpu.vector_load %arg12[%swap3A_408, %swap3A_409] {strides = array<i32>} : memref<4x4096xf32, #tpu.memory_space<vmem>>, vector<16xf32>,
      tpu.vector_store %arg12[%swap3A_408, %swap3A_409], %select_n3A_406 {strides = array<i32>} : memref<4x4096xf32, #tpu.memory_space<vmem>>, vector<16xf32>,
      %mul3A_411 = arith.constant 128 : i32
      %mul3A_412 = arith.muli %scan3A_241, %mul3A_411 : i32
      %add3A_413 = arith.constant 112 : i32
      %add3A_414 = arith.addi %mul3A_412, %add3A_413 : i32
      %get3A_415 = arith.index_cast %add3A_414 : i32 to index
      %get3A_416 = tpu.vector_load %arg9[%get3A_415] {strides = array<i32>} : memref<4096xi32, #tpu.memory_space<vmem>>, vector<16xi32>,
      %sub3A_417 = arith.constant 49920 : i32
      %sub3A_418 = vector.broadcast %sub3A_417 : i32 to vector<16xi32>
      %sub3A_419 = arith.subi %get3A_416, %sub3A_418 : vector<16xi32>
      %max3A_420 = arith.constant 0 : i32
      %max3A_421 = vector.broadcast %max3A_420 : i32 to vector<16xi32>
      %max3A_422 = arith.maxsi %sub3A_419, %max3A_421 : vector<16xi32>
      %gather3A_423 = tpu.vector_load_idx %arg11[%max3A_422] : memref<50080xf32, #tpu.memory_space<vmem>>[vector<16xi32>], vector<16xf32>,
      %ge3A_424 = arith.constant 49920 : i32
      %ge3A_425 = vector.broadcast %ge3A_424 : i32 to vector<16xi32>
      %ge3A_426 = arith.cmpi sge, %get3A_416, %ge3A_425 : vector<16xi32>
      %get3A_427 = arith.constant 2 : i32
      %get3A_428 = arith.index_cast %get3A_427 : i32 to index
      %get3A_429 = arith.index_cast %add3A_414 : i32 to index
      %get3A_430 = tpu.vector_load %arg12[%get3A_428, %get3A_429] {strides = array<i32>} : memref<4x4096xf32, #tpu.memory_space<vmem>>, vector<16xf32>,
      %select_n3A_431 = arith.select %ge3A_426, %gather3A_423, %get3A_430 : vector<16xi1>, vector<16xf32>
      %swap3A_432 = arith.constant 2 : i32
      %swap3A_433 = arith.index_cast %swap3A_432 : i32 to index
      %swap3A_434 = arith.index_cast %add3A_414 : i32 to index
      %swap3A_435 = tpu.vector_load %arg12[%swap3A_433, %swap3A_434] {strides = array<i32>} : memref<4x4096xf32, #tpu.memory_space<vmem>>, vector<16xf32>,
      tpu.vector_store %arg12[%swap3A_433, %swap3A_434], %select_n3A_431 {strides = array<i32>} : memref<4x4096xf32, #tpu.memory_space<vmem>>, vector<16xf32>,
      %scan3A_436 = arith.constant 0 : i32
      scf.yield %scan3A_436 : i32
    }
    %scan3A_183 = arith.constant 32 : i32
    %add3A_184 = arith.constant 32 : i32
    %add3A_185 = arith.addi %add3A, %add3A_184 : i32
    %dma_start3A_186 = arith.constant 0 : i32
    %dma_start3A_187 = tpu.memref_slice %arg11[%dma_start3A_186] : memref<50080xf32, #tpu.memory_space<vmem>> -> memref<50080xf32, #tpu.memory_space<vmem>>
    %dma_start3A_188 = arith.constant 49920 : i32
    %dma_start3A_189 = tpu.memref_slice %arg5[%add3A_185, %dma_start3A_188] : memref<64x100000xf32, #tpu.memory_space<hbm>> -> memref<1x50080xf32, #tpu.memory_space<hbm>>
    %dma_start3A_190 = tpu.memref_squeeze %dma_start3A_189 : memref<1x50080xf32, #tpu.memory_space<hbm>> -> memref<50080xf32, #tpu.memory_space<hbm>>
    %dma_start3A_191 = arith.constant 0 : i32
    %dma_start3A_192 = tpu.memref_slice %arg11[%dma_start3A_191] : memref<50080xf32, #tpu.memory_space<vmem>> -> memref<50080xf32, #tpu.memory_space<vmem>>
    %dma_start3A_193 = arith.constant 49920 : i32
    %dma_start3A_194 = tpu.memref_slice %arg5[%add3A_185, %dma_start3A_193] : memref<64x100000xf32, #tpu.memory_space<hbm>> -> memref<1x50080xf32, #tpu.memory_space<hbm>>
    %dma_start3A_195 = tpu.memref_squeeze %dma_start3A_194 : memref<1x50080xf32, #tpu.memory_space<hbm>> -> memref<50080xf32, #tpu.memory_space<hbm>>
    tpu.enqueue_dma source(%dma_start3A_195 : memref<50080xf32, #tpu.memory_space<hbm>>) target(%dma_start3A_192 : memref<50080xf32, #tpu.memory_space<vmem>>) target_semaphore(%arg13 : memref<!tpu.dma_semaphore, #tpu.memory_space<semaphore_mem>>)
    %dma_wait3A_196 = arith.constant 0 : i32
    %dma_wait3A_197 = tpu.memref_slice %arg10[%dma_wait3A_196] : memref<50080xf32, #tpu.memory_space<vmem>> -> memref<49920xf32, #tpu.memory_space<vmem>>
    %dma_wait3A_198 = arith.constant 0 : i32
    %dma_wait3A_199 = tpu.memref_slice %arg5[%add3A_156, %dma_wait3A_198] : memref<64x100000xf32, #tpu.memory_space<hbm>> -> memref<1x49920xf32, #tpu.memory_space<hbm>>
    %dma_wait3A_200 = tpu.memref_squeeze %dma_wait3A_199 : memref<1x49920xf32, #tpu.memory_space<hbm>> -> memref<49920xf32, #tpu.memory_space<hbm>>
    %dma_wait3A_201 = arith.constant 0 : i32
    %dma_wait3A_202 = tpu.memref_slice %arg10[%dma_wait3A_201] : memref<50080xf32, #tpu.memory_space<vmem>> -> memref<49920xf32, #tpu.memory_space<vmem>>
    %dma_wait3A_203 = arith.constant 0 : i32
    %dma_wait3A_204 = tpu.memref_slice %arg5[%add3A_156, %dma_wait3A_203] : memref<64x100000xf32, #tpu.memory_space<hbm>> -> memref<1x49920xf32, #tpu.memory_space<hbm>>
    %dma_wait3A_205 = tpu.memref_squeeze %dma_wait3A_204 : memref<1x49920xf32, #tpu.memory_space<hbm>> -> memref<49920xf32, #tpu.memory_space<hbm>>
    tpu.wait_dma2 semaphore(%arg13 : memref<!tpu.dma_semaphore, #tpu.memory_space<semaphore_mem>>) src(%dma_wait3A_205 : memref<49920xf32, #tpu.memory_space<hbm>>) dst(%dma_wait3A_202 : memref<49920xf32, #tpu.memory_space<vmem>>)
    %scan3A_206 = arith.constant 0 : i32
    %scan3A_207 = arith.constant 0 : i32
    %scan3A_208 = arith.constant 32 : i32
    %scan3A_209 = arith.addi %scan3A_207, %scan3A_208 : i32
    %scan3A_210 = arith.constant 1 : i32
    %scan3A_211 = scf.for %scan3A_241 = %scan3A_207 to %scan3A_209 step %scan3A_210 iter_args(%scan3A_242 = %scan3A_206) -> (i32)  : i32 {
      %mul3A_243 = arith.constant 128 : i32
      %mul3A_244 = arith.muli %scan3A_241, %mul3A_243 : i32
      %add3A_245 = arith.constant 0 : i32
      %add3A_246 = arith.addi %mul3A_244, %add3A_245 : i32
      %get3A = arith.index_cast %add3A_246 : i32 to index
      %get3A_247 = tpu.vector_load %arg9[%get3A] {strides = array<i32>} : memref<4096xi32, #tpu.memory_space<vmem>>, vector<16xi32>,
      %min3A = arith.constant 49919 : i32
      %min3A_248 = vector.broadcast %min3A : i32 to vector<16xi32>
      %min3A_249 = arith.minsi %get3A_247, %min3A_248 : vector<16xi32>
      %gather3A = tpu.vector_load_idx %arg10[%min3A_249] : memref<50080xf32, #tpu.memory_space<vmem>>[vector<16xi32>], vector<16xf32>,
      %lt3A = arith.constant 49920 : i32
      %lt3A_250 = vector.broadcast %lt3A : i32 to vector<16xi32>
      %lt3A_251 = arith.cmpi slt, %get3A_247, %lt3A_250 : vector<16xi32>
      %jit3A = arith.constant 0.000000e+00 : f32
      %broadcast_in_dim3A = vector.broadcast %jit3A : f32 to vector<16xf32>
      %select_n3A = arith.select %lt3A_251, %gather3A, %broadcast_in_dim3A : vector<16xi1>, vector<16xf32>
      %swap3A = arith.constant 3 : i32
      %swap3A_252 = arith.index_cast %swap3A : i32 to index
      %swap3A_253 = arith.index_cast %add3A_246 : i32 to index
      %swap3A_254 = tpu.vector_load %arg12[%swap3A_252, %swap3A_253] {strides = array<i32>} : memref<4x4096xf32, #tpu.memory_space<vmem>>, vector<16xf32>,
      tpu.vector_store %arg12[%swap3A_252, %swap3A_253], %select_n3A {strides = array<i32>} : memref<4x4096xf32, #tpu.memory_space<vmem>>, vector<16xf32>,
      %mul3A_255 = arith.constant 128 : i32
      %mul3A_256 = arith.muli %scan3A_241, %mul3A_255 : i32
      %add3A_257 = arith.constant 16 : i32
      %add3A_258 = arith.addi %mul3A_256, %add3A_257 : i32
      %get3A_259 = arith.index_cast %add3A_258 : i32 to index
      %get3A_260 = tpu.vector_load %arg9[%get3A_259] {strides = array<i32>} : memref<4096xi32, #tpu.memory_space<vmem>>, vector<16xi32>,
      %min3A_261 = arith.constant 49919 : i32
      %min3A_262 = vector.broadcast %min3A_261 : i32 to vector<16xi32>
      %min3A_263 = arith.minsi %get3A_260, %min3A_262 : vector<16xi32>
      %gather3A_264 = tpu.vector_load_idx %arg10[%min3A_263] : memref<50080xf32, #tpu.memory_space<vmem>>[vector<16xi32>], vector<16xf32>,
      %lt3A_265 = arith.constant 49920 : i32
      %lt3A_266 = vector.broadcast %lt3A_265 : i32 to vector<16xi32>
      %lt3A_267 = arith.cmpi slt, %get3A_260, %lt3A_266 : vector<16xi32>
      %jit3A_268 = arith.constant 0.000000e+00 : f32
      %broadcast_in_dim3A_269 = vector.broadcast %jit3A_268 : f32 to vector<16xf32>
      %select_n3A_270 = arith.select %lt3A_267, %gather3A_264, %broadcast_in_dim3A_269 : vector<16xi1>, vector<16xf32>
      %swap3A_271 = arith.constant 3 : i32
      %swap3A_272 = arith.index_cast %swap3A_271 : i32 to index
      %swap3A_273 = arith.index_cast %add3A_258 : i32 to index
      %swap3A_274 = tpu.vector_load %arg12[%swap3A_272, %swap3A_273] {strides = array<i32>} : memref<4x4096xf32, #tpu.memory_space<vmem>>, vector<16xf32>,
      tpu.vector_store %arg12[%swap3A_272, %swap3A_273], %select_n3A_270 {strides = array<i32>} : memref<4x4096xf32, #tpu.memory_space<vmem>>, vector<16xf32>,
      %mul3A_275 = arith.constant 128 : i32
      %mul3A_276 = arith.muli %scan3A_241, %mul3A_275 : i32
      %add3A_277 = arith.constant 32 : i32
      %add3A_278 = arith.addi %mul3A_276, %add3A_277 : i32
      %get3A_279 = arith.index_cast %add3A_278 : i32 to index
      %get3A_280 = tpu.vector_load %arg9[%get3A_279] {strides = array<i32>} : memref<4096xi32, #tpu.memory_space<vmem>>, vector<16xi32>,
      %min3A_281 = arith.constant 49919 : i32
      %min3A_282 = vector.broadcast %min3A_281 : i32 to vector<16xi32>
      %min3A_283 = arith.minsi %get3A_280, %min3A_282 : vector<16xi32>
      %gather3A_284 = tpu.vector_load_idx %arg10[%min3A_283] : memref<50080xf32, #tpu.memory_space<vmem>>[vector<16xi32>], vector<16xf32>,
      %lt3A_285 = arith.constant 49920 : i32
      %lt3A_286 = vector.broadcast %lt3A_285 : i32 to vector<16xi32>
      %lt3A_287 = arith.cmpi slt, %get3A_280, %lt3A_286 : vector<16xi32>
      %jit3A_288 = arith.constant 0.000000e+00 : f32
      %broadcast_in_dim3A_289 = vector.broadcast %jit3A_288 : f32 to vector<16xf32>
      %select_n3A_290 = arith.select %lt3A_287, %gather3A_284, %broadcast_in_dim3A_289 : vector<16xi1>, vector<16xf32>
      %swap3A_291 = arith.constant 3 : i32
      %swap3A_292 = arith.index_cast %swap3A_291 : i32 to index
      %swap3A_293 = arith.index_cast %add3A_278 : i32 to index
      %swap3A_294 = tpu.vector_load %arg12[%swap3A_292, %swap3A_293] {strides = array<i32>} : memref<4x4096xf32, #tpu.memory_space<vmem>>, vector<16xf32>,
      tpu.vector_store %arg12[%swap3A_292, %swap3A_293], %select_n3A_290 {strides = array<i32>} : memref<4x4096xf32, #tpu.memory_space<vmem>>, vector<16xf32>,
      %mul3A_295 = arith.constant 128 : i32
      %mul3A_296 = arith.muli %scan3A_241, %mul3A_295 : i32
      %add3A_297 = arith.constant 48 : i32
      %add3A_298 = arith.addi %mul3A_296, %add3A_297 : i32
      %get3A_299 = arith.index_cast %add3A_298 : i32 to index
      %get3A_300 = tpu.vector_load %arg9[%get3A_299] {strides = array<i32>} : memref<4096xi32, #tpu.memory_space<vmem>>, vector<16xi32>,
      %min3A_301 = arith.constant 49919 : i32
      %min3A_302 = vector.broadcast %min3A_301 : i32 to vector<16xi32>
      %min3A_303 = arith.minsi %get3A_300, %min3A_302 : vector<16xi32>
      %gather3A_304 = tpu.vector_load_idx %arg10[%min3A_303] : memref<50080xf32, #tpu.memory_space<vmem>>[vector<16xi32>], vector<16xf32>,
      %lt3A_305 = arith.constant 49920 : i32
      %lt3A_306 = vector.broadcast %lt3A_305 : i32 to vector<16xi32>
      %lt3A_307 = arith.cmpi slt, %get3A_300, %lt3A_306 : vector<16xi32>
      %jit3A_308 = arith.constant 0.000000e+00 : f32
      %broadcast_in_dim3A_309 = vector.broadcast %jit3A_308 : f32 to vector<16xf32>
      %select_n3A_310 = arith.select %lt3A_307, %gather3A_304, %broadcast_in_dim3A_309 : vector<16xi1>, vector<16xf32>
      %swap3A_311 = arith.constant 3 : i32
      %swap3A_312 = arith.index_cast %swap3A_311 : i32 to index
      %swap3A_313 = arith.index_cast %add3A_298 : i32 to index
      %swap3A_314 = tpu.vector_load %arg12[%swap3A_312, %swap3A_313] {strides = array<i32>} : memref<4x4096xf32, #tpu.memory_space<vmem>>, vector<16xf32>,
      tpu.vector_store %arg12[%swap3A_312, %swap3A_313], %select_n3A_310 {strides = array<i32>} : memref<4x4096xf32, #tpu.memory_space<vmem>>, vector<16xf32>,
      %mul3A_315 = arith.constant 128 : i32
      %mul3A_316 = arith.muli %scan3A_241, %mul3A_315 : i32
      %add3A_317 = arith.constant 64 : i32
      %add3A_318 = arith.addi %mul3A_316, %add3A_317 : i32
      %get3A_319 = arith.index_cast %add3A_318 : i32 to index
      %get3A_320 = tpu.vector_load %arg9[%get3A_319] {strides = array<i32>} : memref<4096xi32, #tpu.memory_space<vmem>>, vector<16xi32>,
      %min3A_321 = arith.constant 49919 : i32
      %min3A_322 = vector.broadcast %min3A_321 : i32 to vector<16xi32>
      %min3A_323 = arith.minsi %get3A_320, %min3A_322 : vector<16xi32>
      %gather3A_324 = tpu.vector_load_idx %arg10[%min3A_323] : memref<50080xf32, #tpu.memory_space<vmem>>[vector<16xi32>], vector<16xf32>,
      %lt3A_325 = arith.constant 49920 : i32
      %lt3A_326 = vector.broadcast %lt3A_325 : i32 to vector<16xi32>
      %lt3A_327 = arith.cmpi slt, %get3A_320, %lt3A_326 : vector<16xi32>
      %jit3A_328 = arith.constant 0.000000e+00 : f32
      %broadcast_in_dim3A_329 = vector.broadcast %jit3A_328 : f32 to vector<16xf32>
      %select_n3A_330 = arith.select %lt3A_327, %gather3A_324, %broadcast_in_dim3A_329 : vector<16xi1>, vector<16xf32>
      %swap3A_331 = arith.constant 3 : i32
      %swap3A_332 = arith.index_cast %swap3A_331 : i32 to index
      %swap3A_333 = arith.index_cast %add3A_318 : i32 to index
      %swap3A_334 = tpu.vector_load %arg12[%swap3A_332, %swap3A_333] {strides = array<i32>} : memref<4x4096xf32, #tpu.memory_space<vmem>>, vector<16xf32>,
      tpu.vector_store %arg12[%swap3A_332, %swap3A_333], %select_n3A_330 {strides = array<i32>} : memref<4x4096xf32, #tpu.memory_space<vmem>>, vector<16xf32>,
      %mul3A_335 = arith.constant 128 : i32
      %mul3A_336 = arith.muli %scan3A_241, %mul3A_335 : i32
      %add3A_337 = arith.constant 80 : i32
      %add3A_338 = arith.addi %mul3A_336, %add3A_337 : i32
      %get3A_339 = arith.index_cast %add3A_338 : i32 to index
      %get3A_340 = tpu.vector_load %arg9[%get3A_339] {strides = array<i32>} : memref<4096xi32, #tpu.memory_space<vmem>>, vector<16xi32>,
      %min3A_341 = arith.constant 49919 : i32
      %min3A_342 = vector.broadcast %min3A_341 : i32 to vector<16xi32>
      %min3A_343 = arith.minsi %get3A_340, %min3A_342 : vector<16xi32>
      %gather3A_344 = tpu.vector_load_idx %arg10[%min3A_343] : memref<50080xf32, #tpu.memory_space<vmem>>[vector<16xi32>], vector<16xf32>,
      %lt3A_345 = arith.constant 49920 : i32
      %lt3A_346 = vector.broadcast %lt3A_345 : i32 to vector<16xi32>
      %lt3A_347 = arith.cmpi slt, %get3A_340, %lt3A_346 : vector<16xi32>
      %jit3A_348 = arith.constant 0.000000e+00 : f32
      %broadcast_in_dim3A_349 = vector.broadcast %jit3A_348 : f32 to vector<16xf32>
      %select_n3A_350 = arith.select %lt3A_347, %gather3A_344, %broadcast_in_dim3A_349 : vector<16xi1>, vector<16xf32>
      %swap3A_351 = arith.constant 3 : i32
      %swap3A_352 = arith.index_cast %swap3A_351 : i32 to index
      %swap3A_353 = arith.index_cast %add3A_338 : i32 to index
      %swap3A_354 = tpu.vector_load %arg12[%swap3A_352, %swap3A_353] {strides = array<i32>} : memref<4x4096xf32, #tpu.memory_space<vmem>>, vector<16xf32>,
      tpu.vector_store %arg12[%swap3A_352, %swap3A_353], %select_n3A_350 {strides = array<i32>} : memref<4x4096xf32, #tpu.memory_space<vmem>>, vector<16xf32>,
      %mul3A_355 = arith.constant 128 : i32
      %mul3A_356 = arith.muli %scan3A_241, %mul3A_355 : i32
      %add3A_357 = arith.constant 96 : i32
      %add3A_358 = arith.addi %mul3A_356, %add3A_357 : i32
      %get3A_359 = arith.index_cast %add3A_358 : i32 to index
      %get3A_360 = tpu.vector_load %arg9[%get3A_359] {strides = array<i32>} : memref<4096xi32, #tpu.memory_space<vmem>>, vector<16xi32>,
      %min3A_361 = arith.constant 49919 : i32
      %min3A_362 = vector.broadcast %min3A_361 : i32 to vector<16xi32>
      %min3A_363 = arith.minsi %get3A_360, %min3A_362 : vector<16xi32>
      %gather3A_364 = tpu.vector_load_idx %arg10[%min3A_363] : memref<50080xf32, #tpu.memory_space<vmem>>[vector<16xi32>], vector<16xf32>,
      %lt3A_365 = arith.constant 49920 : i32
      %lt3A_366 = vector.broadcast %lt3A_365 : i32 to vector<16xi32>
      %lt3A_367 = arith.cmpi slt, %get3A_360, %lt3A_366 : vector<16xi32>
      %jit3A_368 = arith.constant 0.000000e+00 : f32
      %broadcast_in_dim3A_369 = vector.broadcast %jit3A_368 : f32 to vector<16xf32>
      %select_n3A_370 = arith.select %lt3A_367, %gather3A_364, %broadcast_in_dim3A_369 : vector<16xi1>, vector<16xf32>
      %swap3A_371 = arith.constant 3 : i32
      %swap3A_372 = arith.index_cast %swap3A_371 : i32 to index
      %swap3A_373 = arith.index_cast %add3A_358 : i32 to index
      %swap3A_374 = tpu.vector_load %arg12[%swap3A_372, %swap3A_373] {strides = array<i32>} : memref<4x4096xf32, #tpu.memory_space<vmem>>, vector<16xf32>,
      tpu.vector_store %arg12[%swap3A_372, %swap3A_373], %select_n3A_370 {strides = array<i32>} : memref<4x4096xf32, #tpu.memory_space<vmem>>, vector<16xf32>,
      %mul3A_375 = arith.constant 128 : i32
      %mul3A_376 = arith.muli %scan3A_241, %mul3A_375 : i32
      %add3A_377 = arith.constant 112 : i32
      %add3A_378 = arith.addi %mul3A_376, %add3A_377 : i32
      %get3A_379 = arith.index_cast %add3A_378 : i32 to index
      %get3A_380 = tpu.vector_load %arg9[%get3A_379] {strides = array<i32>} : memref<4096xi32, #tpu.memory_space<vmem>>, vector<16xi32>,
      %min3A_381 = arith.constant 49919 : i32
      %min3A_382 = vector.broadcast %min3A_381 : i32 to vector<16xi32>
      %min3A_383 = arith.minsi %get3A_380, %min3A_382 : vector<16xi32>
      %gather3A_384 = tpu.vector_load_idx %arg10[%min3A_383] : memref<50080xf32, #tpu.memory_space<vmem>>[vector<16xi32>], vector<16xf32>,
      %lt3A_385 = arith.constant 49920 : i32
      %lt3A_386 = vector.broadcast %lt3A_385 : i32 to vector<16xi32>
      %lt3A_387 = arith.cmpi slt, %get3A_380, %lt3A_386 : vector<16xi32>
      %jit3A_388 = arith.constant 0.000000e+00 : f32
      %broadcast_in_dim3A_389 = vector.broadcast %jit3A_388 : f32 to vector<16xf32>
      %select_n3A_390 = arith.select %lt3A_387, %gather3A_384, %broadcast_in_dim3A_389 : vector<16xi1>, vector<16xf32>
      %swap3A_391 = arith.constant 3 : i32
      %swap3A_392 = arith.index_cast %swap3A_391 : i32 to index
      %swap3A_393 = arith.index_cast %add3A_378 : i32 to index
      %swap3A_394 = tpu.vector_load %arg12[%swap3A_392, %swap3A_393] {strides = array<i32>} : memref<4x4096xf32, #tpu.memory_space<vmem>>, vector<16xf32>,
      tpu.vector_store %arg12[%swap3A_392, %swap3A_393], %select_n3A_390 {strides = array<i32>} : memref<4x4096xf32, #tpu.memory_space<vmem>>, vector<16xf32>,
      %scan3A_395 = arith.constant 0 : i32
      scf.yield %scan3A_395 : i32
    }
    %scan3A_212 = arith.constant 32 : i32
    %dma_wait3A_213 = arith.constant 0 : i32
    %dma_wait3A_214 = tpu.memref_slice %arg11[%dma_wait3A_213] : memref<50080xf32, #tpu.memory_space<vmem>> -> memref<50080xf32, #tpu.memory_space<vmem>>
    %dma_wait3A_215 = arith.constant 49920 : i32
    %dma_wait3A_216 = tpu.memref_slice %arg5[%add3A_185, %dma_wait3A_215] : memref<64x100000xf32, #tpu.memory_space<hbm>> -> memref<1x50080xf32, #tpu.memory_space<hbm>>
    %dma_wait3A_217 = tpu.memref_squeeze %dma_wait3A_216 : memref<1x50080xf32, #tpu.memory_space<hbm>> -> memref<50080xf32, #tpu.memory_space<hbm>>
    %dma_wait3A_218 = arith.constant 0 : i32
    %dma_wait3A_219 = tpu.memref_slice %arg11[%dma_wait3A_218] : memref<50080xf32, #tpu.memory_space<vmem>> -> memref<50080xf32, #tpu.memory_space<vmem>>
    %dma_wait3A_220 = arith.constant 49920 : i32
    %dma_wait3A_221 = tpu.memref_slice %arg5[%add3A_185, %dma_wait3A_220] : memref<64x100000xf32, #tpu.memory_space<hbm>> -> memref<1x50080xf32, #tpu.memory_space<hbm>>
    %dma_wait3A_222 = tpu.memref_squeeze %dma_wait3A_221 : memref<1x50080xf32, #tpu.memory_space<hbm>> -> memref<50080xf32, #tpu.memory_space<hbm>>
    tpu.wait_dma2 semaphore(%arg13 : memref<!tpu.dma_semaphore, #tpu.memory_space<semaphore_mem>>) src(%dma_wait3A_222 : memref<50080xf32, #tpu.memory_space<hbm>>) dst(%dma_wait3A_219 : memref<50080xf32, #tpu.memory_space<vmem>>)
    %scan3A_223 = arith.constant 0 : i32
    %scan3A_224 = arith.constant 0 : i32
    %scan3A_225 = arith.constant 32 : i32
    %scan3A_226 = arith.addi %scan3A_224, %scan3A_225 : i32
    %scan3A_227 = arith.constant 1 : i32
    %scan3A_228 = scf.for %scan3A_241 = %scan3A_224 to %scan3A_226 step %scan3A_227 iter_args(%scan3A_242 = %scan3A_223) -> (i32)  : i32 {
      %mul3A_243 = arith.constant 128 : i32
      %mul3A_244 = arith.muli %scan3A_241, %mul3A_243 : i32
      %add3A_245 = arith.constant 0 : i32
      %add3A_246 = arith.addi %mul3A_244, %add3A_245 : i32
      %get3A = arith.index_cast %add3A_246 : i32 to index
      %get3A_247 = tpu.vector_load %arg9[%get3A] {strides = array<i32>} : memref<4096xi32, #tpu.memory_space<vmem>>, vector<16xi32>,
      %sub3A = arith.constant 49920 : i32
      %sub3A_248 = vector.broadcast %sub3A : i32 to vector<16xi32>
      %sub3A_249 = arith.subi %get3A_247, %sub3A_248 : vector<16xi32>
      %max3A = arith.constant 0 : i32
      %max3A_250 = vector.broadcast %max3A : i32 to vector<16xi32>
      %max3A_251 = arith.maxsi %sub3A_249, %max3A_250 : vector<16xi32>
      %gather3A = tpu.vector_load_idx %arg11[%max3A_251] : memref<50080xf32, #tpu.memory_space<vmem>>[vector<16xi32>], vector<16xf32>,
      %ge3A = arith.constant 49920 : i32
      %ge3A_252 = vector.broadcast %ge3A : i32 to vector<16xi32>
      %ge3A_253 = arith.cmpi sge, %get3A_247, %ge3A_252 : vector<16xi32>
      %get3A_254 = arith.constant 3 : i32
      %get3A_255 = arith.index_cast %get3A_254 : i32 to index
      %get3A_256 = arith.index_cast %add3A_246 : i32 to index
      %get3A_257 = tpu.vector_load %arg12[%get3A_255, %get3A_256] {strides = array<i32>} : memref<4x4096xf32, #tpu.memory_space<vmem>>, vector<16xf32>,
      %select_n3A = arith.select %ge3A_253, %gather3A, %get3A_257 : vector<16xi1>, vector<16xf32>
      %swap3A = arith.constant 3 : i32
      %swap3A_258 = arith.index_cast %swap3A : i32 to index
      %swap3A_259 = arith.index_cast %add3A_246 : i32 to index
      %swap3A_260 = tpu.vector_load %arg12[%swap3A_258, %swap3A_259] {strides = array<i32>} : memref<4x4096xf32, #tpu.memory_space<vmem>>, vector<16xf32>,
      tpu.vector_store %arg12[%swap3A_258, %swap3A_259], %select_n3A {strides = array<i32>} : memref<4x4096xf32, #tpu.memory_space<vmem>>, vector<16xf32>,
      %mul3A_261 = arith.constant 128 : i32
      %mul3A_262 = arith.muli %scan3A_241, %mul3A_261 : i32
      %add3A_263 = arith.constant 16 : i32
      %add3A_264 = arith.addi %mul3A_262, %add3A_263 : i32
      %get3A_265 = arith.index_cast %add3A_264 : i32 to index
      %get3A_266 = tpu.vector_load %arg9[%get3A_265] {strides = array<i32>} : memref<4096xi32, #tpu.memory_space<vmem>>, vector<16xi32>,
      %sub3A_267 = arith.constant 49920 : i32
      %sub3A_268 = vector.broadcast %sub3A_267 : i32 to vector<16xi32>
      %sub3A_269 = arith.subi %get3A_266, %sub3A_268 : vector<16xi32>
      %max3A_270 = arith.constant 0 : i32
      %max3A_271 = vector.broadcast %max3A_270 : i32 to vector<16xi32>
      %max3A_272 = arith.maxsi %sub3A_269, %max3A_271 : vector<16xi32>
      %gather3A_273 = tpu.vector_load_idx %arg11[%max3A_272] : memref<50080xf32, #tpu.memory_space<vmem>>[vector<16xi32>], vector<16xf32>,
      %ge3A_274 = arith.constant 49920 : i32
      %ge3A_275 = vector.broadcast %ge3A_274 : i32 to vector<16xi32>
      %ge3A_276 = arith.cmpi sge, %get3A_266, %ge3A_275 : vector<16xi32>
      %get3A_277 = arith.constant 3 : i32
      %get3A_278 = arith.index_cast %get3A_277 : i32 to index
      %get3A_279 = arith.index_cast %add3A_264 : i32 to index
      %get3A_280 = tpu.vector_load %arg12[%get3A_278, %get3A_279] {strides = array<i32>} : memref<4x4096xf32, #tpu.memory_space<vmem>>, vector<16xf32>,
      %select_n3A_281 = arith.select %ge3A_276, %gather3A_273, %get3A_280 : vector<16xi1>, vector<16xf32>
      %swap3A_282 = arith.constant 3 : i32
      %swap3A_283 = arith.index_cast %swap3A_282 : i32 to index
      %swap3A_284 = arith.index_cast %add3A_264 : i32 to index
      %swap3A_285 = tpu.vector_load %arg12[%swap3A_283, %swap3A_284] {strides = array<i32>} : memref<4x4096xf32, #tpu.memory_space<vmem>>, vector<16xf32>,
      tpu.vector_store %arg12[%swap3A_283, %swap3A_284], %select_n3A_281 {strides = array<i32>} : memref<4x4096xf32, #tpu.memory_space<vmem>>, vector<16xf32>,
      %mul3A_286 = arith.constant 128 : i32
      %mul3A_287 = arith.muli %scan3A_241, %mul3A_286 : i32
      %add3A_288 = arith.constant 32 : i32
      %add3A_289 = arith.addi %mul3A_287, %add3A_288 : i32
      %get3A_290 = arith.index_cast %add3A_289 : i32 to index
      %get3A_291 = tpu.vector_load %arg9[%get3A_290] {strides = array<i32>} : memref<4096xi32, #tpu.memory_space<vmem>>, vector<16xi32>,
      %sub3A_292 = arith.constant 49920 : i32
      %sub3A_293 = vector.broadcast %sub3A_292 : i32 to vector<16xi32>
      %sub3A_294 = arith.subi %get3A_291, %sub3A_293 : vector<16xi32>
      %max3A_295 = arith.constant 0 : i32
      %max3A_296 = vector.broadcast %max3A_295 : i32 to vector<16xi32>
      %max3A_297 = arith.maxsi %sub3A_294, %max3A_296 : vector<16xi32>
      %gather3A_298 = tpu.vector_load_idx %arg11[%max3A_297] : memref<50080xf32, #tpu.memory_space<vmem>>[vector<16xi32>], vector<16xf32>,
      %ge3A_299 = arith.constant 49920 : i32
      %ge3A_300 = vector.broadcast %ge3A_299 : i32 to vector<16xi32>
      %ge3A_301 = arith.cmpi sge, %get3A_291, %ge3A_300 : vector<16xi32>
      %get3A_302 = arith.constant 3 : i32
      %get3A_303 = arith.index_cast %get3A_302 : i32 to index
      %get3A_304 = arith.index_cast %add3A_289 : i32 to index
      %get3A_305 = tpu.vector_load %arg12[%get3A_303, %get3A_304] {strides = array<i32>} : memref<4x4096xf32, #tpu.memory_space<vmem>>, vector<16xf32>,
      %select_n3A_306 = arith.select %ge3A_301, %gather3A_298, %get3A_305 : vector<16xi1>, vector<16xf32>
      %swap3A_307 = arith.constant 3 : i32
      %swap3A_308 = arith.index_cast %swap3A_307 : i32 to index
      %swap3A_309 = arith.index_cast %add3A_289 : i32 to index
      %swap3A_310 = tpu.vector_load %arg12[%swap3A_308, %swap3A_309] {strides = array<i32>} : memref<4x4096xf32, #tpu.memory_space<vmem>>, vector<16xf32>,
      tpu.vector_store %arg12[%swap3A_308, %swap3A_309], %select_n3A_306 {strides = array<i32>} : memref<4x4096xf32, #tpu.memory_space<vmem>>, vector<16xf32>,
      %mul3A_311 = arith.constant 128 : i32
      %mul3A_312 = arith.muli %scan3A_241, %mul3A_311 : i32
      %add3A_313 = arith.constant 48 : i32
      %add3A_314 = arith.addi %mul3A_312, %add3A_313 : i32
      %get3A_315 = arith.index_cast %add3A_314 : i32 to index
      %get3A_316 = tpu.vector_load %arg9[%get3A_315] {strides = array<i32>} : memref<4096xi32, #tpu.memory_space<vmem>>, vector<16xi32>,
      %sub3A_317 = arith.constant 49920 : i32
      %sub3A_318 = vector.broadcast %sub3A_317 : i32 to vector<16xi32>
      %sub3A_319 = arith.subi %get3A_316, %sub3A_318 : vector<16xi32>
      %max3A_320 = arith.constant 0 : i32
      %max3A_321 = vector.broadcast %max3A_320 : i32 to vector<16xi32>
      %max3A_322 = arith.maxsi %sub3A_319, %max3A_321 : vector<16xi32>
      %gather3A_323 = tpu.vector_load_idx %arg11[%max3A_322] : memref<50080xf32, #tpu.memory_space<vmem>>[vector<16xi32>], vector<16xf32>,
      %ge3A_324 = arith.constant 49920 : i32
      %ge3A_325 = vector.broadcast %ge3A_324 : i32 to vector<16xi32>
      %ge3A_326 = arith.cmpi sge, %get3A_316, %ge3A_325 : vector<16xi32>
      %get3A_327 = arith.constant 3 : i32
      %get3A_328 = arith.index_cast %get3A_327 : i32 to index
      %get3A_329 = arith.index_cast %add3A_314 : i32 to index
      %get3A_330 = tpu.vector_load %arg12[%get3A_328, %get3A_329] {strides = array<i32>} : memref<4x4096xf32, #tpu.memory_space<vmem>>, vector<16xf32>,
      %select_n3A_331 = arith.select %ge3A_326, %gather3A_323, %get3A_330 : vector<16xi1>, vector<16xf32>
      %swap3A_332 = arith.constant 3 : i32
      %swap3A_333 = arith.index_cast %swap3A_332 : i32 to index
      %swap3A_334 = arith.index_cast %add3A_314 : i32 to index
      %swap3A_335 = tpu.vector_load %arg12[%swap3A_333, %swap3A_334] {strides = array<i32>} : memref<4x4096xf32, #tpu.memory_space<vmem>>, vector<16xf32>,
      tpu.vector_store %arg12[%swap3A_333, %swap3A_334], %select_n3A_331 {strides = array<i32>} : memref<4x4096xf32, #tpu.memory_space<vmem>>, vector<16xf32>,
      %mul3A_336 = arith.constant 128 : i32
      %mul3A_337 = arith.muli %scan3A_241, %mul3A_336 : i32
      %add3A_338 = arith.constant 64 : i32
      %add3A_339 = arith.addi %mul3A_337, %add3A_338 : i32
      %get3A_340 = arith.index_cast %add3A_339 : i32 to index
      %get3A_341 = tpu.vector_load %arg9[%get3A_340] {strides = array<i32>} : memref<4096xi32, #tpu.memory_space<vmem>>, vector<16xi32>,
      %sub3A_342 = arith.constant 49920 : i32
      %sub3A_343 = vector.broadcast %sub3A_342 : i32 to vector<16xi32>
      %sub3A_344 = arith.subi %get3A_341, %sub3A_343 : vector<16xi32>
      %max3A_345 = arith.constant 0 : i32
      %max3A_346 = vector.broadcast %max3A_345 : i32 to vector<16xi32>
      %max3A_347 = arith.maxsi %sub3A_344, %max3A_346 : vector<16xi32>
      %gather3A_348 = tpu.vector_load_idx %arg11[%max3A_347] : memref<50080xf32, #tpu.memory_space<vmem>>[vector<16xi32>], vector<16xf32>,
      %ge3A_349 = arith.constant 49920 : i32
      %ge3A_350 = vector.broadcast %ge3A_349 : i32 to vector<16xi32>
      %ge3A_351 = arith.cmpi sge, %get3A_341, %ge3A_350 : vector<16xi32>
      %get3A_352 = arith.constant 3 : i32
      %get3A_353 = arith.index_cast %get3A_352 : i32 to index
      %get3A_354 = arith.index_cast %add3A_339 : i32 to index
      %get3A_355 = tpu.vector_load %arg12[%get3A_353, %get3A_354] {strides = array<i32>} : memref<4x4096xf32, #tpu.memory_space<vmem>>, vector<16xf32>,
      %select_n3A_356 = arith.select %ge3A_351, %gather3A_348, %get3A_355 : vector<16xi1>, vector<16xf32>
      %swap3A_357 = arith.constant 3 : i32
      %swap3A_358 = arith.index_cast %swap3A_357 : i32 to index
      %swap3A_359 = arith.index_cast %add3A_339 : i32 to index
      %swap3A_360 = tpu.vector_load %arg12[%swap3A_358, %swap3A_359] {strides = array<i32>} : memref<4x4096xf32, #tpu.memory_space<vmem>>, vector<16xf32>,
      tpu.vector_store %arg12[%swap3A_358, %swap3A_359], %select_n3A_356 {strides = array<i32>} : memref<4x4096xf32, #tpu.memory_space<vmem>>, vector<16xf32>,
      %mul3A_361 = arith.constant 128 : i32
      %mul3A_362 = arith.muli %scan3A_241, %mul3A_361 : i32
      %add3A_363 = arith.constant 80 : i32
      %add3A_364 = arith.addi %mul3A_362, %add3A_363 : i32
      %get3A_365 = arith.index_cast %add3A_364 : i32 to index
      %get3A_366 = tpu.vector_load %arg9[%get3A_365] {strides = array<i32>} : memref<4096xi32, #tpu.memory_space<vmem>>, vector<16xi32>,
      %sub3A_367 = arith.constant 49920 : i32
      %sub3A_368 = vector.broadcast %sub3A_367 : i32 to vector<16xi32>
      %sub3A_369 = arith.subi %get3A_366, %sub3A_368 : vector<16xi32>
      %max3A_370 = arith.constant 0 : i32
      %max3A_371 = vector.broadcast %max3A_370 : i32 to vector<16xi32>
      %max3A_372 = arith.maxsi %sub3A_369, %max3A_371 : vector<16xi32>
      %gather3A_373 = tpu.vector_load_idx %arg11[%max3A_372] : memref<50080xf32, #tpu.memory_space<vmem>>[vector<16xi32>], vector<16xf32>,
      %ge3A_374 = arith.constant 49920 : i32
      %ge3A_375 = vector.broadcast %ge3A_374 : i32 to vector<16xi32>
      %ge3A_376 = arith.cmpi sge, %get3A_366, %ge3A_375 : vector<16xi32>
      %get3A_377 = arith.constant 3 : i32
      %get3A_378 = arith.index_cast %get3A_377 : i32 to index
      %get3A_379 = arith.index_cast %add3A_364 : i32 to index
      %get3A_380 = tpu.vector_load %arg12[%get3A_378, %get3A_379] {strides = array<i32>} : memref<4x4096xf32, #tpu.memory_space<vmem>>, vector<16xf32>,
      %select_n3A_381 = arith.select %ge3A_376, %gather3A_373, %get3A_380 : vector<16xi1>, vector<16xf32>
      %swap3A_382 = arith.constant 3 : i32
      %swap3A_383 = arith.index_cast %swap3A_382 : i32 to index
      %swap3A_384 = arith.index_cast %add3A_364 : i32 to index
      %swap3A_385 = tpu.vector_load %arg12[%swap3A_383, %swap3A_384] {strides = array<i32>} : memref<4x4096xf32, #tpu.memory_space<vmem>>, vector<16xf32>,
      tpu.vector_store %arg12[%swap3A_383, %swap3A_384], %select_n3A_381 {strides = array<i32>} : memref<4x4096xf32, #tpu.memory_space<vmem>>, vector<16xf32>,
      %mul3A_386 = arith.constant 128 : i32
      %mul3A_387 = arith.muli %scan3A_241, %mul3A_386 : i32
      %add3A_388 = arith.constant 96 : i32
      %add3A_389 = arith.addi %mul3A_387, %add3A_388 : i32
      %get3A_390 = arith.index_cast %add3A_389 : i32 to index
      %get3A_391 = tpu.vector_load %arg9[%get3A_390] {strides = array<i32>} : memref<4096xi32, #tpu.memory_space<vmem>>, vector<16xi32>,
      %sub3A_392 = arith.constant 49920 : i32
      %sub3A_393 = vector.broadcast %sub3A_392 : i32 to vector<16xi32>
      %sub3A_394 = arith.subi %get3A_391, %sub3A_393 : vector<16xi32>
      %max3A_395 = arith.constant 0 : i32
      %max3A_396 = vector.broadcast %max3A_395 : i32 to vector<16xi32>
      %max3A_397 = arith.maxsi %sub3A_394, %max3A_396 : vector<16xi32>
      %gather3A_398 = tpu.vector_load_idx %arg11[%max3A_397] : memref<50080xf32, #tpu.memory_space<vmem>>[vector<16xi32>], vector<16xf32>,
      %ge3A_399 = arith.constant 49920 : i32
      %ge3A_400 = vector.broadcast %ge3A_399 : i32 to vector<16xi32>
      %ge3A_401 = arith.cmpi sge, %get3A_391, %ge3A_400 : vector<16xi32>
      %get3A_402 = arith.constant 3 : i32
      %get3A_403 = arith.index_cast %get3A_402 : i32 to index
      %get3A_404 = arith.index_cast %add3A_389 : i32 to index
      %get3A_405 = tpu.vector_load %arg12[%get3A_403, %get3A_404] {strides = array<i32>} : memref<4x4096xf32, #tpu.memory_space<vmem>>, vector<16xf32>,
      %select_n3A_406 = arith.select %ge3A_401, %gather3A_398, %get3A_405 : vector<16xi1>, vector<16xf32>
      %swap3A_407 = arith.constant 3 : i32
      %swap3A_408 = arith.index_cast %swap3A_407 : i32 to index
      %swap3A_409 = arith.index_cast %add3A_389 : i32 to index
      %swap3A_410 = tpu.vector_load %arg12[%swap3A_408, %swap3A_409] {strides = array<i32>} : memref<4x4096xf32, #tpu.memory_space<vmem>>, vector<16xf32>,
      tpu.vector_store %arg12[%swap3A_408, %swap3A_409], %select_n3A_406 {strides = array<i32>} : memref<4x4096xf32, #tpu.memory_space<vmem>>, vector<16xf32>,
      %mul3A_411 = arith.constant 128 : i32
      %mul3A_412 = arith.muli %scan3A_241, %mul3A_411 : i32
      %add3A_413 = arith.constant 112 : i32
      %add3A_414 = arith.addi %mul3A_412, %add3A_413 : i32
      %get3A_415 = arith.index_cast %add3A_414 : i32 to index
      %get3A_416 = tpu.vector_load %arg9[%get3A_415] {strides = array<i32>} : memref<4096xi32, #tpu.memory_space<vmem>>, vector<16xi32>,
      %sub3A_417 = arith.constant 49920 : i32
      %sub3A_418 = vector.broadcast %sub3A_417 : i32 to vector<16xi32>
      %sub3A_419 = arith.subi %get3A_416, %sub3A_418 : vector<16xi32>
      %max3A_420 = arith.constant 0 : i32
      %max3A_421 = vector.broadcast %max3A_420 : i32 to vector<16xi32>
      %max3A_422 = arith.maxsi %sub3A_419, %max3A_421 : vector<16xi32>
      %gather3A_423 = tpu.vector_load_idx %arg11[%max3A_422] : memref<50080xf32, #tpu.memory_space<vmem>>[vector<16xi32>], vector<16xf32>,
      %ge3A_424 = arith.constant 49920 : i32
      %ge3A_425 = vector.broadcast %ge3A_424 : i32 to vector<16xi32>
      %ge3A_426 = arith.cmpi sge, %get3A_416, %ge3A_425 : vector<16xi32>
      %get3A_427 = arith.constant 3 : i32
      %get3A_428 = arith.index_cast %get3A_427 : i32 to index
      %get3A_429 = arith.index_cast %add3A_414 : i32 to index
      %get3A_430 = tpu.vector_load %arg12[%get3A_428, %get3A_429] {strides = array<i32>} : memref<4x4096xf32, #tpu.memory_space<vmem>>, vector<16xf32>,
      %select_n3A_431 = arith.select %ge3A_426, %gather3A_423, %get3A_430 : vector<16xi1>, vector<16xf32>
      %swap3A_432 = arith.constant 3 : i32
      %swap3A_433 = arith.index_cast %swap3A_432 : i32 to index
      %swap3A_434 = arith.index_cast %add3A_414 : i32 to index
      %swap3A_435 = tpu.vector_load %arg12[%swap3A_433, %swap3A_434] {strides = array<i32>} : memref<4x4096xf32, #tpu.memory_space<vmem>>, vector<16xf32>,
      tpu.vector_store %arg12[%swap3A_433, %swap3A_434], %select_n3A_431 {strides = array<i32>} : memref<4x4096xf32, #tpu.memory_space<vmem>>, vector<16xf32>,
      %scan3A_436 = arith.constant 0 : i32
      scf.yield %scan3A_436 : i32
    }
    %scan3A_229 = arith.constant 32 : i32
    %add3A_230 = arith.constant 0 : i32
    %add3A_231 = arith.addi %add3A, %add3A_230 : i32
    %run_scoped3A = arith.constant 0 : i32
    "tpu.region"() ({
      %run_scoped3A_241 = tpu.sem_alloc : memref<!tpu.dma_semaphore, #tpu.memory_space<semaphore_mem>>
      %dma_start3A_242 = arith.constant 0 : i32
      %dma_start3A_243 = tpu.memref_slice %arg12[%run_scoped3A, %dma_start3A_242] : memref<4x4096xf32, #tpu.memory_space<vmem>> -> memref<1x4096xf32, #tpu.memory_space<vmem>>
      %dma_start3A_244 = tpu.memref_squeeze %dma_start3A_243 : memref<1x4096xf32, #tpu.memory_space<vmem>> -> memref<4096xf32, #tpu.memory_space<vmem>>
      %dma_start3A_245 = arith.constant 0 : i32
      %dma_start3A_246 = tpu.memref_slice %arg6[%add3A_231, %dma_start3A_245] : memref<64x4096xf32, #tpu.memory_space<hbm>> -> memref<1x4096xf32, #tpu.memory_space<hbm>>
      %dma_start3A_247 = tpu.memref_squeeze %dma_start3A_246 : memref<1x4096xf32, #tpu.memory_space<hbm>> -> memref<4096xf32, #tpu.memory_space<hbm>>
      %dma_start3A_248 = arith.constant 0 : i32
      %dma_start3A_249 = tpu.memref_slice %arg6[%add3A_231, %dma_start3A_248] : memref<64x4096xf32, #tpu.memory_space<hbm>> -> memref<1x4096xf32, #tpu.memory_space<hbm>>
      %dma_start3A_250 = tpu.memref_squeeze %dma_start3A_249 : memref<1x4096xf32, #tpu.memory_space<hbm>> -> memref<4096xf32, #tpu.memory_space<hbm>>
      %dma_start3A_251 = arith.constant 0 : i32
      %dma_start3A_252 = tpu.memref_slice %arg12[%run_scoped3A, %dma_start3A_251] : memref<4x4096xf32, #tpu.memory_space<vmem>> -> memref<1x4096xf32, #tpu.memory_space<vmem>>
      %dma_start3A_253 = tpu.memref_squeeze %dma_start3A_252 : memref<1x4096xf32, #tpu.memory_space<vmem>> -> memref<4096xf32, #tpu.memory_space<vmem>>
      tpu.enqueue_dma source(%dma_start3A_253 : memref<4096xf32, #tpu.memory_space<vmem>>) target(%dma_start3A_250 : memref<4096xf32, #tpu.memory_space<hbm>>) target_semaphore(%run_scoped3A_241 : memref<!tpu.dma_semaphore, #tpu.memory_space<semaphore_mem>>)
      %dma_wait3A_254 = arith.constant 0 : i32
      %dma_wait3A_255 = tpu.memref_slice %arg12[%run_scoped3A, %dma_wait3A_254] : memref<4x4096xf32, #tpu.memory_space<vmem>> -> memref<1x4096xf32, #tpu.memory_space<vmem>>
      %dma_wait3A_256 = tpu.memref_squeeze %dma_wait3A_255 : memref<1x4096xf32, #tpu.memory_space<vmem>> -> memref<4096xf32, #tpu.memory_space<vmem>>
      %dma_wait3A_257 = arith.constant 0 : i32
      %dma_wait3A_258 = tpu.memref_slice %arg6[%add3A_231, %dma_wait3A_257] : memref<64x4096xf32, #tpu.memory_space<hbm>> -> memref<1x4096xf32, #tpu.memory_space<hbm>>
      %dma_wait3A_259 = tpu.memref_squeeze %dma_wait3A_258 : memref<1x4096xf32, #tpu.memory_space<hbm>> -> memref<4096xf32, #tpu.memory_space<hbm>>
      %dma_wait3A_260 = arith.constant 0 : i32
      %dma_wait3A_261 = tpu.memref_slice %arg6[%add3A_231, %dma_wait3A_260] : memref<64x4096xf32, #tpu.memory_space<hbm>> -> memref<1x4096xf32, #tpu.memory_space<hbm>>
      %dma_wait3A_262 = tpu.memref_squeeze %dma_wait3A_261 : memref<1x4096xf32, #tpu.memory_space<hbm>> -> memref<4096xf32, #tpu.memory_space<hbm>>
      %dma_wait3A_263 = arith.constant 0 : i32
      %dma_wait3A_264 = tpu.memref_slice %arg12[%run_scoped3A, %dma_wait3A_263] : memref<4x4096xf32, #tpu.memory_space<vmem>> -> memref<1x4096xf32, #tpu.memory_space<vmem>>
      %dma_wait3A_265 = tpu.memref_squeeze %dma_wait3A_264 : memref<1x4096xf32, #tpu.memory_space<vmem>> -> memref<4096xf32, #tpu.memory_space<vmem>>
      tpu.wait_dma2 semaphore(%run_scoped3A_241 : memref<!tpu.dma_semaphore, #tpu.memory_space<semaphore_mem>>) src(%dma_wait3A_265 : memref<4096xf32, #tpu.memory_space<vmem>>) dst(%dma_wait3A_262 : memref<4096xf32, #tpu.memory_space<hbm>>)
      tpu.yield
    }) : () -> ()
    %add3A_232 = arith.constant 32 : i32
    %add3A_233 = arith.addi %add3A, %add3A_232 : i32
    %run_scoped3A_234 = arith.constant 1 : i32
    "tpu.region"() ({
      %run_scoped3A_241 = tpu.sem_alloc : memref<!tpu.dma_semaphore, #tpu.memory_space<semaphore_mem>>
      %dma_start3A_242 = arith.constant 0 : i32
      %dma_start3A_243 = tpu.memref_slice %arg12[%run_scoped3A_234, %dma_start3A_242] : memref<4x4096xf32, #tpu.memory_space<vmem>> -> memref<1x4096xf32, #tpu.memory_space<vmem>>
      %dma_start3A_244 = tpu.memref_squeeze %dma_start3A_243 : memref<1x4096xf32, #tpu.memory_space<vmem>> -> memref<4096xf32, #tpu.memory_space<vmem>>
      %dma_start3A_245 = arith.constant 0 : i32
      %dma_start3A_246 = tpu.memref_slice %arg6[%add3A_233, %dma_start3A_245] : memref<64x4096xf32, #tpu.memory_space<hbm>> -> memref<1x4096xf32, #tpu.memory_space<hbm>>
      %dma_start3A_247 = tpu.memref_squeeze %dma_start3A_246 : memref<1x4096xf32, #tpu.memory_space<hbm>> -> memref<4096xf32, #tpu.memory_space<hbm>>
      %dma_start3A_248 = arith.constant 0 : i32
      %dma_start3A_249 = tpu.memref_slice %arg6[%add3A_233, %dma_start3A_248] : memref<64x4096xf32, #tpu.memory_space<hbm>> -> memref<1x4096xf32, #tpu.memory_space<hbm>>
      %dma_start3A_250 = tpu.memref_squeeze %dma_start3A_249 : memref<1x4096xf32, #tpu.memory_space<hbm>> -> memref<4096xf32, #tpu.memory_space<hbm>>
      %dma_start3A_251 = arith.constant 0 : i32
      %dma_start3A_252 = tpu.memref_slice %arg12[%run_scoped3A_234, %dma_start3A_251] : memref<4x4096xf32, #tpu.memory_space<vmem>> -> memref<1x4096xf32, #tpu.memory_space<vmem>>
      %dma_start3A_253 = tpu.memref_squeeze %dma_start3A_252 : memref<1x4096xf32, #tpu.memory_space<vmem>> -> memref<4096xf32, #tpu.memory_space<vmem>>
      tpu.enqueue_dma source(%dma_start3A_253 : memref<4096xf32, #tpu.memory_space<vmem>>) target(%dma_start3A_250 : memref<4096xf32, #tpu.memory_space<hbm>>) target_semaphore(%run_scoped3A_241 : memref<!tpu.dma_semaphore, #tpu.memory_space<semaphore_mem>>)
      %dma_wait3A_254 = arith.constant 0 : i32
      %dma_wait3A_255 = tpu.memref_slice %arg12[%run_scoped3A_234, %dma_wait3A_254] : memref<4x4096xf32, #tpu.memory_space<vmem>> -> memref<1x4096xf32, #tpu.memory_space<vmem>>
      %dma_wait3A_256 = tpu.memref_squeeze %dma_wait3A_255 : memref<1x4096xf32, #tpu.memory_space<vmem>> -> memref<4096xf32, #tpu.memory_space<vmem>>
      %dma_wait3A_257 = arith.constant 0 : i32
      %dma_wait3A_258 = tpu.memref_slice %arg6[%add3A_233, %dma_wait3A_257] : memref<64x4096xf32, #tpu.memory_space<hbm>> -> memref<1x4096xf32, #tpu.memory_space<hbm>>
      %dma_wait3A_259 = tpu.memref_squeeze %dma_wait3A_258 : memref<1x4096xf32, #tpu.memory_space<hbm>> -> memref<4096xf32, #tpu.memory_space<hbm>>
      %dma_wait3A_260 = arith.constant 0 : i32
      %dma_wait3A_261 = tpu.memref_slice %arg6[%add3A_233, %dma_wait3A_260] : memref<64x4096xf32, #tpu.memory_space<hbm>> -> memref<1x4096xf32, #tpu.memory_space<hbm>>
      %dma_wait3A_262 = tpu.memref_squeeze %dma_wait3A_261 : memref<1x4096xf32, #tpu.memory_space<hbm>> -> memref<4096xf32, #tpu.memory_space<hbm>>
      %dma_wait3A_263 = arith.constant 0 : i32
      %dma_wait3A_264 = tpu.memref_slice %arg12[%run_scoped3A_234, %dma_wait3A_263] : memref<4x4096xf32, #tpu.memory_space<vmem>> -> memref<1x4096xf32, #tpu.memory_space<vmem>>
      %dma_wait3A_265 = tpu.memref_squeeze %dma_wait3A_264 : memref<1x4096xf32, #tpu.memory_space<vmem>> -> memref<4096xf32, #tpu.memory_space<vmem>>
      tpu.wait_dma2 semaphore(%run_scoped3A_241 : memref<!tpu.dma_semaphore, #tpu.memory_space<semaphore_mem>>) src(%dma_wait3A_265 : memref<4096xf32, #tpu.memory_space<vmem>>) dst(%dma_wait3A_262 : memref<4096xf32, #tpu.memory_space<hbm>>)
      tpu.yield
    }) : () -> ()
    %add3A_235 = arith.constant 0 : i32
    %add3A_236 = arith.addi %add3A, %add3A_235 : i32
    %run_scoped3A_237 = arith.constant 2 : i32
    "tpu.region"() ({
      %run_scoped3A_241 = tpu.sem_alloc : memref<!tpu.dma_semaphore, #tpu.memory_space<semaphore_mem>>
      %dma_start3A_242 = arith.constant 0 : i32
      %dma_start3A_243 = tpu.memref_slice %arg12[%run_scoped3A_237, %dma_start3A_242] : memref<4x4096xf32, #tpu.memory_space<vmem>> -> memref<1x4096xf32, #tpu.memory_space<vmem>>
      %dma_start3A_244 = tpu.memref_squeeze %dma_start3A_243 : memref<1x4096xf32, #tpu.memory_space<vmem>> -> memref<4096xf32, #tpu.memory_space<vmem>>
      %dma_start3A_245 = arith.constant 0 : i32
      %dma_start3A_246 = tpu.memref_slice %arg7[%add3A_236, %dma_start3A_245] : memref<64x4096xf32, #tpu.memory_space<hbm>> -> memref<1x4096xf32, #tpu.memory_space<hbm>>
      %dma_start3A_247 = tpu.memref_squeeze %dma_start3A_246 : memref<1x4096xf32, #tpu.memory_space<hbm>> -> memref<4096xf32, #tpu.memory_space<hbm>>
      %dma_start3A_248 = arith.constant 0 : i32
      %dma_start3A_249 = tpu.memref_slice %arg7[%add3A_236, %dma_start3A_248] : memref<64x4096xf32, #tpu.memory_space<hbm>> -> memref<1x4096xf32, #tpu.memory_space<hbm>>
      %dma_start3A_250 = tpu.memref_squeeze %dma_start3A_249 : memref<1x4096xf32, #tpu.memory_space<hbm>> -> memref<4096xf32, #tpu.memory_space<hbm>>
      %dma_start3A_251 = arith.constant 0 : i32
      %dma_start3A_252 = tpu.memref_slice %arg12[%run_scoped3A_237, %dma_start3A_251] : memref<4x4096xf32, #tpu.memory_space<vmem>> -> memref<1x4096xf32, #tpu.memory_space<vmem>>
      %dma_start3A_253 = tpu.memref_squeeze %dma_start3A_252 : memref<1x4096xf32, #tpu.memory_space<vmem>> -> memref<4096xf32, #tpu.memory_space<vmem>>
      tpu.enqueue_dma source(%dma_start3A_253 : memref<4096xf32, #tpu.memory_space<vmem>>) target(%dma_start3A_250 : memref<4096xf32, #tpu.memory_space<hbm>>) target_semaphore(%run_scoped3A_241 : memref<!tpu.dma_semaphore, #tpu.memory_space<semaphore_mem>>)
      %dma_wait3A_254 = arith.constant 0 : i32
      %dma_wait3A_255 = tpu.memref_slice %arg12[%run_scoped3A_237, %dma_wait3A_254] : memref<4x4096xf32, #tpu.memory_space<vmem>> -> memref<1x4096xf32, #tpu.memory_space<vmem>>
      %dma_wait3A_256 = tpu.memref_squeeze %dma_wait3A_255 : memref<1x4096xf32, #tpu.memory_space<vmem>> -> memref<4096xf32, #tpu.memory_space<vmem>>
      %dma_wait3A_257 = arith.constant 0 : i32
      %dma_wait3A_258 = tpu.memref_slice %arg7[%add3A_236, %dma_wait3A_257] : memref<64x4096xf32, #tpu.memory_space<hbm>> -> memref<1x4096xf32, #tpu.memory_space<hbm>>
      %dma_wait3A_259 = tpu.memref_squeeze %dma_wait3A_258 : memref<1x4096xf32, #tpu.memory_space<hbm>> -> memref<4096xf32, #tpu.memory_space<hbm>>
      %dma_wait3A_260 = arith.constant 0 : i32
      %dma_wait3A_261 = tpu.memref_slice %arg7[%add3A_236, %dma_wait3A_260] : memref<64x4096xf32, #tpu.memory_space<hbm>> -> memref<1x4096xf32, #tpu.memory_space<hbm>>
      %dma_wait3A_262 = tpu.memref_squeeze %dma_wait3A_261 : memref<1x4096xf32, #tpu.memory_space<hbm>> -> memref<4096xf32, #tpu.memory_space<hbm>>
      %dma_wait3A_263 = arith.constant 0 : i32
      %dma_wait3A_264 = tpu.memref_slice %arg12[%run_scoped3A_237, %dma_wait3A_263] : memref<4x4096xf32, #tpu.memory_space<vmem>> -> memref<1x4096xf32, #tpu.memory_space<vmem>>
      %dma_wait3A_265 = tpu.memref_squeeze %dma_wait3A_264 : memref<1x4096xf32, #tpu.memory_space<vmem>> -> memref<4096xf32, #tpu.memory_space<vmem>>
      tpu.wait_dma2 semaphore(%run_scoped3A_241 : memref<!tpu.dma_semaphore, #tpu.memory_space<semaphore_mem>>) src(%dma_wait3A_265 : memref<4096xf32, #tpu.memory_space<vmem>>) dst(%dma_wait3A_262 : memref<4096xf32, #tpu.memory_space<hbm>>)
      tpu.yield
    }) : () -> ()
    %add3A_238 = arith.constant 32 : i32
    %add3A_239 = arith.addi %add3A, %add3A_238 : i32
    %run_scoped3A_240 = arith.constant 3 : i32
    "tpu.region"() ({
      %run_scoped3A_241 = tpu.sem_alloc : memref<!tpu.dma_semaphore, #tpu.memory_space<semaphore_mem>>
      %dma_start3A_242 = arith.constant 0 : i32
      %dma_start3A_243 = tpu.memref_slice %arg12[%run_scoped3A_240, %dma_start3A_242] : memref<4x4096xf32, #tpu.memory_space<vmem>> -> memref<1x4096xf32, #tpu.memory_space<vmem>>
      %dma_start3A_244 = tpu.memref_squeeze %dma_start3A_243 : memref<1x4096xf32, #tpu.memory_space<vmem>> -> memref<4096xf32, #tpu.memory_space<vmem>>
      %dma_start3A_245 = arith.constant 0 : i32
      %dma_start3A_246 = tpu.memref_slice %arg7[%add3A_239, %dma_start3A_245] : memref<64x4096xf32, #tpu.memory_space<hbm>> -> memref<1x4096xf32, #tpu.memory_space<hbm>>
      %dma_start3A_247 = tpu.memref_squeeze %dma_start3A_246 : memref<1x4096xf32, #tpu.memory_space<hbm>> -> memref<4096xf32, #tpu.memory_space<hbm>>
      %dma_start3A_248 = arith.constant 0 : i32
      %dma_start3A_249 = tpu.memref_slice %arg7[%add3A_239, %dma_start3A_248] : memref<64x4096xf32, #tpu.memory_space<hbm>> -> memref<1x4096xf32, #tpu.memory_space<hbm>>
      %dma_start3A_250 = tpu.memref_squeeze %dma_start3A_249 : memref<1x4096xf32, #tpu.memory_space<hbm>> -> memref<4096xf32, #tpu.memory_space<hbm>>
      %dma_start3A_251 = arith.constant 0 : i32
      %dma_start3A_252 = tpu.memref_slice %arg12[%run_scoped3A_240, %dma_start3A_251] : memref<4x4096xf32, #tpu.memory_space<vmem>> -> memref<1x4096xf32, #tpu.memory_space<vmem>>
      %dma_start3A_253 = tpu.memref_squeeze %dma_start3A_252 : memref<1x4096xf32, #tpu.memory_space<vmem>> -> memref<4096xf32, #tpu.memory_space<vmem>>
      tpu.enqueue_dma source(%dma_start3A_253 : memref<4096xf32, #tpu.memory_space<vmem>>) target(%dma_start3A_250 : memref<4096xf32, #tpu.memory_space<hbm>>) target_semaphore(%run_scoped3A_241 : memref<!tpu.dma_semaphore, #tpu.memory_space<semaphore_mem>>)
      %dma_wait3A_254 = arith.constant 0 : i32
      %dma_wait3A_255 = tpu.memref_slice %arg12[%run_scoped3A_240, %dma_wait3A_254] : memref<4x4096xf32, #tpu.memory_space<vmem>> -> memref<1x4096xf32, #tpu.memory_space<vmem>>
      %dma_wait3A_256 = tpu.memref_squeeze %dma_wait3A_255 : memref<1x4096xf32, #tpu.memory_space<vmem>> -> memref<4096xf32, #tpu.memory_space<vmem>>
      %dma_wait3A_257 = arith.constant 0 : i32
      %dma_wait3A_258 = tpu.memref_slice %arg7[%add3A_239, %dma_wait3A_257] : memref<64x4096xf32, #tpu.memory_space<hbm>> -> memref<1x4096xf32, #tpu.memory_space<hbm>>
      %dma_wait3A_259 = tpu.memref_squeeze %dma_wait3A_258 : memref<1x4096xf32, #tpu.memory_space<hbm>> -> memref<4096xf32, #tpu.memory_space<hbm>>
      %dma_wait3A_260 = arith.constant 0 : i32
      %dma_wait3A_261 = tpu.memref_slice %arg7[%add3A_239, %dma_wait3A_260] : memref<64x4096xf32, #tpu.memory_space<hbm>> -> memref<1x4096xf32, #tpu.memory_space<hbm>>
      %dma_wait3A_262 = tpu.memref_squeeze %dma_wait3A_261 : memref<1x4096xf32, #tpu.memory_space<hbm>> -> memref<4096xf32, #tpu.memory_space<hbm>>
      %dma_wait3A_263 = arith.constant 0 : i32
      %dma_wait3A_264 = tpu.memref_slice %arg12[%run_scoped3A_240, %dma_wait3A_263] : memref<4x4096xf32, #tpu.memory_space<vmem>> -> memref<1x4096xf32, #tpu.memory_space<vmem>>
      %dma_wait3A_265 = tpu.memref_squeeze %dma_wait3A_264 : memref<1x4096xf32, #tpu.memory_space<vmem>> -> memref<4096xf32, #tpu.memory_space<vmem>>
      tpu.wait_dma2 semaphore(%run_scoped3A_241 : memref<!tpu.dma_semaphore, #tpu.memory_space<semaphore_mem>>) src(%dma_wait3A_265 : memref<4096xf32, #tpu.memory_space<vmem>>) dst(%dma_wait3A_262 : memref<4096xf32, #tpu.memory_space<hbm>>)
      tpu.yield
    }) : () -> ()
    return
  }
}

module attributes {stable_mosaic.version = 14 : i64} {
  func.func @_mlp_t_body(%arg0: i32, %arg1: memref<64x1024xf32, #tpu.memory_space<vmem>>, %arg2: memref<64x1024xf32, #tpu.memory_space<vmem>>, %arg3: memref<64x256xf32, #tpu.memory_space<vmem>>, %arg4: memref<64x256xf32, #tpu.memory_space<vmem>>, %arg5: memref<256x1xf32, #tpu.memory_space<vmem>>, %arg6: memref<256x64xf32, #tpu.memory_space<vmem>>, %arg7: memref<64x1xf32, #tpu.memory_space<vmem>>, %arg8: memref<64x1xf32, #tpu.memory_space<vmem>>, %arg9: memref<1x1xf32, #tpu.memory_space<vmem>>, %arg10: memref<1x1024xf32, #tpu.memory_space<vmem>>) attributes {dimension_semantics = [#tpu.dimension_semantics<arbitrary>], iteration_bounds = array<i64: 4>, scalar_prefetch = 0 : i64, scratch_operands = 0 : i64, tpu.core_type = #tpu.core_type<tc>, window_params = [{transform_indices = @transform_0, window_bounds = array<i64: 64, 1024>}, {transform_indices = @transform_1, window_bounds = array<i64: 64, 1024>}, {pipeline_mode = #tpu.pipeline_mode<synchronous>, transform_indices = @transform_2, window_bounds = array<i64: 64, 256>}, {pipeline_mode = #tpu.pipeline_mode<synchronous>, transform_indices = @transform_3, window_bounds = array<i64: 64, 256>}, {pipeline_mode = #tpu.pipeline_mode<synchronous>, transform_indices = @transform_4, window_bounds = array<i64: 256, 1>}, {pipeline_mode = #tpu.pipeline_mode<synchronous>, transform_indices = @transform_5, window_bounds = array<i64: 256, 64>}, {pipeline_mode = #tpu.pipeline_mode<synchronous>, transform_indices = @transform_6, window_bounds = array<i64: 64, 1>}, {pipeline_mode = #tpu.pipeline_mode<synchronous>, transform_indices = @transform_7, window_bounds = array<i64: 64, 1>}, {pipeline_mode = #tpu.pipeline_mode<synchronous>, transform_indices = @transform_8, window_bounds = array<i64: 1, 1>}, {transform_indices = @transform_9, window_bounds = array<i64: 1, 1024>}]} {
    %get3A = arith.constant 0 : index
    %get3A_0 = arith.constant 0 : index
    %get3A_1 = vector.load %arg3[%get3A, %get3A_0] : memref<64x256xf32, #tpu.memory_space<vmem>>, vector<64x256xf32>
    %get3A_2 = arith.constant 0 : index
    %get3A_3 = arith.constant 0 : index
    %get3A_4 = vector.load %arg1[%get3A_2, %get3A_3] : memref<64x1024xf32, #tpu.memory_space<vmem>>, vector<64x1024xf32>
    %dot_general3A = arith.constant dense<0.000000e+00> : vector<256x1024xf32>
    %dot_general3A_5 = tpu.matmul %get3A_1, %get3A_4, %dot_general3A {dimension_numbers = #tpu.dot_dimension_numbers<[0], [0], [1], [1], [0, 1, 1, 1], [], []>, transpose_lhs_hint = false} : vector<64x256xf32>, vector<64x1024xf32>, vector<256x1024xf32> -> vector<256x1024xf32>
    %get3A_6 = arith.constant 0 : index
    %get3A_7 = arith.constant 0 : index
    %get3A_8 = vector.load %arg4[%get3A_6, %get3A_7] : memref<64x256xf32, #tpu.memory_space<vmem>>, vector<64x256xf32>
    %get3A_9 = arith.constant 0 : index
    %get3A_10 = arith.constant 0 : index
    %get3A_11 = vector.load %arg2[%get3A_9, %get3A_10] : memref<64x1024xf32, #tpu.memory_space<vmem>>, vector<64x1024xf32>
    %dot_general3A_12 = arith.constant dense<0.000000e+00> : vector<256x1024xf32>
    %dot_general3A_13 = tpu.matmul %get3A_8, %get3A_11, %dot_general3A_12 {dimension_numbers = #tpu.dot_dimension_numbers<[0], [0], [1], [1], [0, 1, 1, 1], [], []>, transpose_lhs_hint = false} : vector<64x256xf32>, vector<64x1024xf32>, vector<256x1024xf32> -> vector<256x1024xf32>
    %add3A = arith.addf %dot_general3A_5, %dot_general3A_13 : vector<256x1024xf32>
    %get3A_14 = arith.constant 0 : index
    %get3A_15 = arith.constant 0 : index
    %get3A_16 = vector.load %arg5[%get3A_14, %get3A_15] : memref<256x1xf32, #tpu.memory_space<vmem>>, vector<256x1xf32>
    %add3A_17 = vector.broadcast %get3A_16 : vector<256x1xf32> to vector<256x1024xf32>
    %add3A_18 = arith.addf %add3A, %add3A_17 : vector<256x1024xf32>
    %max3A = arith.constant 0.000000e+00 : f32
    %max3A_19 = vector.broadcast %max3A : f32 to vector<256x1024xf32>
    %max3A_20 = arith.maximumf %add3A_18, %max3A_19 : vector<256x1024xf32>
    %get3A_21 = arith.constant 0 : index
    %get3A_22 = arith.constant 0 : index
    %get3A_23 = vector.load %arg6[%get3A_21, %get3A_22] : memref<256x64xf32, #tpu.memory_space<vmem>>, vector<256x64xf32>
    %dot_general3A_24 = arith.constant dense<0.000000e+00> : vector<64x1024xf32>
    %dot_general3A_25 = tpu.matmul %get3A_23, %max3A_20, %dot_general3A_24 {dimension_numbers = #tpu.dot_dimension_numbers<[0], [0], [1], [1], [0, 1, 1, 1], [], []>, transpose_lhs_hint = false} : vector<256x64xf32>, vector<256x1024xf32>, vector<64x1024xf32> -> vector<64x1024xf32>
    %get3A_26 = arith.constant 0 : index
    %get3A_27 = arith.constant 0 : index
    %get3A_28 = vector.load %arg7[%get3A_26, %get3A_27] : memref<64x1xf32, #tpu.memory_space<vmem>>, vector<64x1xf32>
    %add3A_29 = vector.broadcast %get3A_28 : vector<64x1xf32> to vector<64x1024xf32>
    %add3A_30 = arith.addf %dot_general3A_25, %add3A_29 : vector<64x1024xf32>
    %max3A_31 = arith.constant 0.000000e+00 : f32
    %max3A_32 = vector.broadcast %max3A_31 : f32 to vector<64x1024xf32>
    %max3A_33 = arith.maximumf %add3A_30, %max3A_32 : vector<64x1024xf32>
    %get3A_34 = arith.constant 0 : index
    %get3A_35 = arith.constant 0 : index
    %get3A_36 = vector.load %arg8[%get3A_34, %get3A_35] : memref<64x1xf32, #tpu.memory_space<vmem>>, vector<64x1xf32>
    %dot_general3A_37 = arith.constant dense<0.000000e+00> : vector<1x1024xf32>
    %dot_general3A_38 = tpu.matmul %get3A_36, %max3A_33, %dot_general3A_37 {dimension_numbers = #tpu.dot_dimension_numbers<[0], [0], [1], [1], [0, 1, 1, 1], [], []>, transpose_lhs_hint = false} : vector<64x1xf32>, vector<64x1024xf32>, vector<1x1024xf32> -> vector<1x1024xf32>
    %get3A_39 = arith.constant 0 : index
    %get3A_40 = arith.constant 0 : index
    %get3A_41 = vector.load %arg9[%get3A_39, %get3A_40] : memref<1x1xf32, #tpu.memory_space<vmem>>, vector<1x1xf32>
    %add3A_42 = vector.broadcast %get3A_41 : vector<1x1xf32> to vector<1x1024xf32>
    %add3A_43 = arith.addf %dot_general3A_38, %add3A_42 : vector<1x1024xf32>
    %swap3A = arith.constant 0 : index
    %swap3A_44 = arith.constant 0 : index
    %swap3A_45 = vector.load %arg10[%swap3A, %swap3A_44] : memref<1x1024xf32, #tpu.memory_space<vmem>>, vector<1x1024xf32>
    tpu.vector_store %arg10[%swap3A, %swap3A_44], %add3A_43 {strides = array<i32>} : memref<1x1024xf32, #tpu.memory_space<vmem>>, vector<1x1024xf32>,
    return
  }
  func.func @transform_0(%arg0: i32) -> (i32, i32) {
    %c0_i32 = arith.constant 0 : i32
    %c0_i32_0 = arith.constant 0 : i32
    return %c0_i32, %arg0 : i32, i32
  }
  func.func @transform_1(%arg0: i32) -> (i32, i32) {
    %c0_i32 = arith.constant 0 : i32
    %c0_i32_0 = arith.constant 0 : i32
    return %c0_i32, %arg0 : i32, i32
  }
  func.func @transform_2(%arg0: i32) -> (i32, i32) {
    %c0_i32 = arith.constant 0 : i32
    %c0_i32_0 = arith.constant 0 : i32
    %c0_i32_1 = arith.constant 0 : i32
    return %c0_i32, %c0_i32_0 : i32, i32
  }
  func.func @transform_3(%arg0: i32) -> (i32, i32) {
    %c0_i32 = arith.constant 0 : i32
    %c0_i32_0 = arith.constant 0 : i32
    %c0_i32_1 = arith.constant 0 : i32
    return %c0_i32, %c0_i32_0 : i32, i32
  }
  func.func @transform_4(%arg0: i32) -> (i32, i32) {
    %c0_i32 = arith.constant 0 : i32
    %c0_i32_0 = arith.constant 0 : i32
    %c0_i32_1 = arith.constant 0 : i32
    return %c0_i32, %c0_i32_0 : i32, i32
  }
  func.func @transform_5(%arg0: i32) -> (i32, i32) {
    %c0_i32 = arith.constant 0 : i32
    %c0_i32_0 = arith.constant 0 : i32
    %c0_i32_1 = arith.constant 0 : i32
    return %c0_i32, %c0_i32_0 : i32, i32
  }
  func.func @transform_6(%arg0: i32) -> (i32, i32) {
    %c0_i32 = arith.constant 0 : i32
    %c0_i32_0 = arith.constant 0 : i32
    %c0_i32_1 = arith.constant 0 : i32
    return %c0_i32, %c0_i32_0 : i32, i32
  }
  func.func @transform_7(%arg0: i32) -> (i32, i32) {
    %c0_i32 = arith.constant 0 : i32
    %c0_i32_0 = arith.constant 0 : i32
    %c0_i32_1 = arith.constant 0 : i32
    return %c0_i32, %c0_i32_0 : i32, i32
  }
  func.func @transform_8(%arg0: i32) -> (i32, i32) {
    %c0_i32 = arith.constant 0 : i32
    %c0_i32_0 = arith.constant 0 : i32
    %c0_i32_1 = arith.constant 0 : i32
    return %c0_i32, %c0_i32_0 : i32, i32
  }
  func.func @transform_9(%arg0: i32) -> (i32, i32) {
    %c0_i32 = arith.constant 0 : i32
    %c0_i32_0 = arith.constant 0 : i32
    return %c0_i32, %arg0 : i32, i32
  }
}

</mosaic_0001>

<sc_bundles>
// kernel: kernel.4.cloned.1.call-start
scs
__scs_entry_jumppad:
0x0: {  	(pc) =	sbr.rel $0x88, $3  }
0x1: {  	(tag) =	ssettag $0x0;
	lr =	simm.s32 $0x1  }
0x2: {  	[smem:$0x3F97] =	sst lr;
	_ =	strace $0xD0000000  }
0x3: {  	_ = 	snop  }
0x4: {  	_ = 	snop  }
0x5: {  	_ = 	snop  }
0x6: {  	_ = 	snop  }
0x7: {  	_ = 	snop  }
__scs_overlays_trampoline_lowered:
0x8: {  	[smem:$0x3FA6] =	sst s0  }
0x9: {  	[smem:$0x3FA7] =	sst s1  }
0xa: {  	[smem:$0x3FA8] =	sst s2  }
0xb: {  	[smem:$0x3FA9] =	sst s3  }
0xc: {  	[smem:$0x3FAA] =	sst s4  }
0xd: {  	[smem:$0x3FAB] =	sst s5  }
0xe: {  	[smem:$0x3FAC] =	sst s6  }
0xf: {  	[smem:$0x3FAD] =	sst s7  }
0x10: {  	[smem:$0x3FAE] =	sst s8  }
0x11: {  	[smem:$0x3FAF] =	sst s9;
	s0 =	simm.s32 @!p0 $0x0  }
0x12: {  	s1 =	sld [smem:$0x3F95];
	s0 =	simm.s32 @p0 $0x1  }
0x13: {  	[smem:$0x3FB0] =	sst s0;
	s0 =	simm.s32 @!p1 $0x0  }
0x14: {  	s2 =	sld [smem:$0x3F94];
	s0 =	simm.s32 @p1 $0x1  }
0x15: {  	[smem:$0x3FB1] =	sst s0;
	s0 =	simm.s32 @!p2 $0x0  }
0x16: {  	s3 =	sld [smem:$0x3FDB];
	s0 =	simm.s32 @p2 $0x1  }
0x17: {  	s4 =	simm.s32 $0x1BF5;
	[smem:$0x3FB3] =	sst s0  }
0x18: {  	s0 =	sld [smem:$0x3F96];
	_ =	swait.ge [sflag:s4], $0x0  }
0x19: {  	s7 =	sld [smem:$0x3F97]  }
0x1a: {  	s8 =	sadd.s32 $0xFFFFE003, lr  }
0x1b: {  	s9 =	sadd.s32 $0xFFFFFEF7, lr;
	s5 =	simm.s32 $0xFFFFFFFF;
	p2 =	slt.u32 s8, $0xFFFFF086  }
0x1c: {  	p1 =	slt.u32 s9, $0xF7A;
	s5 =	simm.s32 @!p2 $0x0  }
0x1d: {  	s5 =	simm.s32 @p1 $0x1;
	p0 =	seq.s32 s7, s2  }
0x1e: {  	s7 =	smul.u32 @!p0 $0xF7A, s2;
	p2 =	seq.s32 @!p0 s5, $0x0  }
0x1f: {  	s9 =	smul.u32 $0xF7A, s1;
	s8 =	simm.s32 @!p0 $0x1BF5;
	p2 =	por !p2, p0  }
0x20: {  	[sflag:s8] =	ssyncset.s32 @!p0 $0xFFFFF086;
	s6 =	sadd.s32 @!p0 s3, s7;
	s7 =	simm.s32 @!p0 $0x108  }
0x21: {  	s3 =	sadd.s32 s3, s9;
	s6 =	sadd.s32 @!p0 $0x88, s6;
	s7 =	simm.s32 @p2 $0x1082  }
0x22: {  	[simem:s7], [sflag:s8] =	dma.local @!p0 [hbm:s6], $0xF7A  }
0x23: {  	s9 =	sor.u32 $0xD0000000, s2;
	s6 =	simm.s32 $0x108;
	_ =	swait.ge @!p0 [sflag:s8], $0x0  }
0x24: {  	s3 =	sadd.s32 $0x88, s3;
	s6 =	simm.s32 @!p1 $0x1082;
	[sflag:s4] =	ssyncset.s32 $0xFFFFF086  }
0x25: {  	[simem:s6], [sflag:s4] =	dma.local [hbm:s3], $0xF7A  }
0x26: {  	[smem:$0x3F97] =	sst s1;
	(tag) =	ssettag s2;
	_ =	strace s9  }
0x27: {  	s1 =	sld [smem:$0x3FA7]  }
0x28: {  	s2 =	sld [smem:$0x3FA8]  }
0x29: {  	s4 =	sld [smem:$0x3FAA]  }
0x2a: {  	p0 =	seq.s32 s5, $0x0;
	s5 =	sld [smem:$0x3FAB]  }
0x2b: {  	s6 =	sld [smem:$0x3FAC]  }
0x2c: {  	s7 =	sld [smem:$0x3FAD]  }
0x2d: {  	s3 =	simm.s32 $0x108;
	s8 =	sld [smem:$0x3FAE]  }
0x2e: {  	s3 =	simm.s32 @!p0 $0x1082;
	s9 =	sld [smem:$0x3FAF]  }
0x2f: {  	lr =	sadd.s32 s0, s3;
	s0 =	sld [smem:$0x3FA6]  }
0x30: {  	s3 =	sld [smem:$0x3FA9]  }
0x31: {  	[smem:$0x3FB2] =	sst s10  }
0x32: {  	s10 =	sld [smem:$0x3FB0];
	_ =	sdelay $0x3  }
0x33: {  	p0 =	seq.s32 s10, $0x1;
	s10 =	sld [smem:$0x3FB2];
	_ =	sdelay $0x3  }
0x34: {  	[smem:$0x3FB2] =	sst s10  }
0x35: {  	s10 =	sld [smem:$0x3FB1];
	_ =	sdelay $0x3  }
0x36: {  	p1 =	seq.s32 s10, $0x1;
	s10 =	sld [smem:$0x3FB2];
	_ =	sdelay $0x3  }
0x37: {  	[smem:$0x3FB2] =	sst s10  }
0x38: {  	s10 =	sld [smem:$0x3FB3]  }
0x39: {  	_ = 	snop;
	(pc) =	sbr.ind lr, $3  }
0x3a: {  	_ = 	snop  }
0x3b: {  	_ = 	snop  }
0x3c: {  	p2 =	seq.s32 s10, $0x1;
	s10 =	sld [smem:$0x3FB2]  }
0x3d: {  	_ =	shalt  }
0x3e: {  	_ =	shalt  }
0x3f: {  	_ =	shalt  }
0x40: {  	_ =	shalt  }
0x41: {  	_ =	shalt  }
0x42: {  	_ =	shalt  }
0x43: {  	_ =	shalt  }
0x44: {  	_ =	shalt  }
0x45: {  	_ =	shalt  }
0x46: {  	_ =	shalt  }
0x47: {  	_ =	shalt  }
0x48: {  	_ =	shalt  }
0x49: {  	_ =	shalt  }
0x4a: {  	_ =	shalt  }
0x4b: {  	_ =	shalt  }
0x4c: {  	_ =	shalt  }
0x4d: {  	_ =	shalt  }
0x4e: {  	_ =	shalt  }
0x4f: {  	_ =	shalt  }
0x50: {  	_ =	shalt  }
0x51: {  	_ =	shalt  }
0x52: {  	_ =	shalt  }
0x53: {  	_ =	shalt  }
0x54: {  	_ =	shalt  }
0x55: {  	_ =	shalt  }
0x56: {  	_ =	shalt  }
0x57: {  	_ =	shalt  }
0x58: {  	_ =	shalt  }
0x59: {  	_ =	shalt  }
0x5a: {  	_ =	shalt  }
0x5b: {  	_ =	shalt  }
0x5c: {  	_ =	shalt  }
0x5d: {  	_ =	shalt  }
0x5e: {  	_ =	shalt  }
0x5f: {  	_ =	shalt  }
0x60: {  	_ =	shalt  }
0x61: {  	_ =	shalt  }
0x62: {  	_ =	shalt  }
0x63: {  	_ =	shalt  }
0x64: {  	_ =	shalt  }
0x65: {  	_ =	shalt  }
0x66: {  	_ =	shalt  }
0x67: {  	_ =	shalt  }
0x68: {  	_ =	shalt  }
0x69: {  	_ =	shalt  }
0x6a: {  	_ =	shalt  }
0x6b: {  	_ =	shalt  }
0x6c: {  	_ =	shalt  }
0x6d: {  	_ =	shalt  }
0x6e: {  	_ =	shalt  }
0x6f: {  	_ =	shalt  }
0x70: {  	_ =	shalt  }
0x71: {  	_ =	shalt  }
0x72: {  	_ =	shalt  }
0x73: {  	_ =	shalt  }
0x74: {  	_ =	shalt  }
0x75: {  	_ =	shalt  }
0x76: {  	_ =	shalt  }
0x77: {  	_ =	shalt  }
0x78: {  	_ =	shalt  }
0x79: {  	_ =	shalt  }
0x7a: {  	_ =	shalt  }
0x7b: {  	_ =	shalt  }
0x7c: {  	_ =	shalt  }
0x7d: {  	_ =	shalt  }
0x7e: {  	_ =	shalt  }
0x7f: {  	_ =	shalt  }
0x80: {  	_ =	shalt  }
0x81: {  	_ =	shalt  }
0x82: {  	_ =	shalt  }
0x83: {  	_ =	shalt  }
0x84: {  	_ =	shalt  }
0x85: {  	_ =	shalt  }
0x86: {  	_ =	shalt  }
0x87: {  	_ =	shalt  }
.Lfunc_end0:
.L_simem_size_0:
called_computation_lowered:
.L_overlay_start_0:
0x88: {  	s2 =	sld [smem:$0x3FD9]  }
0x89: {  	s3 =	sld [smem:$0x3FFE];
	_ =	sdelay $0x1  }
0x8a: {  	s1 =	srdreg.scid  }
0x8b: {  	s0 =	sand.u32 $0x1, s1  }
0x8c: {  	s17 =	sshll.u32 s0, $0xA;
	s2 =	sadd.s32 s3, s2  }
0x8d: {  	s2 =	sadd.s32 s2, s17  }
0x8e: {  	[smem:$0x3FBE] =	sst s2  }
0x8f: {  	_ = 	snop  }
0x90: {  	s2 =	sld [smem:$0x3FC9]  }
0x91: {  	s18 =	sld [smem:$0x3FC8]  }
0x92: {  	s4 =	sld [smem:$0x3FC7]  }
0x93: {  	s5 =	sld [smem:$0x3FC6];
	(tm) =	ssettm $0x1  }
0x94: {  	s6 =	sld [smem:$0x3FFB];
	_ =	sdelay $0x3  }
0x95: {  	_ =	strace s6  }
0x96: {  	s6 =	sld [smem:$0x3FFC];
	_ =	sdelay $0x3  }
0x97: {  	_ =	strace s6  }
0x98: {  	s6 =	sld [smem:$0x3FFD];
	_ =	sdelay $0x3  }
0x99: {  	_ =	strace s6  }
0x9a: {  	_ =	strace $0x8FFFFFFF  }
0x9b: {  	s19 =	sld [smem:$0x3FDB];
	_ =	sdelay $0x1  }
0x9c: {  	s7 =	simm.s32 $_scs_section_size  }
0x9d: {  	s8 =	simm.s32 $_size__tile_overlayer_lowered;
	s9 =	simm.s32 $_tile_overlayer_lowered  }
0x9e: {  	s22 =	simm.s32 $0x1BFF;
	s21 =	sshll.u32 s9, $0x1;
	s6 =	sadd.s32 s7, s19  }
0x9f: {  	s10 =	simm.s32 $0x0;
	s20 =	sshll.u32 s8, $0x1;
	s8 =	sadd.s32 s21, s6  }
0xa0: {  	[timem:s10], [sflag:s22] =	dma.local [hbm:s8], s20  }
0xa1: {  	_ =	swait.ge [sflag:s22], s20  }
0xa2: {  	s7 =	ssub.s32 $0x0, s20;
	[sflag:s22] =	ssyncset.done $0x0  }
0xa3: {  	[sflag:s22] =	ssyncadd.s32 s7;
	_ =	sdelay $0x1  }
0xa4: {  	s23 =	simm.s32 $0x1B8B  }
0xa5: {  	_ =	swait.ge [sflag:s23], $0x1  }
0xa6: {  	[sflag:s23] =	ssyncset.done $0x0  }
0xa7: {  	s25 =	simm.s32 $0x1B8E;
	s24 =	sld [smem:$0x3FFE];
	[sflag:s23] =	ssyncadd.s32 $0xFFFFFFFF  }
0xa8: {  	s26 =	simm.s32 $execute0_lowered;
	[smem:$0x3FD2] =	sst s25  }
0xa9: {  	s8 =	sshll.u32 s26, $0x1;
	_ =	strace $0x80000046;
	[dreg:$0x1] =	wrdreg $0xFFFFFFFF  }
0xaa: {  	s28 =	simm.s32 $_size_execute0_lowered;
	s6 =	sadd.s32 s6, s8;
	[dreg:$0x0] =	wrdreg $0x0  }
0xab: {  	s8 =	sshll.u32 s28, $0x1;
	[dreg:$0x2] =	wrdreg s6  }
0xac: {  	[dreg:$0x3] =	wrdreg s8  }
0xad: {  	[dreg:$0x4] =	wrdreg $0xC0  }
0xae: {  	_ =	task [dreg:s10], $0x5FFFF  }
0xaf: {  	[dreg:$0x1] =	wrdreg $0xFFFFFFFF  }
0xb0: {  	[dreg:$0x0] =	wrdreg $0x60  }
0xb1: {  	[dreg:$0x2] =	wrdreg s2  }
0xb2: {  	[dreg:$0x3] =	wrdreg s18  }
0xb3: {  	[dreg:$0x4] =	wrdreg s4  }
0xb4: {  	[dreg:$0x5] =	wrdreg s5  }
0xb5: {  	[dreg:$0x6] =	wrdreg s24  }
0xb6: {  	[dreg:$0x7] =	wrdreg $0x9  }
0xb7: {  	_ =	task.clear_ibuf [dreg:s10], $0x8FFFF;
	_ =	strace $0x90000046  }
0xb8: {  	s29 =	simm.s32 $0x9;
	_ =	strace $0x80000048  }
0xb9: {  	_ =	swait.ge [sflag:s29], $0x1  }
0xba: {  	[sflag:s29] =	ssyncadd.s32 $0xFFFFFFFF  }
0xbb: {  	_ =	strace $0x90000048  }
0xbc: {  	_ =	sfence  }
0xbd: {  	s30 =	sld [smem:$0x0];
	_ =	sdelay $0x2  }
0xbe: {  	s31 =	sshll.u32 s1, $0xD;
	s1 =	sshrl.u32 s1, $0x2  }
0xbf: {  	s3 =	sand.u32 $0x4000, s31;
	s1 =	sadd.s32 s1, s30  }
0xc0: {  	s0 =	sor.u32 s3, s0;
	s1 =	sshll.u32 s1, $0x11  }
0xc1: {  	s0 =	sor.u32 s1, s0  }
0xc2: {  	s0 =	sadd.s32 $0x8F2B, s0  }
0xc3: {  	[sflag:s0] =	ssyncadd.remote.s32 $0x1  }
0xc4: {  	_ =	sfence.sel $0xFFFF  }
0xc5: {  	[dreg:$0x0] =	wrdreg $0xFFFFFFFF;
	(pc) =	sbr.abs _section_cstart, $3  }
0xc6: {  	[dreg:$0x1] =	wrdreg $0xFFFFFFFF  }
0xc7: {  	_ =	task.clear_ibuf [dreg:s10], $0x2FFFF;
	_ =	strace $0x9FFFFFFF  }
0xc8: {  	(tm) =	ssettm $0x7FFFFFFF  }
0xc9: {  	_ =	shalt  }
tec
execute0_lowered:
.L_overlay_start_1:
0x0: {  	(tag) =	ssettag $0x1  }
0x1: {  	s1 =	rddreg [dreg:$0x0]  }
0x2: {  	s2 =	rddreg [dreg:$0x1]  }
0x3: {  	s8 =	rddreg [dreg:$0x2]  }
0x4: {  	s12 =	rddreg [dreg:$0x3]  }
0x5: {  	s5 =	rddreg [dreg:$0x4]  }
0x6: {  	s0 =	rddreg [dreg:$0x5]  }
0x7: {  	s3 =	simm.s32 $0x0;
	s6 =	srdreg.scid;
	s4 =	stileid.u32  }
0x8: {  	s21 =	simm.s32 $0x400;
	s22 =	simm.s32 $0x2000;
	[smem:$0x7FF] =	sst s3  }
0x9: {  	s14 =	sadd.s32 $0x1800, s5;
	s6 =	sand.u32 $0x1, s6;
	s10 =	sshrl.u32 s4, $0x2  }
0xa: {  	s7 =	sshll.u32 s4, $0x8;
	s16 =	sadd.s32 $0x9800, s5;
	_ =	strace $0x80000047  }
0xb: {  	s9 =	sshll.u32 s6, $0x7;
	s7 =	sand.u32 $0x300, s7;
	s11 =	smul.u32 $0xC3800, s10  }
0xc: {  	s6 =	ssub.s32 $0x2, s6;
	s15 =	sor.u32 $0x4, s10;
	s30 =	sshll.u32 s10, $0xF  }
0xd: {  	s13 =	sor.u32 s9, s7;
	s23 =	sshrl.u32 s6, $0x1;
	s24 =	smul.u32 $0xC3800, s15  }
0xe: {  	s15 =	sshll.u32 s15, $0xF;
	s9 =	sor.u32 s11, s13;
	s17 =	ssub.s32 s6, s23  }
0xf: {  	s15 =	sor.u32 s13, s15;
	s23 =	simm.s32 $0xE400;
	s18 =	sshrl.u32 s9, $0x3  }
0x10: {  	s25 =	sadd.s32 $0x61800, s9;
	s26 =	sor.u32 s13, s24;
	s31 =	sshrl.u32 s15, $0x3  }
0x11: {  	s17 =	smax.u32 s17, $0x1;
	s24 =	simm.s32 $0x1;
	s5 =	sadd.s32 s8, s18  }
0x12: {  	s28 =	sshrl.u32 s25, $0x3;
	s19 =	sshrl.u32 s26, $0x3;
	s29 =	sadd.s32 $0x61800, s26  }
0x13: {  	s9 =	sadd.s32 s12, s18;
	s18 =	sor.u32 s30, s13;
	s25 =	simm.s32 $0x0  }
0x14: {  	s6 =	sadd.s32 s8, s28;
	s7 =	sadd.s32 s8, s19;
	s20 =	sshrl.u32 s29, $0x3  }
0x15: {  	s10 =	sadd.s32 s12, s28;
	s11 =	sadd.s32 s12, s19;
	s18 =	sshrl.u32 s18, $0x3  }
0x16: {  	s19 =	simm.s32 $0x1000;
	s8 =	sadd.s32 s8, s20;
	s12 =	sadd.s32 s12, s20  }
0x17: {  	s13 =	sadd.s32 s14, s18;
	s14 =	sadd.s32 s14, s31;
	s15 =	sadd.s32 s16, s18  }
0x18: {  	s16 =	sadd.s32 s16, s31;
	s18 =	simm.s32 $0x2;
	s20 =	simm.s32 $0x80  }
.LBB2_1:
0x19: {  	[tilespmem:s3], [sflag:$0x2] =	stream.linear.gather [hbm4b:s1+s3], $0x1000, $0x38;
	[tilespmem:$0x1E800] =	vst v63  }
0x1a: {  	_ =	swait.ge [sflag:s18], $0x1000  }
0x1b: {  	[sflag:s18] =	ssyncset.done $0x0  }
0x1c: {  	[sflag:s18] =	ssyncadd.s32 $0xFFFFF000  }
0x1d: {  	[tilespmem:s19], [sflag:$0x2] =	stream.linear.gather [hbm4b:s2+s3], $0x1000, $0x38;
	[tilespmem:$0x1E800] =	vst v63  }
0x1e: {  	_ =	swait.ge [sflag:s18], $0x1000  }
0x1f: {  	[sflag:s18] =	ssyncset.done $0x0  }
0x20: {  	[sflag:s18] =	ssyncadd.s32 $0xFFFFF000  }
0x21: {  	[tilespmem:s22], [sflag:$0x1] =	stream.strided.gather [hbm4b:s5+s20], $0xC300, s21, s20, $0x38;
	[tilespmem:$0x1E800] =	vst v63  }
0x22: {  	_ = 	snop  }
0x23: {  	[tilespmem:s23], [sflag:$0x1] =	stream.strided.gather [hbm4b:s6+s20], $0xC400, s21, s20, $0x38;
	[tilespmem:$0x1E800] =	vst v63  }
0x24: {  	_ =	swait.ge [sflag:s24], $0xC300  }
0x25: {  	[sflag:s24] =	ssyncset.done $0x0  }
0x26: {  	s26 =	simm.s32 $0x40;
	s28 =	simm.s32 $0x0;
	[sflag:s24] =	ssyncadd.s32 $0xFFFF3D00  }
.LBB2_2:
0x27: {  	v0 =	vld [tilespmem:s26+$0xFFFFFFC0];
	_ =	sdelay $0x4  }
0x28: {  	vm0 =	vlt.s32 v0, $0xC2FF  }
0x29: {  	v1 =	vnsel vm0, $0xC2FF, v0;
	_ =	sdelay $0x4  }
0x2a: {  	v1 =	vld.idx.msk [tilespmem:v1+s22+$0x0], $0xffff;
	_ =	sdelay $0x3  }
0x2b: {  	vm13 =	vlt.s32 v0, $0xC300  }
0x2c: {  	s29 =	sshra.s32 s28, $0x2;
	v0 =	vnsel vm13, $0x0, v1  }
0x2d: {  	[tilespmem:s29+$0x1A800] =	vst v0  }
0x2e: {  	v0 =	vld [tilespmem:s26+$0xFFFFFFD0];
	_ =	sdelay $0x4  }
0x2f: {  	vm14 =	vlt.s32 v0, $0xC2FF  }
0x30: {  	v57 =	vnsel vm14, $0xC2FF, v0;
	_ =	sdelay $0x4  }
0x31: {  	v1 =	vld.idx.msk [tilespmem:v57+s22+$0x0], $0xffff;
	_ =	sdelay $0x3  }
0x32: {  	vm15 =	vlt.s32 v0, $0xC300  }
0x33: {  	v0 =	vnsel vm15, $0x0, v1  }
0x34: {  	[tilespmem:s29+$0x1A810] =	vst v0  }
0x35: {  	v0 =	vld [tilespmem:s26+$0xFFFFFFE0];
	_ =	sdelay $0x4  }
0x36: {  	vm4 =	vlt.s32 v0, $0xC2FF  }
0x37: {  	v58 =	vnsel vm4, $0xC2FF, v0;
	_ =	sdelay $0x4  }
0x38: {  	v1 =	vld.idx.msk [tilespmem:v58+s22+$0x0], $0xffff;
	_ =	sdelay $0x3  }
0x39: {  	vm5 =	vlt.s32 v0, $0xC300  }
0x3a: {  	v0 =	vnsel vm5, $0x0, v1  }
0x3b: {  	[tilespmem:s29+$0x1A820] =	vst v0  }
0x3c: {  	v0 =	vld [tilespmem:s26+$0xFFFFFFF0];
	_ =	sdelay $0x4  }
0x3d: {  	vm6 =	vlt.s32 v0, $0xC2FF  }
0x3e: {  	v59 =	vnsel vm6, $0xC2FF, v0;
	_ =	sdelay $0x4  }
0x3f: {  	v1 =	vld.idx.msk [tilespmem:v59+s22+$0x0], $0xffff;
	_ =	sdelay $0x3  }
0x40: {  	vm7 =	vlt.s32 v0, $0xC300  }
0x41: {  	v0 =	vnsel vm7, $0x0, v1  }
0x42: {  	[tilespmem:s29+$0x1A830] =	vst v0  }
0x43: {  	v0 =	vld [tilespmem:s26+$0x0];
	_ =	sdelay $0x4  }
0x44: {  	vm8 =	vlt.s32 v0, $0xC2FF  }
0x45: {  	v60 =	vnsel vm8, $0xC2FF, v0;
	_ =	sdelay $0x4  }
0x46: {  	v1 =	vld.idx.msk [tilespmem:v60+s22+$0x0], $0xffff;
	_ =	sdelay $0x3  }
0x47: {  	vm9 =	vlt.s32 v0, $0xC300  }
0x48: {  	v0 =	vnsel vm9, $0x0, v1  }
0x49: {  	[tilespmem:s29+$0x1A840] =	vst v0  }
0x4a: {  	v0 =	vld [tilespmem:s26+$0x10];
	_ =	sdelay $0x4  }
0x4b: {  	vm10 =	vlt.s32 v0, $0xC2FF  }
0x4c: {  	v61 =	vnsel vm10, $0xC2FF, v0;
	_ =	sdelay $0x4  }
0x4d: {  	v1 =	vld.idx.msk [tilespmem:v61+s22+$0x0], $0xffff;
	_ =	sdelay $0x3  }
0x4e: {  	vm11 =	vlt.s32 v0, $0xC300  }
0x4f: {  	v0 =	vnsel vm11, $0x0, v1  }
0x50: {  	[tilespmem:s29+$0x1A850] =	vst v0  }
0x51: {  	v0 =	vld [tilespmem:s26+$0x20];
	_ =	sdelay $0x4  }
0x52: {  	vm12 =	vlt.s32 v0, $0xC2FF  }
0x53: {  	v62 =	vnsel vm12, $0xC2FF, v0;
	_ =	sdelay $0x4  }
0x54: {  	v1 =	vld.idx.msk [tilespmem:v62+s22+$0x0], $0xffff;
	_ =	sdelay $0x3  }
0x55: {  	vm13 =	vlt.s32 v0, $0xC300  }
0x56: {  	v0 =	vnsel vm13, $0x0, v1  }
0x57: {  	[tilespmem:s29+$0x1A860] =	vst v0  }
0x58: {  	v0 =	vld [tilespmem:s26+$0x30];
	_ =	sdelay $0x4  }
0x59: {  	vm14 =	vlt.s32 v0, $0xC2FF  }
0x5a: {  	v63 =	vnsel vm14, $0xC2FF, v0;
	_ =	sdelay $0x4  }
0x5b: {  	v1 =	vld.idx.msk [tilespmem:v63+s22+$0x0], $0xffff  }
0x5c: {  	p0 =	sne.s32 s28, $0xF800  }
.Ltmp0:
0x5d: {  	_ = 	snop;
	(pc) =	sbr.rel @p0 .LBB2_2-.Ltmp0, $4  }
0x5e: {  	_ = 	snop  }
0x5f: {  	vm15 =	vlt.s32 v0, $0xC300  }
0x60: {  	v0 =	vnsel vm15, $0x0, v1  }
0x61: {  	s28 =	sadd.s32 $0x800, s28;
	s26 =	sadd.s32 $0x80, s26;
	[tilespmem:s29+$0x1A870] =	vst v0  }
0x62: {  	[tilespmem:s22], [sflag:$0x1] =	stream.strided.gather [hbm4b:s7+s20], $0xC300, s21, s20, $0x38;
	[tilespmem:$0x1E800] =	vst v63  }
0x63: {  	_ =	swait.ge [sflag:s24], $0xC400  }
0x64: {  	[sflag:s24] =	ssyncset.done $0x0  }
0x65: {  	s26 =	simm.s32 $0x0;
	s28 =	simm.s32 $0x1A840;
	[sflag:s24] =	ssyncadd.s32 $0xFFFF3C00  }
.LBB2_4:
0x66: {  	s29 =	sshra.s32 s26, $0x2  }
0x67: {  	v0 =	vld [tilespmem:s29+$0x0];
	_ =	sdelay $0x4  }
0x68: {  	v1 =	vadd.s32 $0xFFFF3D00, v0  }
0x69: {  	vm0 =	vgt.s32 v1, $0x0  }
0x6a: {  	v1 =	vnsel vm0, $0x0, v1;
	_ =	sdelay $0x3  }
0x6b: {  	v2 =	vld [tilespmem:s28+$0xFFFFFFC0]  }
0x6c: {  	v1 =	vld.idx.msk [tilespmem:v1+s23+$0x0], $0xffff;
	_ =	sdelay $0x3  }
0x6d: {  	vm13 =	vgt.s32 v0, $0xC2FF  }
0x6e: {  	v0 =	vsel vm13, v1, v2  }
0x6f: {  	[tilespmem:s28+$0xFFFFFFC0] =	vst v0  }
0x70: {  	v0 =	vld [tilespmem:s29+$0x10];
	_ =	sdelay $0x4  }
0x71: {  	v50 =	vadd.s32 $0xFFFF3D00, v0  }
0x72: {  	vm14 =	vgt.s32 v50, $0x0  }
0x73: {  	v1 =	vnsel vm14, $0x0, v50;
	_ =	sdelay $0x3  }
0x74: {  	v51 =	vld [tilespmem:s28+$0xFFFFFFD0]  }
0x75: {  	v1 =	vld.idx.msk [tilespmem:v1+s23+$0x0], $0xffff;
	_ =	sdelay $0x3  }
0x76: {  	vm15 =	vgt.s32 v0, $0xC2FF  }
0x77: {  	v0 =	vsel vm15, v1, v51  }
0x78: {  	[tilespmem:s28+$0xFFFFFFD0] =	vst v0  }
0x79: {  	v0 =	vld [tilespmem:s29+$0x20];
	_ =	sdelay $0x4  }
0x7a: {  	v52 =	vadd.s32 $0xFFFF3D00, v0  }
0x7b: {  	vm4 =	vgt.s32 v52, $0x0  }
0x7c: {  	v1 =	vnsel vm4, $0x0, v52;
	_ =	sdelay $0x3  }
0x7d: {  	v53 =	vld [tilespmem:s28+$0xFFFFFFE0]  }
0x7e: {  	v1 =	vld.idx.msk [tilespmem:v1+s23+$0x0], $0xffff;
	_ =	sdelay $0x3  }
0x7f: {  	vm5 =	vgt.s32 v0, $0xC2FF  }
0x80: {  	v0 =	vsel vm5, v1, v53  }
0x81: {  	[tilespmem:s28+$0xFFFFFFE0] =	vst v0  }
0x82: {  	v0 =	vld [tilespmem:s29+$0x30];
	_ =	sdelay $0x4  }
0x83: {  	v54 =	vadd.s32 $0xFFFF3D00, v0  }
0x84: {  	vm6 =	vgt.s32 v54, $0x0  }
0x85: {  	v1 =	vnsel vm6, $0x0, v54;
	_ =	sdelay $0x3  }
0x86: {  	v55 =	vld [tilespmem:s28+$0xFFFFFFF0]  }
0x87: {  	v1 =	vld.idx.msk [tilespmem:v1+s23+$0x0], $0xffff;
	_ =	sdelay $0x3  }
0x88: {  	vm7 =	vgt.s32 v0, $0xC2FF  }
0x89: {  	v0 =	vsel vm7, v1, v55  }
0x8a: {  	[tilespmem:s28+$0xFFFFFFF0] =	vst v0  }
0x8b: {  	v0 =	vld [tilespmem:s29+$0x40];
	_ =	sdelay $0x4  }
0x8c: {  	v56 =	vadd.s32 $0xFFFF3D00, v0  }
0x8d: {  	vm8 =	vgt.s32 v56, $0x0  }
0x8e: {  	v1 =	vnsel vm8, $0x0, v56;
	_ =	sdelay $0x3  }
0x8f: {  	v57 =	vld [tilespmem:s28+$0x0]  }
0x90: {  	v1 =	vld.idx.msk [tilespmem:v1+s23+$0x0], $0xffff;
	_ =	sdelay $0x3  }
0x91: {  	vm9 =	vgt.s32 v0, $0xC2FF  }
0x92: {  	v0 =	vsel vm9, v1, v57  }
0x93: {  	[tilespmem:s28+$0x0] =	vst v0  }
0x94: {  	v0 =	vld [tilespmem:s29+$0x50];
	_ =	sdelay $0x4  }
0x95: {  	v58 =	vadd.s32 $0xFFFF3D00, v0  }
0x96: {  	vm10 =	vgt.s32 v58, $0x0  }
0x97: {  	v1 =	vnsel vm10, $0x0, v58;
	_ =	sdelay $0x3  }
0x98: {  	v59 =	vld [tilespmem:s28+$0x10]  }
0x99: {  	v1 =	vld.idx.msk [tilespmem:v1+s23+$0x0], $0xffff;
	_ =	sdelay $0x3  }
0x9a: {  	vm11 =	vgt.s32 v0, $0xC2FF  }
0x9b: {  	v0 =	vsel vm11, v1, v59  }
0x9c: {  	[tilespmem:s28+$0x10] =	vst v0  }
0x9d: {  	v0 =	vld [tilespmem:s29+$0x60];
	_ =	sdelay $0x4  }
0x9e: {  	v60 =	vadd.s32 $0xFFFF3D00, v0  }
0x9f: {  	vm12 =	vgt.s32 v60, $0x0  }
0xa0: {  	v1 =	vnsel vm12, $0x0, v60;
	_ =	sdelay $0x3  }
0xa1: {  	v61 =	vld [tilespmem:s28+$0x20]  }
0xa2: {  	v1 =	vld.idx.msk [tilespmem:v1+s23+$0x0], $0xffff;
	_ =	sdelay $0x3  }
0xa3: {  	vm13 =	vgt.s32 v0, $0xC2FF  }
0xa4: {  	v0 =	vsel vm13, v1, v61  }
0xa5: {  	[tilespmem:s28+$0x20] =	vst v0  }
0xa6: {  	v0 =	vld [tilespmem:s29+$0x70];
	_ =	sdelay $0x4  }
0xa7: {  	v62 =	vadd.s32 $0xFFFF3D00, v0  }
0xa8: {  	vm14 =	vgt.s32 v62, $0x0  }
0xa9: {  	v1 =	vnsel vm14, $0x0, v62;
	_ =	sdelay $0x3  }
0xaa: {  	v63 =	vld [tilespmem:s28+$0x30]  }
0xab: {  	v1 =	vld.idx.msk [tilespmem:v1+s23+$0x0], $0xffff  }
0xac: {  	p0 =	sne.s32 s26, $0x3E00  }
.Ltmp1:
0xad: {  	_ = 	snop;
	(pc) =	sbr.rel @p0 .LBB2_4-.Ltmp1, $4  }
0xae: {  	_ = 	snop  }
0xaf: {  	vm15 =	vgt.s32 v0, $0xC2FF  }
0xb0: {  	v0 =	vsel vm15, v1, v63  }
0xb1: {  	s26 =	sadd.s32 $0x200, s26;
	[tilespmem:s28+$0x30] =	vst v0;
	s28 =	sadd.s32 $0x200, s28  }
0xb2: {  	[tilespmem:s23], [sflag:$0x1] =	stream.strided.gather [hbm4b:s8+s20], $0xC400, s21, s20, $0x38;
	[tilespmem:$0x1E800] =	vst v63  }
0xb3: {  	_ =	swait.ge [sflag:s24], $0xC300  }
0xb4: {  	[sflag:s24] =	ssyncset.done $0x0  }
0xb5: {  	s26 =	simm.s32 $0x0;
	s28 =	simm.s32 $0x1A8F0;
	[sflag:s24] =	ssyncadd.s32 $0xFFFF3D00  }
.LBB2_6:
0xb6: {  	s29 =	sshra.s32 s26, $0x2  }
0xb7: {  	v0 =	vld [tilespmem:s29+$0x0];
	_ =	sdelay $0x4  }
0xb8: {  	vm0 =	vlt.s32 v0, $0xC2FF  }
0xb9: {  	v1 =	vnsel vm0, $0xC2FF, v0;
	_ =	sdelay $0x4  }
0xba: {  	v1 =	vld.idx.msk [tilespmem:v1+s22+$0x0], $0xffff;
	_ =	sdelay $0x3  }
0xbb: {  	vm13 =	vlt.s32 v0, $0xC300  }
0xbc: {  	v0 =	vnsel vm13, $0x0, v1  }
0xbd: {  	[tilespmem:s28+$0xFFFFFF90] =	vst v0  }
0xbe: {  	v0 =	vld [tilespmem:s29+$0x10];
	_ =	sdelay $0x4  }
0xbf: {  	vm14 =	vlt.s32 v0, $0xC2FF  }
0xc0: {  	v57 =	vnsel vm14, $0xC2FF, v0;
	_ =	sdelay $0x4  }
0xc1: {  	v1 =	vld.idx.msk [tilespmem:v57+s22+$0x0], $0xffff;
	_ =	sdelay $0x3  }
0xc2: {  	vm15 =	vlt.s32 v0, $0xC300  }
0xc3: {  	v0 =	vnsel vm15, $0x0, v1  }
0xc4: {  	[tilespmem:s28+$0xFFFFFFA0] =	vst v0  }
0xc5: {  	v0 =	vld [tilespmem:s29+$0x20];
	_ =	sdelay $0x4  }
0xc6: {  	vm4 =	vlt.s32 v0, $0xC2FF  }
0xc7: {  	v58 =	vnsel vm4, $0xC2FF, v0;
	_ =	sdelay $0x4  }
0xc8: {  	v1 =	vld.idx.msk [tilespmem:v58+s22+$0x0], $0xffff;
	_ =	sdelay $0x3  }
0xc9: {  	vm5 =	vlt.s32 v0, $0xC300  }
0xca: {  	v0 =	vnsel vm5, $0x0, v1  }
0xcb: {  	[tilespmem:s28+$0xFFFFFFB0] =	vst v0  }
0xcc: {  	v0 =	vld [tilespmem:s29+$0x30];
	_ =	sdelay $0x4  }
0xcd: {  	vm6 =	vlt.s32 v0, $0xC2FF  }
0xce: {  	v59 =	vnsel vm6, $0xC2FF, v0;
	_ =	sdelay $0x4  }
0xcf: {  	v1 =	vld.idx.msk [tilespmem:v59+s22+$0x0], $0xffff;
	_ =	sdelay $0x3  }
0xd0: {  	vm7 =	vlt.s32 v0, $0xC300  }
0xd1: {  	v0 =	vnsel vm7, $0x0, v1  }
0xd2: {  	[tilespmem:s28+$0xFFFFFFC0] =	vst v0  }
0xd3: {  	v0 =	vld [tilespmem:s29+$0x40];
	_ =	sdelay $0x4  }
0xd4: {  	vm8 =	vlt.s32 v0, $0xC2FF  }
0xd5: {  	v60 =	vnsel vm8, $0xC2FF, v0;
	_ =	sdelay $0x4  }
0xd6: {  	v1 =	vld.idx.msk [tilespmem:v60+s22+$0x0], $0xffff;
	_ =	sdelay $0x3  }
0xd7: {  	vm9 =	vlt.s32 v0, $0xC300  }
0xd8: {  	v0 =	vnsel vm9, $0x0, v1  }
0xd9: {  	[tilespmem:s28+$0xFFFFFFD0] =	vst v0  }
0xda: {  	v0 =	vld [tilespmem:s29+$0x50];
	_ =	sdelay $0x4  }
0xdb: {  	vm10 =	vlt.s32 v0, $0xC2FF  }
0xdc: {  	v61 =	vnsel vm10, $0xC2FF, v0;
	_ =	sdelay $0x4  }
0xdd: {  	v1 =	vld.idx.msk [tilespmem:v61+s22+$0x0], $0xffff;
	_ =	sdelay $0x3  }
0xde: {  	vm11 =	vlt.s32 v0, $0xC300  }
0xdf: {  	v0 =	vnsel vm11, $0x0, v1  }
0xe0: {  	[tilespmem:s28+$0xFFFFFFE0] =	vst v0  }
0xe1: {  	v0 =	vld [tilespmem:s29+$0x60];
	_ =	sdelay $0x4  }
0xe2: {  	vm12 =	vlt.s32 v0, $0xC2FF  }
0xe3: {  	v62 =	vnsel vm12, $0xC2FF, v0;
	_ =	sdelay $0x4  }
0xe4: {  	v1 =	vld.idx.msk [tilespmem:v62+s22+$0x0], $0xffff;
	_ =	sdelay $0x3  }
0xe5: {  	vm13 =	vlt.s32 v0, $0xC300  }
0xe6: {  	v0 =	vnsel vm13, $0x0, v1  }
0xe7: {  	[tilespmem:s28+$0xFFFFFFF0] =	vst v0  }
0xe8: {  	v0 =	vld [tilespmem:s29+$0x70];
	_ =	sdelay $0x4  }
0xe9: {  	vm14 =	vlt.s32 v0, $0xC2FF  }
0xea: {  	v63 =	vnsel vm14, $0xC2FF, v0;
	_ =	sdelay $0x4  }
0xeb: {  	v1 =	vld.idx.msk [tilespmem:v63+s22+$0x0], $0xffff  }
0xec: {  	p0 =	sne.s32 s26, $0x3E00  }
.Ltmp2:
0xed: {  	_ = 	snop;
	(pc) =	sbr.rel @p0 .LBB2_6-.Ltmp2, $4  }
0xee: {  	_ = 	snop  }
0xef: {  	vm15 =	vlt.s32 v0, $0xC300  }
0xf0: {  	v0 =	vnsel vm15, $0x0, v1  }
0xf1: {  	s26 =	sadd.s32 $0x200, s26;
	[tilespmem:s28+$0x0] =	vst v0;
	s28 =	sadd.s32 $0x200, s28  }
0xf2: {  	[tilespmem:s22], [sflag:$0x1] =	stream.strided.gather [hbm4b:s9+s20], $0xC300, s21, s20, $0x38;
	[tilespmem:$0x1E800] =	vst v63  }
0xf3: {  	_ =	swait.ge [sflag:s24], $0xC400  }
0xf4: {  	[sflag:s24] =	ssyncset.done $0x0  }
0xf5: {  	s26 =	simm.s32 $0x0;
	s28 =	simm.s32 $0x1A8F0;
	[sflag:s24] =	ssyncadd.s32 $0xFFFF3C00  }
.LBB2_8:
0xf6: {  	s29 =	sshra.s32 s26, $0x2  }
0xf7: {  	v0 =	vld [tilespmem:s29+$0x0];
	_ =	sdelay $0x4  }
0xf8: {  	v1 =	vadd.s32 $0xFFFF3D00, v0  }
0xf9: {  	vm0 =	vgt.s32 v1, $0x0  }
0xfa: {  	v1 =	vnsel vm0, $0x0, v1;
	_ =	sdelay $0x3  }
0xfb: {  	v2 =	vld [tilespmem:s28+$0xFFFFFF90]  }
0xfc: {  	v1 =	vld.idx.msk [tilespmem:v1+s23+$0x0], $0xffff;
	_ =	sdelay $0x3  }
0xfd: {  	vm13 =	vgt.s32 v0, $0xC2FF  }
0xfe: {  	v0 =	vsel vm13, v1, v2  }
0xff: {  	[tilespmem:s28+$0xFFFFFF90] =	vst v0  }
0x100: {  	v0 =	vld [tilespmem:s29+$0x10];
	_ =	sdelay $0x4  }
0x101: {  	v50 =	vadd.s32 $0xFFFF3D00, v0  }
0x102: {  	vm14 =	vgt.s32 v50, $0x0  }
0x103: {  	v1 =	vnsel vm14, $0x0, v50;
	_ =	sdelay $0x3  }
0x104: {  	v51 =	vld [tilespmem:s28+$0xFFFFFFA0]  }
0x105: {  	v1 =	vld.idx.msk [tilespmem:v1+s23+$0x0], $0xffff;
	_ =	sdelay $0x3  }
0x106: {  	vm15 =	vgt.s32 v0, $0xC2FF  }
0x107: {  	v0 =	vsel vm15, v1, v51  }
0x108: {  	[tilespmem:s28+$0xFFFFFFA0] =	vst v0  }
0x109: {  	v0 =	vld [tilespmem:s29+$0x20];
	_ =	sdelay $0x4  }
0x10a: {  	v52 =	vadd.s32 $0xFFFF3D00, v0  }
0x10b: {  	vm4 =	vgt.s32 v52, $0x0  }
0x10c: {  	v1 =	vnsel vm4, $0x0, v52;
	_ =	sdelay $0x3  }
0x10d: {  	v53 =	vld [tilespmem:s28+$0xFFFFFFB0]  }
0x10e: {  	v1 =	vld.idx.msk [tilespmem:v1+s23+$0x0], $0xffff;
	_ =	sdelay $0x3  }
0x10f: {  	vm5 =	vgt.s32 v0, $0xC2FF  }
0x110: {  	v0 =	vsel vm5, v1, v53  }
0x111: {  	[tilespmem:s28+$0xFFFFFFB0] =	vst v0  }
0x112: {  	v0 =	vld [tilespmem:s29+$0x30];
	_ =	sdelay $0x4  }
0x113: {  	v54 =	vadd.s32 $0xFFFF3D00, v0  }
0x114: {  	vm6 =	vgt.s32 v54, $0x0  }
0x115: {  	v1 =	vnsel vm6, $0x0, v54;
	_ =	sdelay $0x3  }
0x116: {  	v55 =	vld [tilespmem:s28+$0xFFFFFFC0]  }
0x117: {  	v1 =	vld.idx.msk [tilespmem:v1+s23+$0x0], $0xffff;
	_ =	sdelay $0x3  }
0x118: {  	vm7 =	vgt.s32 v0, $0xC2FF  }
0x119: {  	v0 =	vsel vm7, v1, v55  }
0x11a: {  	[tilespmem:s28+$0xFFFFFFC0] =	vst v0  }
0x11b: {  	v0 =	vld [tilespmem:s29+$0x40];
	_ =	sdelay $0x4  }
0x11c: {  	v56 =	vadd.s32 $0xFFFF3D00, v0  }
0x11d: {  	vm8 =	vgt.s32 v56, $0x0  }
0x11e: {  	v1 =	vnsel vm8, $0x0, v56;
	_ =	sdelay $0x3  }
0x11f: {  	v57 =	vld [tilespmem:s28+$0xFFFFFFD0]  }
0x120: {  	v1 =	vld.idx.msk [tilespmem:v1+s23+$0x0], $0xffff;
	_ =	sdelay $0x3  }
0x121: {  	vm9 =	vgt.s32 v0, $0xC2FF  }
0x122: {  	v0 =	vsel vm9, v1, v57  }
0x123: {  	[tilespmem:s28+$0xFFFFFFD0] =	vst v0  }
0x124: {  	v0 =	vld [tilespmem:s29+$0x50];
	_ =	sdelay $0x4  }
0x125: {  	v58 =	vadd.s32 $0xFFFF3D00, v0  }
0x126: {  	vm10 =	vgt.s32 v58, $0x0  }
0x127: {  	v1 =	vnsel vm10, $0x0, v58;
	_ =	sdelay $0x3  }
0x128: {  	v59 =	vld [tilespmem:s28+$0xFFFFFFE0]  }
0x129: {  	v1 =	vld.idx.msk [tilespmem:v1+s23+$0x0], $0xffff;
	_ =	sdelay $0x3  }
0x12a: {  	vm11 =	vgt.s32 v0, $0xC2FF  }
0x12b: {  	v0 =	vsel vm11, v1, v59  }
0x12c: {  	[tilespmem:s28+$0xFFFFFFE0] =	vst v0  }
0x12d: {  	v0 =	vld [tilespmem:s29+$0x60];
	_ =	sdelay $0x4  }
0x12e: {  	v60 =	vadd.s32 $0xFFFF3D00, v0  }
0x12f: {  	vm12 =	vgt.s32 v60, $0x0  }
0x130: {  	v1 =	vnsel vm12, $0x0, v60;
	_ =	sdelay $0x3  }
0x131: {  	v61 =	vld [tilespmem:s28+$0xFFFFFFF0]  }
0x132: {  	v1 =	vld.idx.msk [tilespmem:v1+s23+$0x0], $0xffff;
	_ =	sdelay $0x3  }
0x133: {  	vm13 =	vgt.s32 v0, $0xC2FF  }
0x134: {  	v0 =	vsel vm13, v1, v61  }
0x135: {  	[tilespmem:s28+$0xFFFFFFF0] =	vst v0  }
0x136: {  	v0 =	vld [tilespmem:s29+$0x70];
	_ =	sdelay $0x4  }
0x137: {  	v62 =	vadd.s32 $0xFFFF3D00, v0  }
0x138: {  	vm14 =	vgt.s32 v62, $0x0  }
0x139: {  	v1 =	vnsel vm14, $0x0, v62;
	_ =	sdelay $0x3  }
0x13a: {  	v63 =	vld [tilespmem:s28+$0x0]  }
0x13b: {  	v1 =	vld.idx.msk [tilespmem:v1+s23+$0x0], $0xffff  }
0x13c: {  	p0 =	sne.s32 s26, $0x3E00  }
.Ltmp3:
0x13d: {  	_ = 	snop;
	(pc) =	sbr.rel @p0 .LBB2_8-.Ltmp3, $4  }
0x13e: {  	_ = 	snop  }
0x13f: {  	vm15 =	vgt.s32 v0, $0xC2FF  }
0x140: {  	v0 =	vsel vm15, v1, v63  }
0x141: {  	s26 =	sadd.s32 $0x200, s26;
	[tilespmem:s28+$0x0] =	vst v0;
	s28 =	sadd.s32 $0x200, s28  }
0x142: {  	[tilespmem:s23], [sflag:$0x1] =	stream.strided.gather [hbm4b:s10+s20], $0xC400, s21, s20, $0x38;
	[tilespmem:$0x1E800] =	vst v63  }
0x143: {  	_ =	swait.ge [sflag:s24], $0xC300  }
0x144: {  	[sflag:s24] =	ssyncset.done $0x0  }
0x145: {  	s26 =	simm.s32 $0x0;
	s28 =	simm.s32 $0x1A970;
	[sflag:s24] =	ssyncadd.s32 $0xFFFF3D00  }
.LBB2_10:
0x146: {  	s29 =	sshra.s32 s26, $0x2  }
0x147: {  	v0 =	vld [tilespmem:s29+$0x1000];
	_ =	sdelay $0x4  }
0x148: {  	vm0 =	vlt.s32 v0, $0xC2FF  }
0x149: {  	v1 =	vnsel vm0, $0xC2FF, v0;
	_ =	sdelay $0x4  }
0x14a: {  	v1 =	vld.idx.msk [tilespmem:v1+s22+$0x0], $0xffff;
	_ =	sdelay $0x3  }
0x14b: {  	vm13 =	vlt.s32 v0, $0xC300  }
0x14c: {  	v0 =	vnsel vm13, $0x0, v1  }
0x14d: {  	[tilespmem:s28+$0xFFFFFF90] =	vst v0  }
0x14e: {  	v0 =	vld [tilespmem:s29+$0x1010];
	_ =	sdelay $0x4  }
0x14f: {  	vm14 =	vlt.s32 v0, $0xC2FF  }
0x150: {  	v57 =	vnsel vm14, $0xC2FF, v0;
	_ =	sdelay $0x4  }
0x151: {  	v1 =	vld.idx.msk [tilespmem:v57+s22+$0x0], $0xffff;
	_ =	sdelay $0x3  }
0x152: {  	vm15 =	vlt.s32 v0, $0xC300  }
0x153: {  	v0 =	vnsel vm15, $0x0, v1  }
0x154: {  	[tilespmem:s28+$0xFFFFFFA0] =	vst v0  }
0x155: {  	v0 =	vld [tilespmem:s29+$0x1020];
	_ =	sdelay $0x4  }
0x156: {  	vm4 =	vlt.s32 v0, $0xC2FF  }
0x157: {  	v58 =	vnsel vm4, $0xC2FF, v0;
	_ =	sdelay $0x4  }
0x158: {  	v1 =	vld.idx.msk [tilespmem:v58+s22+$0x0], $0xffff;
	_ =	sdelay $0x3  }
0x159: {  	vm5 =	vlt.s32 v0, $0xC300  }
0x15a: {  	v0 =	vnsel vm5, $0x0, v1  }
0x15b: {  	[tilespmem:s28+$0xFFFFFFB0] =	vst v0  }
0x15c: {  	v0 =	vld [tilespmem:s29+$0x1030];
	_ =	sdelay $0x4  }
0x15d: {  	vm6 =	vlt.s32 v0, $0xC2FF  }
0x15e: {  	v59 =	vnsel vm6, $0xC2FF, v0;
	_ =	sdelay $0x4  }
0x15f: {  	v1 =	vld.idx.msk [tilespmem:v59+s22+$0x0], $0xffff;
	_ =	sdelay $0x3  }
0x160: {  	vm7 =	vlt.s32 v0, $0xC300  }
0x161: {  	v0 =	vnsel vm7, $0x0, v1  }
0x162: {  	[tilespmem:s28+$0xFFFFFFC0] =	vst v0  }
0x163: {  	v0 =	vld [tilespmem:s29+$0x1040];
	_ =	sdelay $0x4  }
0x164: {  	vm8 =	vlt.s32 v0, $0xC2FF  }
0x165: {  	v60 =	vnsel vm8, $0xC2FF, v0;
	_ =	sdelay $0x4  }
0x166: {  	v1 =	vld.idx.msk [tilespmem:v60+s22+$0x0], $0xffff;
	_ =	sdelay $0x3  }
0x167: {  	vm9 =	vlt.s32 v0, $0xC300  }
0x168: {  	v0 =	vnsel vm9, $0x0, v1  }
0x169: {  	[tilespmem:s28+$0xFFFFFFD0] =	vst v0  }
0x16a: {  	v0 =	vld [tilespmem:s29+$0x1050];
	_ =	sdelay $0x4  }
0x16b: {  	vm10 =	vlt.s32 v0, $0xC2FF  }
0x16c: {  	v61 =	vnsel vm10, $0xC2FF, v0;
	_ =	sdelay $0x4  }
0x16d: {  	v1 =	vld.idx.msk [tilespmem:v61+s22+$0x0], $0xffff;
	_ =	sdelay $0x3  }
0x16e: {  	vm11 =	vlt.s32 v0, $0xC300  }
0x16f: {  	v0 =	vnsel vm11, $0x0, v1  }
0x170: {  	[tilespmem:s28+$0xFFFFFFE0] =	vst v0  }
0x171: {  	v0 =	vld [tilespmem:s29+$0x1060];
	_ =	sdelay $0x4  }
0x172: {  	vm12 =	vlt.s32 v0, $0xC2FF  }
0x173: {  	v62 =	vnsel vm12, $0xC2FF, v0;
	_ =	sdelay $0x4  }
0x174: {  	v1 =	vld.idx.msk [tilespmem:v62+s22+$0x0], $0xffff;
	_ =	sdelay $0x3  }
0x175: {  	vm13 =	vlt.s32 v0, $0xC300  }
0x176: {  	v0 =	vnsel vm13, $0x0, v1  }
0x177: {  	[tilespmem:s28+$0xFFFFFFF0] =	vst v0  }
0x178: {  	v0 =	vld [tilespmem:s29+$0x1070];
	_ =	sdelay $0x4  }
0x179: {  	vm14 =	vlt.s32 v0, $0xC2FF  }
0x17a: {  	v63 =	vnsel vm14, $0xC2FF, v0;
	_ =	sdelay $0x4  }
0x17b: {  	v1 =	vld.idx.msk [tilespmem:v63+s22+$0x0], $0xffff  }
0x17c: {  	p0 =	sne.s32 s26, $0x3E00  }
.Ltmp4:
0x17d: {  	_ = 	snop;
	(pc) =	sbr.rel @p0 .LBB2_10-.Ltmp4, $4  }
0x17e: {  	_ = 	snop  }
0x17f: {  	vm15 =	vlt.s32 v0, $0xC300  }
0x180: {  	v0 =	vnsel vm15, $0x0, v1  }
0x181: {  	s26 =	sadd.s32 $0x200, s26;
	[tilespmem:s28+$0x0] =	vst v0;
	s28 =	sadd.s32 $0x200, s28  }
0x182: {  	[tilespmem:s22], [sflag:$0x1] =	stream.strided.gather [hbm4b:s11+s20], $0xC300, s21, s20, $0x38;
	[tilespmem:$0x1E800] =	vst v63  }
0x183: {  	_ =	swait.ge [sflag:s24], $0xC400  }
0x184: {  	[sflag:s24] =	ssyncset.done $0x0  }
0x185: {  	s26 =	simm.s32 $0x0;
	s28 =	simm.s32 $0x1A970;
	[sflag:s24] =	ssyncadd.s32 $0xFFFF3C00  }
.LBB2_12:
0x186: {  	s29 =	sshra.s32 s26, $0x2  }
0x187: {  	v0 =	vld [tilespmem:s29+$0x1000];
	_ =	sdelay $0x4  }
0x188: {  	v1 =	vadd.s32 $0xFFFF3D00, v0  }
0x189: {  	vm0 =	vgt.s32 v1, $0x0  }
0x18a: {  	v1 =	vnsel vm0, $0x0, v1;
	_ =	sdelay $0x3  }
0x18b: {  	v2 =	vld [tilespmem:s28+$0xFFFFFF90]  }
0x18c: {  	v1 =	vld.idx.msk [tilespmem:v1+s23+$0x0], $0xffff;
	_ =	sdelay $0x3  }
0x18d: {  	vm13 =	vgt.s32 v0, $0xC2FF  }
0x18e: {  	v0 =	vsel vm13, v1, v2  }
0x18f: {  	[tilespmem:s28+$0xFFFFFF90] =	vst v0  }
0x190: {  	v0 =	vld [tilespmem:s29+$0x1010];
	_ =	sdelay $0x4  }
0x191: {  	v50 =	vadd.s32 $0xFFFF3D00, v0  }
0x192: {  	vm14 =	vgt.s32 v50, $0x0  }
0x193: {  	v1 =	vnsel vm14, $0x0, v50;
	_ =	sdelay $0x3  }
0x194: {  	v51 =	vld [tilespmem:s28+$0xFFFFFFA0]  }
0x195: {  	v1 =	vld.idx.msk [tilespmem:v1+s23+$0x0], $0xffff;
	_ =	sdelay $0x3  }
0x196: {  	vm15 =	vgt.s32 v0, $0xC2FF  }
0x197: {  	v0 =	vsel vm15, v1, v51  }
0x198: {  	[tilespmem:s28+$0xFFFFFFA0] =	vst v0  }
0x199: {  	v0 =	vld [tilespmem:s29+$0x1020];
	_ =	sdelay $0x4  }
0x19a: {  	v52 =	vadd.s32 $0xFFFF3D00, v0  }
0x19b: {  	vm4 =	vgt.s32 v52, $0x0  }
0x19c: {  	v1 =	vnsel vm4, $0x0, v52;
	_ =	sdelay $0x3  }
0x19d: {  	v53 =	vld [tilespmem:s28+$0xFFFFFFB0]  }
0x19e: {  	v1 =	vld.idx.msk [tilespmem:v1+s23+$0x0], $0xffff;
	_ =	sdelay $0x3  }
0x19f: {  	vm5 =	vgt.s32 v0, $0xC2FF  }
0x1a0: {  	v0 =	vsel vm5, v1, v53  }
0x1a1: {  	[tilespmem:s28+$0xFFFFFFB0] =	vst v0  }
0x1a2: {  	v0 =	vld [tilespmem:s29+$0x1030];
	_ =	sdelay $0x4  }
0x1a3: {  	v54 =	vadd.s32 $0xFFFF3D00, v0  }
0x1a4: {  	vm6 =	vgt.s32 v54, $0x0  }
0x1a5: {  	v1 =	vnsel vm6, $0x0, v54;
	_ =	sdelay $0x3  }
0x1a6: {  	v55 =	vld [tilespmem:s28+$0xFFFFFFC0]  }
0x1a7: {  	v1 =	vld.idx.msk [tilespmem:v1+s23+$0x0], $0xffff;
	_ =	sdelay $0x3  }
0x1a8: {  	vm7 =	vgt.s32 v0, $0xC2FF  }
0x1a9: {  	v0 =	vsel vm7, v1, v55  }
0x1aa: {  	[tilespmem:s28+$0xFFFFFFC0] =	vst v0  }
0x1ab: {  	v0 =	vld [tilespmem:s29+$0x1040];
	_ =	sdelay $0x4  }
0x1ac: {  	v56 =	vadd.s32 $0xFFFF3D00, v0  }
0x1ad: {  	vm8 =	vgt.s32 v56, $0x0  }
0x1ae: {  	v1 =	vnsel vm8, $0x0, v56;
	_ =	sdelay $0x3  }
0x1af: {  	v57 =	vld [tilespmem:s28+$0xFFFFFFD0]  }
0x1b0: {  	v1 =	vld.idx.msk [tilespmem:v1+s23+$0x0], $0xffff;
	_ =	sdelay $0x3  }
0x1b1: {  	vm9 =	vgt.s32 v0, $0xC2FF  }
0x1b2: {  	v0 =	vsel vm9, v1, v57  }
0x1b3: {  	[tilespmem:s28+$0xFFFFFFD0] =	vst v0  }
0x1b4: {  	v0 =	vld [tilespmem:s29+$0x1050];
	_ =	sdelay $0x4  }
0x1b5: {  	v58 =	vadd.s32 $0xFFFF3D00, v0  }
0x1b6: {  	vm10 =	vgt.s32 v58, $0x0  }
0x1b7: {  	v1 =	vnsel vm10, $0x0, v58;
	_ =	sdelay $0x3  }
0x1b8: {  	v59 =	vld [tilespmem:s28+$0xFFFFFFE0]  }
0x1b9: {  	v1 =	vld.idx.msk [tilespmem:v1+s23+$0x0], $0xffff;
	_ =	sdelay $0x3  }
0x1ba: {  	vm11 =	vgt.s32 v0, $0xC2FF  }
0x1bb: {  	v0 =	vsel vm11, v1, v59  }
0x1bc: {  	[tilespmem:s28+$0xFFFFFFE0] =	vst v0  }
0x1bd: {  	v0 =	vld [tilespmem:s29+$0x1060];
	_ =	sdelay $0x4  }
0x1be: {  	v60 =	vadd.s32 $0xFFFF3D00, v0  }
0x1bf: {  	vm12 =	vgt.s32 v60, $0x0  }
0x1c0: {  	v1 =	vnsel vm12, $0x0, v60;
	_ =	sdelay $0x3  }
0x1c1: {  	v61 =	vld [tilespmem:s28+$0xFFFFFFF0]  }
0x1c2: {  	v1 =	vld.idx.msk [tilespmem:v1+s23+$0x0], $0xffff;
	_ =	sdelay $0x3  }
0x1c3: {  	vm13 =	vgt.s32 v0, $0xC2FF  }
0x1c4: {  	v0 =	vsel vm13, v1, v61  }
0x1c5: {  	[tilespmem:s28+$0xFFFFFFF0] =	vst v0  }
0x1c6: {  	v0 =	vld [tilespmem:s29+$0x1070];
	_ =	sdelay $0x4  }
0x1c7: {  	v62 =	vadd.s32 $0xFFFF3D00, v0  }
0x1c8: {  	vm14 =	vgt.s32 v62, $0x0  }
0x1c9: {  	v1 =	vnsel vm14, $0x0, v62;
	_ =	sdelay $0x3  }
0x1ca: {  	v63 =	vld [tilespmem:s28+$0x0]  }
0x1cb: {  	v1 =	vld.idx.msk [tilespmem:v1+s23+$0x0], $0xffff  }
0x1cc: {  	p0 =	sne.s32 s26, $0x3E00  }
.Ltmp5:
0x1cd: {  	_ = 	snop;
	(pc) =	sbr.rel @p0 .LBB2_12-.Ltmp5, $4  }
0x1ce: {  	_ = 	snop  }
0x1cf: {  	vm15 =	vgt.s32 v0, $0xC2FF  }
0x1d0: {  	v0 =	vsel vm15, v1, v63  }
0x1d1: {  	s26 =	sadd.s32 $0x200, s26;
	[tilespmem:s28+$0x0] =	vst v0;
	s28 =	sadd.s32 $0x200, s28  }
0x1d2: {  	[tilespmem:s23], [sflag:$0x1] =	stream.strided.gather [hbm4b:s12+s20], $0xC400, s21, s20, $0x38;
	[tilespmem:$0x1E800] =	vst v63  }
0x1d3: {  	_ =	swait.ge [sflag:s24], $0xC300  }
0x1d4: {  	[sflag:s24] =	ssyncset.done $0x0  }
0x1d5: {  	s26 =	simm.s32 $0x0;
	s28 =	simm.s32 $0x1A9F0;
	[sflag:s24] =	ssyncadd.s32 $0xFFFF3D00  }
.LBB2_14:
0x1d6: {  	s29 =	sshra.s32 s26, $0x2  }
0x1d7: {  	v0 =	vld [tilespmem:s29+$0x1000];
	_ =	sdelay $0x4  }
0x1d8: {  	vm0 =	vlt.s32 v0, $0xC2FF  }
0x1d9: {  	v1 =	vnsel vm0, $0xC2FF, v0;
	_ =	sdelay $0x4  }
0x1da: {  	v1 =	vld.idx.msk [tilespmem:v1+s22+$0x0], $0xffff;
	_ =	sdelay $0x3  }
0x1db: {  	vm13 =	vlt.s32 v0, $0xC300  }
0x1dc: {  	v0 =	vnsel vm13, $0x0, v1  }
0x1dd: {  	[tilespmem:s28+$0xFFFFFF90] =	vst v0  }
0x1de: {  	v0 =	vld [tilespmem:s29+$0x1010];
	_ =	sdelay $0x4  }
0x1df: {  	vm14 =	vlt.s32 v0, $0xC2FF  }
0x1e0: {  	v57 =	vnsel vm14, $0xC2FF, v0;
	_ =	sdelay $0x4  }
0x1e1: {  	v1 =	vld.idx.msk [tilespmem:v57+s22+$0x0], $0xffff;
	_ =	sdelay $0x3  }
0x1e2: {  	vm15 =	vlt.s32 v0, $0xC300  }
0x1e3: {  	v0 =	vnsel vm15, $0x0, v1  }
0x1e4: {  	[tilespmem:s28+$0xFFFFFFA0] =	vst v0  }
0x1e5: {  	v0 =	vld [tilespmem:s29+$0x1020];
	_ =	sdelay $0x4  }
0x1e6: {  	vm4 =	vlt.s32 v0, $0xC2FF  }
0x1e7: {  	v58 =	vnsel vm4, $0xC2FF, v0;
	_ =	sdelay $0x4  }
0x1e8: {  	v1 =	vld.idx.msk [tilespmem:v58+s22+$0x0], $0xffff;
	_ =	sdelay $0x3  }
0x1e9: {  	vm5 =	vlt.s32 v0, $0xC300  }
0x1ea: {  	v0 =	vnsel vm5, $0x0, v1  }
0x1eb: {  	[tilespmem:s28+$0xFFFFFFB0] =	vst v0  }
0x1ec: {  	v0 =	vld [tilespmem:s29+$0x1030];
	_ =	sdelay $0x4  }
0x1ed: {  	vm6 =	vlt.s32 v0, $0xC2FF  }
0x1ee: {  	v59 =	vnsel vm6, $0xC2FF, v0;
	_ =	sdelay $0x4  }
0x1ef: {  	v1 =	vld.idx.msk [tilespmem:v59+s22+$0x0], $0xffff;
	_ =	sdelay $0x3  }
0x1f0: {  	vm7 =	vlt.s32 v0, $0xC300  }
0x1f1: {  	v0 =	vnsel vm7, $0x0, v1  }
0x1f2: {  	[tilespmem:s28+$0xFFFFFFC0] =	vst v0  }
0x1f3: {  	v0 =	vld [tilespmem:s29+$0x1040];
	_ =	sdelay $0x4  }
0x1f4: {  	vm8 =	vlt.s32 v0, $0xC2FF  }
0x1f5: {  	v60 =	vnsel vm8, $0xC2FF, v0;
	_ =	sdelay $0x4  }
0x1f6: {  	v1 =	vld.idx.msk [tilespmem:v60+s22+$0x0], $0xffff;
	_ =	sdelay $0x3  }
0x1f7: {  	vm9 =	vlt.s32 v0, $0xC300  }
0x1f8: {  	v0 =	vnsel vm9, $0x0, v1  }
0x1f9: {  	[tilespmem:s28+$0xFFFFFFD0] =	vst v0  }
0x1fa: {  	v0 =	vld [tilespmem:s29+$0x1050];
	_ =	sdelay $0x4  }
0x1fb: {  	vm10 =	vlt.s32 v0, $0xC2FF  }
0x1fc: {  	v61 =	vnsel vm10, $0xC2FF, v0;
	_ =	sdelay $0x4  }
0x1fd: {  	v1 =	vld.idx.msk [tilespmem:v61+s22+$0x0], $0xffff;
	_ =	sdelay $0x3  }
0x1fe: {  	vm11 =	vlt.s32 v0, $0xC300  }
0x1ff: {  	v0 =	vnsel vm11, $0x0, v1  }
0x200: {  	[tilespmem:s28+$0xFFFFFFE0] =	vst v0  }
0x201: {  	v0 =	vld [tilespmem:s29+$0x1060];
	_ =	sdelay $0x4  }
0x202: {  	vm12 =	vlt.s32 v0, $0xC2FF  }
0x203: {  	v62 =	vnsel vm12, $0xC2FF, v0;
	_ =	sdelay $0x4  }
0x204: {  	v1 =	vld.idx.msk [tilespmem:v62+s22+$0x0], $0xffff;
	_ =	sdelay $0x3  }
0x205: {  	vm13 =	vlt.s32 v0, $0xC300  }
0x206: {  	v0 =	vnsel vm13, $0x0, v1  }
0x207: {  	[tilespmem:s28+$0xFFFFFFF0] =	vst v0  }
0x208: {  	v0 =	vld [tilespmem:s29+$0x1070];
	_ =	sdelay $0x4  }
0x209: {  	vm14 =	vlt.s32 v0, $0xC2FF  }
0x20a: {  	v63 =	vnsel vm14, $0xC2FF, v0;
	_ =	sdelay $0x4  }
0x20b: {  	v1 =	vld.idx.msk [tilespmem:v63+s22+$0x0], $0xffff  }
0x20c: {  	p0 =	sne.s32 s26, $0x3E00  }
.Ltmp6:
0x20d: {  	_ = 	snop;
	(pc) =	sbr.rel @p0 .LBB2_14-.Ltmp6, $4  }
0x20e: {  	_ = 	snop  }
0x20f: {  	vm15 =	vlt.s32 v0, $0xC300  }
0x210: {  	v0 =	vnsel vm15, $0x0, v1  }
0x211: {  	s26 =	sadd.s32 $0x200, s26;
	[tilespmem:s28+$0x0] =	vst v0;
	s28 =	sadd.s32 $0x200, s28  }
0x212: {  	_ =	swait.ge [sflag:s24], $0xC400  }
0x213: {  	[sflag:s24] =	ssyncset.done $0x0  }
0x214: {  	s26 =	simm.s32 $0x0;
	s28 =	simm.s32 $0x1A9F0;
	[sflag:s24] =	ssyncadd.s32 $0xFFFF3C00  }
.LBB2_16:
0x215: {  	s29 =	sshra.s32 s26, $0x2  }
0x216: {  	v0 =	vld [tilespmem:s29+$0x1000];
	_ =	sdelay $0x4  }
0x217: {  	v1 =	vadd.s32 $0xFFFF3D00, v0  }
0x218: {  	vm0 =	vgt.s32 v1, $0x0  }
0x219: {  	v1 =	vnsel vm0, $0x0, v1;
	_ =	sdelay $0x3  }
0x21a: {  	v2 =	vld [tilespmem:s28+$0xFFFFFF90]  }
0x21b: {  	v1 =	vld.idx.msk [tilespmem:v1+s23+$0x0], $0xffff;
	_ =	sdelay $0x3  }
0x21c: {  	vm13 =	vgt.s32 v0, $0xC2FF  }
0x21d: {  	v0 =	vsel vm13, v1, v2  }
0x21e: {  	[tilespmem:s28+$0xFFFFFF90] =	vst v0  }
0x21f: {  	v0 =	vld [tilespmem:s29+$0x1010];
	_ =	sdelay $0x4  }
0x220: {  	v50 =	vadd.s32 $0xFFFF3D00, v0  }
0x221: {  	vm14 =	vgt.s32 v50, $0x0  }
0x222: {  	v1 =	vnsel vm14, $0x0, v50;
	_ =	sdelay $0x3  }
0x223: {  	v51 =	vld [tilespmem:s28+$0xFFFFFFA0]  }
0x224: {  	v1 =	vld.idx.msk [tilespmem:v1+s23+$0x0], $0xffff;
	_ =	sdelay $0x3  }
0x225: {  	vm15 =	vgt.s32 v0, $0xC2FF  }
0x226: {  	v0 =	vsel vm15, v1, v51  }
0x227: {  	[tilespmem:s28+$0xFFFFFFA0] =	vst v0  }
0x228: {  	v0 =	vld [tilespmem:s29+$0x1020];
	_ =	sdelay $0x4  }
0x229: {  	v52 =	vadd.s32 $0xFFFF3D00, v0  }
0x22a: {  	vm4 =	vgt.s32 v52, $0x0  }
0x22b: {  	v1 =	vnsel vm4, $0x0, v52;
	_ =	sdelay $0x3  }
0x22c: {  	v53 =	vld [tilespmem:s28+$0xFFFFFFB0]  }
0x22d: {  	v1 =	vld.idx.msk [tilespmem:v1+s23+$0x0], $0xffff;
	_ =	sdelay $0x3  }
0x22e: {  	vm5 =	vgt.s32 v0, $0xC2FF  }
0x22f: {  	v0 =	vsel vm5, v1, v53  }
0x230: {  	[tilespmem:s28+$0xFFFFFFB0] =	vst v0  }
0x231: {  	v0 =	vld [tilespmem:s29+$0x1030];
	_ =	sdelay $0x4  }
0x232: {  	v54 =	vadd.s32 $0xFFFF3D00, v0  }
0x233: {  	vm6 =	vgt.s32 v54, $0x0  }
0x234: {  	v1 =	vnsel vm6, $0x0, v54;
	_ =	sdelay $0x3  }
0x235: {  	v55 =	vld [tilespmem:s28+$0xFFFFFFC0]  }
0x236: {  	v1 =	vld.idx.msk [tilespmem:v1+s23+$0x0], $0xffff;
	_ =	sdelay $0x3  }
0x237: {  	vm7 =	vgt.s32 v0, $0xC2FF  }
0x238: {  	v0 =	vsel vm7, v1, v55  }
0x239: {  	[tilespmem:s28+$0xFFFFFFC0] =	vst v0  }
0x23a: {  	v0 =	vld [tilespmem:s29+$0x1040];
	_ =	sdelay $0x4  }
0x23b: {  	v56 =	vadd.s32 $0xFFFF3D00, v0  }
0x23c: {  	vm8 =	vgt.s32 v56, $0x0  }
0x23d: {  	v1 =	vnsel vm8, $0x0, v56;
	_ =	sdelay $0x3  }
0x23e: {  	v57 =	vld [tilespmem:s28+$0xFFFFFFD0]  }
0x23f: {  	v1 =	vld.idx.msk [tilespmem:v1+s23+$0x0], $0xffff;
	_ =	sdelay $0x3  }
0x240: {  	vm9 =	vgt.s32 v0, $0xC2FF  }
0x241: {  	v0 =	vsel vm9, v1, v57  }
0x242: {  	[tilespmem:s28+$0xFFFFFFD0] =	vst v0  }
0x243: {  	v0 =	vld [tilespmem:s29+$0x1050];
	_ =	sdelay $0x4  }
0x244: {  	v58 =	vadd.s32 $0xFFFF3D00, v0  }
0x245: {  	vm10 =	vgt.s32 v58, $0x0  }
0x246: {  	v1 =	vnsel vm10, $0x0, v58;
	_ =	sdelay $0x3  }
0x247: {  	v59 =	vld [tilespmem:s28+$0xFFFFFFE0]  }
0x248: {  	v1 =	vld.idx.msk [tilespmem:v1+s23+$0x0], $0xffff;
	_ =	sdelay $0x3  }
0x249: {  	vm11 =	vgt.s32 v0, $0xC2FF  }
0x24a: {  	v0 =	vsel vm11, v1, v59  }
0x24b: {  	[tilespmem:s28+$0xFFFFFFE0] =	vst v0  }
0x24c: {  	v0 =	vld [tilespmem:s29+$0x1060];
	_ =	sdelay $0x4  }
0x24d: {  	v60 =	vadd.s32 $0xFFFF3D00, v0  }
0x24e: {  	vm12 =	vgt.s32 v60, $0x0  }
0x24f: {  	v1 =	vnsel vm12, $0x0, v60;
	_ =	sdelay $0x3  }
0x250: {  	v61 =	vld [tilespmem:s28+$0xFFFFFFF0]  }
0x251: {  	v1 =	vld.idx.msk [tilespmem:v1+s23+$0x0], $0xffff;
	_ =	sdelay $0x3  }
0x252: {  	vm13 =	vgt.s32 v0, $0xC2FF  }
0x253: {  	v0 =	vsel vm13, v1, v61  }
0x254: {  	[tilespmem:s28+$0xFFFFFFF0] =	vst v0  }
0x255: {  	v0 =	vld [tilespmem:s29+$0x1070];
	_ =	sdelay $0x4  }
0x256: {  	v62 =	vadd.s32 $0xFFFF3D00, v0  }
0x257: {  	vm14 =	vgt.s32 v62, $0x0  }
0x258: {  	v1 =	vnsel vm14, $0x0, v62;
	_ =	sdelay $0x3  }
0x259: {  	v63 =	vld [tilespmem:s28+$0x0]  }
0x25a: {  	v1 =	vld.idx.msk [tilespmem:v1+s23+$0x0], $0xffff  }
0x25b: {  	p0 =	sne.s32 s26, $0x3E00  }
.Ltmp7:
0x25c: {  	_ = 	snop;
	(pc) =	sbr.rel @p0 .LBB2_16-.Ltmp7, $4  }
0x25d: {  	_ = 	snop  }
0x25e: {  	vm15 =	vgt.s32 v0, $0xC2FF  }
0x25f: {  	v0 =	vsel vm15, v1, v63  }
0x260: {  	s26 =	sadd.s32 $0x200, s26;
	[tilespmem:s28+$0x0] =	vst v0;
	s28 =	sadd.s32 $0x200, s28  }
0x261: {  	s26 =	simm.s32 $0x1A800  }
0x262: {  	s28 =	simm.s32 $0x80;
	s30 =	sadd.s32 $0x0, s13;
	s29 =	simm.s32 $0x1AA00  }
.LBB2_18:
0x263: {  	[hbm4b:s30+s3] =	stream.linear.scatter [tilespmem:s26], [sflag:$0x2], $0x80, $0x38;
	[tilespmem:$0x1E800] =	vst v63  }
0x264: {  	s30 =	smov.u32 s28;
	s26 =	smov.u32 s29;
	p0 =	sne.s32 s28, $0xF80  }
.Ltmp8:
0x265: {  	s28 =	sadd.s32 $0x80, s28;
	(pc) =	sbr.rel @p0 .LBB2_18-.Ltmp8, $2  }
0x266: {  	_ =	sdelay $0x2  }
0x267: {  	s29 =	sadd.s32 $0x200, s29;
	s30 =	sadd.s32 s30, s13  }
0x268: {  	[hbm4b:s30+s3] =	stream.linear.scatter [tilespmem:s26], [sflag:$0x2], $0x80, $0x38;
	[tilespmem:$0x1E800] =	vst v63  }
0x269: {  	_ =	swait.ge [sflag:s18], $0x1000  }
0x26a: {  	s26 =	simm.s32 $0x1A880;
	s28 =	simm.s32 $0x80;
	[sflag:s18] =	ssyncset.done $0x0  }
0x26b: {  	s30 =	sadd.s32 $0x0, s14;
	s29 =	simm.s32 $0x1AA80;
	[sflag:s18] =	ssyncadd.s32 $0xFFFFF000  }
.LBB2_20:
0x26c: {  	[hbm4b:s30+s3] =	stream.linear.scatter [tilespmem:s26], [sflag:$0x2], $0x80, $0x38;
	[tilespmem:$0x1E800] =	vst v63  }
0x26d: {  	s30 =	smov.u32 s28;
	s26 =	smov.u32 s29;
	p0 =	sne.s32 s28, $0xF80  }
.Ltmp9:
0x26e: {  	s28 =	sadd.s32 $0x80, s28;
	(pc) =	sbr.rel @p0 .LBB2_20-.Ltmp9, $2  }
0x26f: {  	_ =	sdelay $0x2  }
0x270: {  	s29 =	sadd.s32 $0x200, s29;
	s30 =	sadd.s32 s30, s14  }
0x271: {  	[hbm4b:s30+s3] =	stream.linear.scatter [tilespmem:s26], [sflag:$0x2], $0x80, $0x38;
	[tilespmem:$0x1E800] =	vst v63  }
0x272: {  	_ =	swait.ge [sflag:s18], $0x1000  }
0x273: {  	s26 =	simm.s32 $0x1A900;
	s28 =	simm.s32 $0x80;
	[sflag:s18] =	ssyncset.done $0x0  }
0x274: {  	s30 =	sadd.s32 $0x0, s15;
	s29 =	simm.s32 $0x1AB00;
	[sflag:s18] =	ssyncadd.s32 $0xFFFFF000  }
.LBB2_22:
0x275: {  	[hbm4b:s30+s3] =	stream.linear.scatter [tilespmem:s26], [sflag:$0x2], $0x80, $0x38;
	[tilespmem:$0x1E800] =	vst v63  }
0x276: {  	s30 =	smov.u32 s28;
	s26 =	smov.u32 s29;
	p0 =	sne.s32 s28, $0xF80  }
.Ltmp10:
0x277: {  	s28 =	sadd.s32 $0x80, s28;
	(pc) =	sbr.rel @p0 .LBB2_22-.Ltmp10, $2  }
0x278: {  	_ =	sdelay $0x2  }
0x279: {  	s29 =	sadd.s32 $0x200, s29;
	s30 =	sadd.s32 s30, s15  }
0x27a: {  	[hbm4b:s30+s3] =	stream.linear.scatter [tilespmem:s26], [sflag:$0x2], $0x80, $0x38;
	[tilespmem:$0x1E800] =	vst v63  }
0x27b: {  	_ =	swait.ge [sflag:s18], $0x1000  }
0x27c: {  	s26 =	simm.s32 $0x1A980;
	s28 =	simm.s32 $0x80;
	[sflag:s18] =	ssyncset.done $0x0  }
0x27d: {  	s30 =	sadd.s32 $0x0, s16;
	s29 =	simm.s32 $0x1AB80;
	[sflag:s18] =	ssyncadd.s32 $0xFFFFF000  }
.LBB2_24:
0x27e: {  	[hbm4b:s30+s3] =	stream.linear.scatter [tilespmem:s26], [sflag:$0x2], $0x80, $0x38;
	[tilespmem:$0x1E800] =	vst v63  }
0x27f: {  	s30 =	smov.u32 s28;
	s26 =	smov.u32 s29;
	p0 =	sne.s32 s28, $0xF80  }
.Ltmp11:
0x280: {  	s28 =	sadd.s32 $0x80, s28;
	(pc) =	sbr.rel @p0 .LBB2_24-.Ltmp11, $2  }
0x281: {  	_ =	sdelay $0x2  }
0x282: {  	s29 =	sadd.s32 $0x200, s29;
	s30 =	sadd.s32 s30, s16  }
0x283: {  	s25 =	sadd.s32 $0x1, s25  }
0x284: {  	p0 =	sne.s32 s25, s17  }
.Ltmp12:
0x285: {  	_ = 	snop;
	(pc) =	sbr.rel @p0 .LBB2_1-.Ltmp12, $4  }
0x286: {  	[hbm4b:s30+s3] =	stream.linear.scatter [tilespmem:s26], [sflag:$0x2], $0x80, $0x38;
	[tilespmem:$0x1E800] =	vst v63  }
0x287: {  	_ =	swait.ge [sflag:s18], $0x1000  }
0x288: {  	[sflag:s18] =	ssyncset.done $0x0  }
0x289: {  	[sflag:s18] =	ssyncadd.s32 $0xFFFFF000  }
0x28a: {  	_ =	sfence.sel $0x180000  }
0x28b: {  	[bflag:$0x0] =	sbarrier.arrive $0xFFFF  }
0x28c: {  	p0 =	sne.s32 s4, $0x0;
	_ =	strace $0x90000047  }
0x28d: {  	s0 =	sadd.s32 @!p0 $0x100000, s0;
	[bflag:$0x2] =	sbarrier.arrive $0xFFFF  }
0x28e: {  	[sflag:s0] =	ssyncadd.tile.s32 @!p0 $0x1;
	_ =	shalt  }
.Lfunc_end2:
_tile_overlayer_lowered:
.L_overlay_start_2:
0x28f: {  	(tag) =	ssettag $0x2  }
0x290: {  	s0 =	rddreg [dreg:$0x0];
	s2 =	stileid.u32  }
0x291: {  	s1 =	rddreg [dreg:$0x1];
	p0 =	sne.s32 s2, $0x0  }
0x292: {  	s3 =	rddreg [dreg:$0x2];
	[bflag:$0x3] =	sbarrier.arrive $0xFFFF;
	s2 =	simm.s32 @!p0 $0x1C02  }
0x293: {  	[timem:s3], [sflag:s2] =	dma.local @!p0 [hbm:s0], s1  }
0x294: {  	s0 =	simm.s32 @!p0 $0x2  }
0x295: {  	_ =	swait.ge @!p0 [sflag:s0], s1  }
0x296: {  	s1 =	ssub.s32 @!p0 $0x0, s1;
	[sflag:s0] =	ssyncset.done @!p0 $0x0  }
0x297: {  	[sflag:s0] =	ssyncadd.s32 @!p0 s1  }
0x298: {  	[bflag:$0x3] =	sbarrier.arrive $0xFFFF  }
0x299: {  	_ =	shalt  }

</sc_bundles>
